<compile_context>
chip_gen: v7x
topology: tpu7x:2x2x1
jax: 0.10.2.dev20260603
libtpu: 0.0.44.dev20260713+nightly
codegen_flags: <defaults>
</compile_context>

<pallas_src>
import functools

import jax
import jax.numpy as jnp
from jax import lax
from jax.experimental import pallas as pl
from jax.experimental.pallas import tpu as pltpu
from jax.experimental.pallas import tpu_sc as plsc

VOCAB = 400001
DIM = 300
B = 4096 * 50

NUM_CORES = 2
NUM_SUBCORES = 16
NW = NUM_CORES * NUM_SUBCORES
B_PER_W = B // NW
CHUNK = 128
N_CHUNKS = B_PER_W // CHUNK


def _build():
    mesh = plsc.VectorSubcoreMesh(core_axis_name="c", subcore_axis_name="s")

    @functools.partial(
        pl.kernel,
        mesh=mesh,
        out_type=jax.ShapeDtypeStruct((B, DIM), jnp.float32),
        scratch_types=[
            pltpu.VMEM((B_PER_W,), jnp.int32),
            pltpu.VMEM((2, CHUNK, DIM), jnp.float32),
            pltpu.SemaphoreType.DMA,
            pltpu.SemaphoreType.DMA,
            pltpu.SemaphoreType.DMA,
            pltpu.SemaphoreType.DMA,
        ],
    )
    def emb_kernel(ids_hbm, table_hbm, out_hbm, idx_v, rows_v, g0, g1, o0, o1):
        wid = lax.axis_index("s") * NUM_CORES + lax.axis_index("c")
        base = wid * B_PER_W
        pltpu.sync_copy(ids_hbm.at[pl.ds(base, B_PER_W)], idx_v)
        gsem = (g0, g1)
        osem = (o0, o1)

        def fire(ci, b):
            def vec(v):
                idx16 = idx_v[pl.ds(ci * CHUNK + v * 16, 16)]
                for l in range(16):
                    pltpu.async_copy(
                        table_hbm.at[pl.ds(idx16[l], 1)],
                        rows_v.at[b].at[pl.ds(v * 16 + l, 1)],
                        gsem[b],
                    )

            pl.loop(0, CHUNK // 16)(vec)

        def drain_gathers(b):
            pltpu.make_async_copy(
                out_hbm.at[pl.ds(0, CHUNK)], rows_v.at[b], gsem[b]
            ).wait()

        def drain_write(b):
            pltpu.make_async_copy(
                out_hbm.at[pl.ds(0, CHUNK)], rows_v.at[b], osem[b]
            ).wait()

        def write(ci, b):
            pltpu.async_copy(
                rows_v.at[b], out_hbm.at[pl.ds(base + ci * CHUNK, CHUNK)], osem[b]
            )

        fire(0, 0)

        def body(h):
            ci0 = 2 * h
            pl.when(h >= 1)(lambda: drain_write(1))
            fire(ci0 + 1, 1)
            drain_gathers(0)
            write(ci0, 0)
            @pl.when(h < N_CHUNKS // 2 - 1)
            def _():
                drain_write(0)
                fire(ci0 + 2, 0)

            drain_gathers(1)
            write(ci0 + 1, 1)

        pl.loop(0, N_CHUNKS // 2)(body)
        drain_write(0)
        drain_write(1)

    return emb_kernel


_emb = _build()


@jax.jit
def kernel(word_ids, table):
    ids_flat = word_ids.reshape(B).astype(jnp.int32)
    out = _emb(ids_flat, table)
    return out.reshape(word_ids.shape + (DIM,))

# --- scband reference (transcript-rebuilt; emitter-appended) ---
"""Pipeline reference for scband-word-embedding-919123001832 (READ-ONLY COPY).

The authoritative reference and input builder live on the scoring server;
editing this copy changes nothing except your own understanding.
"""

import jax, jax.numpy as jnp
import numpy as np

VOCAB = 400001  # GloVe 400k + 1 padding row at index 0
DIM = 300
BATCH = 4096
SEQ = 50


def setup_inputs(seed: int = 0) -> dict:
    key = jax.random.key(seed)
    k1, k2 = jax.random.split(key)
    word_ids = jax.random.randint(k1, (BATCH, SEQ), 0, VOCAB - 1)
    table = jax.random.normal(k2, (VOCAB, DIM), dtype=jnp.float32) * 0.02
    # padding_idx=0 -> embedding row 0 is zeros (F.pad of pretrained GloVe)
    table = table.at[0].set(0.0)
    return {"word_ids": word_ids, "table": table}


def reference(word_ids, table):
    # torch.nn.Embedding forward == row gather from the table
    return jnp.take(table, word_ids, axis=0)

if __name__ == "__main__":
    import jax
    _d = setup_inputs()
    print(jax.jit(kernel)(*tuple(_d.values())))

</pallas_src>

<mosaic_0001>
#map = affine_map<(d0, d1) -> (0)>
#map1 = affine_map<(d0, d1) -> (0, 0)>
module attributes {stable_mosaic.version = 14 : i64} {
  func.func @emb_kernel(%arg0: i32, %arg1: i32, %arg2: memref<204800xi32, #tpu.memory_space<hbm>>, %arg3: memref<400001x300xf32, #tpu.memory_space<hbm>>, %arg4: memref<204800x300xf32, #tpu.memory_space<hbm>>, %arg5: memref<6400xi32, #tpu.memory_space<vmem>>, %arg6: memref<2x128x300xf32, #tpu.memory_space<vmem>>, %arg7: memref<!tpu.dma_semaphore, #tpu.memory_space<semaphore_mem>>, %arg8: memref<!tpu.dma_semaphore, #tpu.memory_space<semaphore_mem>>, %arg9: memref<!tpu.dma_semaphore, #tpu.memory_space<semaphore_mem>>, %arg10: memref<!tpu.dma_semaphore, #tpu.memory_space<semaphore_mem>>) attributes {dimension_semantics = [#tpu.dimension_semantics<core_parallel>, #tpu.dimension_semantics<subcore_parallel>], iteration_bounds = array<i64: 2, 16>, scalar_prefetch = 0 : i64, scratch_operands = 6 : i64, tpu.core_type = #tpu.core_type<sc_vector_subcore>, window_params = [{transform_indices = #map}, {transform_indices = #map1}, {transform_indices = #map1}]} {
    %mul3A = arith.constant 2 : i32
    %mul3A_0 = arith.muli %arg1, %mul3A : i32
    %add3A = arith.addi %mul3A_0, %arg0 : i32
    %mul3A_1 = arith.constant 6400 : i32
    %mul3A_2 = arith.muli %add3A, %mul3A_1 : i32
    "tpu.region"() ({
      %run_scoped3A = tpu.sem_alloc : memref<!tpu.dma_semaphore, #tpu.memory_space<semaphore_mem>>
      %dma_start3A = tpu.memref_slice %arg2[%mul3A_2] : memref<204800xi32, #tpu.memory_space<hbm>> -> memref<6400xi32, #tpu.memory_space<hbm>>
      %dma_start3A_41 = tpu.memref_slice %arg2[%mul3A_2] : memref<204800xi32, #tpu.memory_space<hbm>> -> memref<6400xi32, #tpu.memory_space<hbm>>
      tpu.enqueue_dma source(%dma_start3A_41 : memref<6400xi32, #tpu.memory_space<hbm>>) target(%arg5 : memref<6400xi32, #tpu.memory_space<vmem>>) target_semaphore(%run_scoped3A : memref<!tpu.dma_semaphore, #tpu.memory_space<semaphore_mem>>)
      %dma_wait3A_42 = tpu.memref_slice %arg2[%mul3A_2] : memref<204800xi32, #tpu.memory_space<hbm>> -> memref<6400xi32, #tpu.memory_space<hbm>>
      %dma_wait3A_43 = tpu.memref_slice %arg2[%mul3A_2] : memref<204800xi32, #tpu.memory_space<hbm>> -> memref<6400xi32, #tpu.memory_space<hbm>>
      tpu.wait_dma2 semaphore(%run_scoped3A : memref<!tpu.dma_semaphore, #tpu.memory_space<semaphore_mem>>) src(%dma_wait3A_43 : memref<6400xi32, #tpu.memory_space<hbm>>) dst(%arg5 : memref<6400xi32, #tpu.memory_space<vmem>>)
      tpu.yield
    }) : () -> ()
    %scan3A = arith.constant 0 : i32
    %scan3A_3 = arith.constant 8 : i32
    %scan3A_4 = arith.addi %scan3A, %scan3A_3 : i32
    %scan3A_5 = arith.constant 1 : i32
    scf.for %scan3A_41 = %scan3A to %scan3A_4 step %scan3A_5  : i32 {
      %mul3A_42 = arith.constant 1 : i32
      %mul3A_43 = arith.muli %scan3A_41, %mul3A_42 : i32
      %add3A_44 = arith.constant 0 : i32
      %add3A_45 = arith.addi %add3A_44, %mul3A_43 : i32
      %mul3A_46 = arith.constant 16 : i32
      %mul3A_47 = arith.muli %add3A_45, %mul3A_46 : i32
      %add3A_48 = arith.constant 0 : i32
      %add3A_49 = arith.addi %add3A_48, %mul3A_47 : i32
      %get3A = arith.index_cast %add3A_49 : i32 to index
      %get3A_50 = tpu.vector_load %arg5[%get3A] {strides = array<i32>} : memref<6400xi32, #tpu.memory_space<vmem>>, vector<16xi32>,
      %get3A_51 = vector.shape_cast %get3A_50 : vector<16xi32> to vector<16xi32>
      %slice3A = vector.extract_strided_slice %get3A_51 {offsets = [0], sizes = [1], strides = [1]} : vector<16xi32> to vector<1xi32>
      %squeeze3A = vector.extract %slice3A[0] : i32 from vector<1xi32>
      %mul3A_52 = arith.constant 16 : i32
      %mul3A_53 = arith.muli %add3A_45, %mul3A_52 : i32
      %add3A_54 = arith.constant 0 : i32
      %add3A_55 = arith.addi %mul3A_53, %add3A_54 : i32
      %dma_start3A = arith.constant 0 : i32
      %dma_start3A_56 = arith.constant 0 : i32
      %dma_start3A_57 = arith.constant 0 : i32
      %dma_start3A_58 = tpu.memref_slice %arg6[%dma_start3A, %dma_start3A_56, %dma_start3A_57] : memref<2x128x300xf32, #tpu.memory_space<vmem>> -> memref<1x128x300xf32, #tpu.memory_space<vmem>>
      %dma_start3A_59 = tpu.memref_squeeze %dma_start3A_58 : memref<1x128x300xf32, #tpu.memory_space<vmem>> -> memref<128x300xf32, #tpu.memory_space<vmem>>
      %dma_start3A_60 = arith.constant 0 : i32
      %dma_start3A_61 = tpu.memref_slice %dma_start3A_59[%add3A_55, %dma_start3A_60] : memref<128x300xf32, #tpu.memory_space<vmem>> -> memref<1x300xf32, #tpu.memory_space<vmem>>
      %dma_start3A_62 = arith.constant 0 : i32
      %dma_start3A_63 = tpu.memref_slice %arg3[%squeeze3A, %dma_start3A_62] : memref<400001x300xf32, #tpu.memory_space<hbm>> -> memref<1x300xf32, #tpu.memory_space<hbm>>
      %dma_start3A_64 = arith.constant 0 : i32
      %dma_start3A_65 = arith.constant 0 : i32
      %dma_start3A_66 = tpu.memref_slice %arg6[%dma_start3A, %dma_start3A_64, %dma_start3A_65] : memref<2x128x300xf32, #tpu.memory_space<vmem>> -> memref<1x128x300xf32, #tpu.memory_space<vmem>>
      %dma_start3A_67 = tpu.memref_squeeze %dma_start3A_66 : memref<1x128x300xf32, #tpu.memory_space<vmem>> -> memref<128x300xf32, #tpu.memory_space<vmem>>
      %dma_start3A_68 = arith.constant 0 : i32
      %dma_start3A_69 = tpu.memref_slice %dma_start3A_67[%add3A_55, %dma_start3A_68] : memref<128x300xf32, #tpu.memory_space<vmem>> -> memref<1x300xf32, #tpu.memory_space<vmem>>
      %dma_start3A_70 = arith.constant 0 : i32
      %dma_start3A_71 = tpu.memref_slice %arg3[%squeeze3A, %dma_start3A_70] : memref<400001x300xf32, #tpu.memory_space<hbm>> -> memref<1x300xf32, #tpu.memory_space<hbm>>
      tpu.enqueue_dma source(%dma_start3A_71 : memref<1x300xf32, #tpu.memory_space<hbm>>) target(%dma_start3A_69 : memref<1x300xf32, #tpu.memory_space<vmem>>) target_semaphore(%arg7 : memref<!tpu.dma_semaphore, #tpu.memory_space<semaphore_mem>>)
      %slice3A_72 = vector.extract_strided_slice %get3A_51 {offsets = [1], sizes = [1], strides = [1]} : vector<16xi32> to vector<1xi32>
      %squeeze3A_73 = vector.extract %slice3A_72[0] : i32 from vector<1xi32>
      %mul3A_74 = arith.constant 16 : i32
      %mul3A_75 = arith.muli %add3A_45, %mul3A_74 : i32
      %add3A_76 = arith.constant 1 : i32
      %add3A_77 = arith.addi %mul3A_75, %add3A_76 : i32
      %dma_start3A_78 = arith.constant 0 : i32
      %dma_start3A_79 = arith.constant 0 : i32
      %dma_start3A_80 = arith.constant 0 : i32
      %dma_start3A_81 = tpu.memref_slice %arg6[%dma_start3A_78, %dma_start3A_79, %dma_start3A_80] : memref<2x128x300xf32, #tpu.memory_space<vmem>> -> memref<1x128x300xf32, #tpu.memory_space<vmem>>
      %dma_start3A_82 = tpu.memref_squeeze %dma_start3A_81 : memref<1x128x300xf32, #tpu.memory_space<vmem>> -> memref<128x300xf32, #tpu.memory_space<vmem>>
      %dma_start3A_83 = arith.constant 0 : i32
      %dma_start3A_84 = tpu.memref_slice %dma_start3A_82[%add3A_77, %dma_start3A_83] : memref<128x300xf32, #tpu.memory_space<vmem>> -> memref<1x300xf32, #tpu.memory_space<vmem>>
      %dma_start3A_85 = arith.constant 0 : i32
      %dma_start3A_86 = tpu.memref_slice %arg3[%squeeze3A_73, %dma_start3A_85] : memref<400001x300xf32, #tpu.memory_space<hbm>> -> memref<1x300xf32, #tpu.memory_space<hbm>>
      %dma_start3A_87 = arith.constant 0 : i32
      %dma_start3A_88 = arith.constant 0 : i32
      %dma_start3A_89 = tpu.memref_slice %arg6[%dma_start3A_78, %dma_start3A_87, %dma_start3A_88] : memref<2x128x300xf32, #tpu.memory_space<vmem>> -> memref<1x128x300xf32, #tpu.memory_space<vmem>>
      %dma_start3A_90 = tpu.memref_squeeze %dma_start3A_89 : memref<1x128x300xf32, #tpu.memory_space<vmem>> -> memref<128x300xf32, #tpu.memory_space<vmem>>
      %dma_start3A_91 = arith.constant 0 : i32
      %dma_start3A_92 = tpu.memref_slice %dma_start3A_90[%add3A_77, %dma_start3A_91] : memref<128x300xf32, #tpu.memory_space<vmem>> -> memref<1x300xf32, #tpu.memory_space<vmem>>
      %dma_start3A_93 = arith.constant 0 : i32
      %dma_start3A_94 = tpu.memref_slice %arg3[%squeeze3A_73, %dma_start3A_93] : memref<400001x300xf32, #tpu.memory_space<hbm>> -> memref<1x300xf32, #tpu.memory_space<hbm>>
      tpu.enqueue_dma source(%dma_start3A_94 : memref<1x300xf32, #tpu.memory_space<hbm>>) target(%dma_start3A_92 : memref<1x300xf32, #tpu.memory_space<vmem>>) target_semaphore(%arg7 : memref<!tpu.dma_semaphore, #tpu.memory_space<semaphore_mem>>)
      %slice3A_95 = vector.extract_strided_slice %get3A_51 {offsets = [2], sizes = [1], strides = [1]} : vector<16xi32> to vector<1xi32>
      %squeeze3A_96 = vector.extract %slice3A_95[0] : i32 from vector<1xi32>
      %mul3A_97 = arith.constant 16 : i32
      %mul3A_98 = arith.muli %add3A_45, %mul3A_97 : i32
      %add3A_99 = arith.constant 2 : i32
      %add3A_100 = arith.addi %mul3A_98, %add3A_99 : i32
      %dma_start3A_101 = arith.constant 0 : i32
      %dma_start3A_102 = arith.constant 0 : i32
      %dma_start3A_103 = arith.constant 0 : i32
      %dma_start3A_104 = tpu.memref_slice %arg6[%dma_start3A_101, %dma_start3A_102, %dma_start3A_103] : memref<2x128x300xf32, #tpu.memory_space<vmem>> -> memref<1x128x300xf32, #tpu.memory_space<vmem>>
      %dma_start3A_105 = tpu.memref_squeeze %dma_start3A_104 : memref<1x128x300xf32, #tpu.memory_space<vmem>> -> memref<128x300xf32, #tpu.memory_space<vmem>>
      %dma_start3A_106 = arith.constant 0 : i32
      %dma_start3A_107 = tpu.memref_slice %dma_start3A_105[%add3A_100, %dma_start3A_106] : memref<128x300xf32, #tpu.memory_space<vmem>> -> memref<1x300xf32, #tpu.memory_space<vmem>>
      %dma_start3A_108 = arith.constant 0 : i32
      %dma_start3A_109 = tpu.memref_slice %arg3[%squeeze3A_96, %dma_start3A_108] : memref<400001x300xf32, #tpu.memory_space<hbm>> -> memref<1x300xf32, #tpu.memory_space<hbm>>
      %dma_start3A_110 = arith.constant 0 : i32
      %dma_start3A_111 = arith.constant 0 : i32
      %dma_start3A_112 = tpu.memref_slice %arg6[%dma_start3A_101, %dma_start3A_110, %dma_start3A_111] : memref<2x128x300xf32, #tpu.memory_space<vmem>> -> memref<1x128x300xf32, #tpu.memory_space<vmem>>
      %dma_start3A_113 = tpu.memref_squeeze %dma_start3A_112 : memref<1x128x300xf32, #tpu.memory_space<vmem>> -> memref<128x300xf32, #tpu.memory_space<vmem>>
      %dma_start3A_114 = arith.constant 0 : i32
      %dma_start3A_115 = tpu.memref_slice %dma_start3A_113[%add3A_100, %dma_start3A_114] : memref<128x300xf32, #tpu.memory_space<vmem>> -> memref<1x300xf32, #tpu.memory_space<vmem>>
      %dma_start3A_116 = arith.constant 0 : i32
      %dma_start3A_117 = tpu.memref_slice %arg3[%squeeze3A_96, %dma_start3A_116] : memref<400001x300xf32, #tpu.memory_space<hbm>> -> memref<1x300xf32, #tpu.memory_space<hbm>>
      tpu.enqueue_dma source(%dma_start3A_117 : memref<1x300xf32, #tpu.memory_space<hbm>>) target(%dma_start3A_115 : memref<1x300xf32, #tpu.memory_space<vmem>>) target_semaphore(%arg7 : memref<!tpu.dma_semaphore, #tpu.memory_space<semaphore_mem>>)
      %slice3A_118 = vector.extract_strided_slice %get3A_51 {offsets = [3], sizes = [1], strides = [1]} : vector<16xi32> to vector<1xi32>
      %squeeze3A_119 = vector.extract %slice3A_118[0] : i32 from vector<1xi32>
      %mul3A_120 = arith.constant 16 : i32
      %mul3A_121 = arith.muli %add3A_45, %mul3A_120 : i32
      %add3A_122 = arith.constant 3 : i32
      %add3A_123 = arith.addi %mul3A_121, %add3A_122 : i32
      %dma_start3A_124 = arith.constant 0 : i32
      %dma_start3A_125 = arith.constant 0 : i32
      %dma_start3A_126 = arith.constant 0 : i32
      %dma_start3A_127 = tpu.memref_slice %arg6[%dma_start3A_124, %dma_start3A_125, %dma_start3A_126] : memref<2x128x300xf32, #tpu.memory_space<vmem>> -> memref<1x128x300xf32, #tpu.memory_space<vmem>>
      %dma_start3A_128 = tpu.memref_squeeze %dma_start3A_127 : memref<1x128x300xf32, #tpu.memory_space<vmem>> -> memref<128x300xf32, #tpu.memory_space<vmem>>
      %dma_start3A_129 = arith.constant 0 : i32
      %dma_start3A_130 = tpu.memref_slice %dma_start3A_128[%add3A_123, %dma_start3A_129] : memref<128x300xf32, #tpu.memory_space<vmem>> -> memref<1x300xf32, #tpu.memory_space<vmem>>
      %dma_start3A_131 = arith.constant 0 : i32
      %dma_start3A_132 = tpu.memref_slice %arg3[%squeeze3A_119, %dma_start3A_131] : memref<400001x300xf32, #tpu.memory_space<hbm>> -> memref<1x300xf32, #tpu.memory_space<hbm>>
      %dma_start3A_133 = arith.constant 0 : i32
      %dma_start3A_134 = arith.constant 0 : i32
      %dma_start3A_135 = tpu.memref_slice %arg6[%dma_start3A_124, %dma_start3A_133, %dma_start3A_134] : memref<2x128x300xf32, #tpu.memory_space<vmem>> -> memref<1x128x300xf32, #tpu.memory_space<vmem>>
      %dma_start3A_136 = tpu.memref_squeeze %dma_start3A_135 : memref<1x128x300xf32, #tpu.memory_space<vmem>> -> memref<128x300xf32, #tpu.memory_space<vmem>>
      %dma_start3A_137 = arith.constant 0 : i32
      %dma_start3A_138 = tpu.memref_slice %dma_start3A_136[%add3A_123, %dma_start3A_137] : memref<128x300xf32, #tpu.memory_space<vmem>> -> memref<1x300xf32, #tpu.memory_space<vmem>>
      %dma_start3A_139 = arith.constant 0 : i32
      %dma_start3A_140 = tpu.memref_slice %arg3[%squeeze3A_119, %dma_start3A_139] : memref<400001x300xf32, #tpu.memory_space<hbm>> -> memref<1x300xf32, #tpu.memory_space<hbm>>
      tpu.enqueue_dma source(%dma_start3A_140 : memref<1x300xf32, #tpu.memory_space<hbm>>) target(%dma_start3A_138 : memref<1x300xf32, #tpu.memory_space<vmem>>) target_semaphore(%arg7 : memref<!tpu.dma_semaphore, #tpu.memory_space<semaphore_mem>>)
      %slice3A_141 = vector.extract_strided_slice %get3A_51 {offsets = [4], sizes = [1], strides = [1]} : vector<16xi32> to vector<1xi32>
      %squeeze3A_142 = vector.extract %slice3A_141[0] : i32 from vector<1xi32>
      %mul3A_143 = arith.constant 16 : i32
      %mul3A_144 = arith.muli %add3A_45, %mul3A_143 : i32
      %add3A_145 = arith.constant 4 : i32
      %add3A_146 = arith.addi %mul3A_144, %add3A_145 : i32
      %dma_start3A_147 = arith.constant 0 : i32
      %dma_start3A_148 = arith.constant 0 : i32
      %dma_start3A_149 = arith.constant 0 : i32
      %dma_start3A_150 = tpu.memref_slice %arg6[%dma_start3A_147, %dma_start3A_148, %dma_start3A_149] : memref<2x128x300xf32, #tpu.memory_space<vmem>> -> memref<1x128x300xf32, #tpu.memory_space<vmem>>
      %dma_start3A_151 = tpu.memref_squeeze %dma_start3A_150 : memref<1x128x300xf32, #tpu.memory_space<vmem>> -> memref<128x300xf32, #tpu.memory_space<vmem>>
      %dma_start3A_152 = arith.constant 0 : i32
      %dma_start3A_153 = tpu.memref_slice %dma_start3A_151[%add3A_146, %dma_start3A_152] : memref<128x300xf32, #tpu.memory_space<vmem>> -> memref<1x300xf32, #tpu.memory_space<vmem>>
      %dma_start3A_154 = arith.constant 0 : i32
      %dma_start3A_155 = tpu.memref_slice %arg3[%squeeze3A_142, %dma_start3A_154] : memref<400001x300xf32, #tpu.memory_space<hbm>> -> memref<1x300xf32, #tpu.memory_space<hbm>>
      %dma_start3A_156 = arith.constant 0 : i32
      %dma_start3A_157 = arith.constant 0 : i32
      %dma_start3A_158 = tpu.memref_slice %arg6[%dma_start3A_147, %dma_start3A_156, %dma_start3A_157] : memref<2x128x300xf32, #tpu.memory_space<vmem>> -> memref<1x128x300xf32, #tpu.memory_space<vmem>>
      %dma_start3A_159 = tpu.memref_squeeze %dma_start3A_158 : memref<1x128x300xf32, #tpu.memory_space<vmem>> -> memref<128x300xf32, #tpu.memory_space<vmem>>
      %dma_start3A_160 = arith.constant 0 : i32
      %dma_start3A_161 = tpu.memref_slice %dma_start3A_159[%add3A_146, %dma_start3A_160] : memref<128x300xf32, #tpu.memory_space<vmem>> -> memref<1x300xf32, #tpu.memory_space<vmem>>
      %dma_start3A_162 = arith.constant 0 : i32
      %dma_start3A_163 = tpu.memref_slice %arg3[%squeeze3A_142, %dma_start3A_162] : memref<400001x300xf32, #tpu.memory_space<hbm>> -> memref<1x300xf32, #tpu.memory_space<hbm>>
      tpu.enqueue_dma source(%dma_start3A_163 : memref<1x300xf32, #tpu.memory_space<hbm>>) target(%dma_start3A_161 : memref<1x300xf32, #tpu.memory_space<vmem>>) target_semaphore(%arg7 : memref<!tpu.dma_semaphore, #tpu.memory_space<semaphore_mem>>)
      %slice3A_164 = vector.extract_strided_slice %get3A_51 {offsets = [5], sizes = [1], strides = [1]} : vector<16xi32> to vector<1xi32>
      %squeeze3A_165 = vector.extract %slice3A_164[0] : i32 from vector<1xi32>
      %mul3A_166 = arith.constant 16 : i32
      %mul3A_167 = arith.muli %add3A_45, %mul3A_166 : i32
      %add3A_168 = arith.constant 5 : i32
      %add3A_169 = arith.addi %mul3A_167, %add3A_168 : i32
      %dma_start3A_170 = arith.constant 0 : i32
      %dma_start3A_171 = arith.constant 0 : i32
      %dma_start3A_172 = arith.constant 0 : i32
      %dma_start3A_173 = tpu.memref_slice %arg6[%dma_start3A_170, %dma_start3A_171, %dma_start3A_172] : memref<2x128x300xf32, #tpu.memory_space<vmem>> -> memref<1x128x300xf32, #tpu.memory_space<vmem>>
      %dma_start3A_174 = tpu.memref_squeeze %dma_start3A_173 : memref<1x128x300xf32, #tpu.memory_space<vmem>> -> memref<128x300xf32, #tpu.memory_space<vmem>>
      %dma_start3A_175 = arith.constant 0 : i32
      %dma_start3A_176 = tpu.memref_slice %dma_start3A_174[%add3A_169, %dma_start3A_175] : memref<128x300xf32, #tpu.memory_space<vmem>> -> memref<1x300xf32, #tpu.memory_space<vmem>>
      %dma_start3A_177 = arith.constant 0 : i32
      %dma_start3A_178 = tpu.memref_slice %arg3[%squeeze3A_165, %dma_start3A_177] : memref<400001x300xf32, #tpu.memory_space<hbm>> -> memref<1x300xf32, #tpu.memory_space<hbm>>
      %dma_start3A_179 = arith.constant 0 : i32
      %dma_start3A_180 = arith.constant 0 : i32
      %dma_start3A_181 = tpu.memref_slice %arg6[%dma_start3A_170, %dma_start3A_179, %dma_start3A_180] : memref<2x128x300xf32, #tpu.memory_space<vmem>> -> memref<1x128x300xf32, #tpu.memory_space<vmem>>
      %dma_start3A_182 = tpu.memref_squeeze %dma_start3A_181 : memref<1x128x300xf32, #tpu.memory_space<vmem>> -> memref<128x300xf32, #tpu.memory_space<vmem>>
      %dma_start3A_183 = arith.constant 0 : i32
      %dma_start3A_184 = tpu.memref_slice %dma_start3A_182[%add3A_169, %dma_start3A_183] : memref<128x300xf32, #tpu.memory_space<vmem>> -> memref<1x300xf32, #tpu.memory_space<vmem>>
      %dma_start3A_185 = arith.constant 0 : i32
      %dma_start3A_186 = tpu.memref_slice %arg3[%squeeze3A_165, %dma_start3A_185] : memref<400001x300xf32, #tpu.memory_space<hbm>> -> memref<1x300xf32, #tpu.memory_space<hbm>>
      tpu.enqueue_dma source(%dma_start3A_186 : memref<1x300xf32, #tpu.memory_space<hbm>>) target(%dma_start3A_184 : memref<1x300xf32, #tpu.memory_space<vmem>>) target_semaphore(%arg7 : memref<!tpu.dma_semaphore, #tpu.memory_space<semaphore_mem>>)
      %slice3A_187 = vector.extract_strided_slice %get3A_51 {offsets = [6], sizes = [1], strides = [1]} : vector<16xi32> to vector<1xi32>
      %squeeze3A_188 = vector.extract %slice3A_187[0] : i32 from vector<1xi32>
      %mul3A_189 = arith.constant 16 : i32
      %mul3A_190 = arith.muli %add3A_45, %mul3A_189 : i32
      %add3A_191 = arith.constant 6 : i32
      %add3A_192 = arith.addi %mul3A_190, %add3A_191 : i32
      %dma_start3A_193 = arith.constant 0 : i32
      %dma_start3A_194 = arith.constant 0 : i32
      %dma_start3A_195 = arith.constant 0 : i32
      %dma_start3A_196 = tpu.memref_slice %arg6[%dma_start3A_193, %dma_start3A_194, %dma_start3A_195] : memref<2x128x300xf32, #tpu.memory_space<vmem>> -> memref<1x128x300xf32, #tpu.memory_space<vmem>>
      %dma_start3A_197 = tpu.memref_squeeze %dma_start3A_196 : memref<1x128x300xf32, #tpu.memory_space<vmem>> -> memref<128x300xf32, #tpu.memory_space<vmem>>
      %dma_start3A_198 = arith.constant 0 : i32
      %dma_start3A_199 = tpu.memref_slice %dma_start3A_197[%add3A_192, %dma_start3A_198] : memref<128x300xf32, #tpu.memory_space<vmem>> -> memref<1x300xf32, #tpu.memory_space<vmem>>
      %dma_start3A_200 = arith.constant 0 : i32
      %dma_start3A_201 = tpu.memref_slice %arg3[%squeeze3A_188, %dma_start3A_200] : memref<400001x300xf32, #tpu.memory_space<hbm>> -> memref<1x300xf32, #tpu.memory_space<hbm>>
      %dma_start3A_202 = arith.constant 0 : i32
      %dma_start3A_203 = arith.constant 0 : i32
      %dma_start3A_204 = tpu.memref_slice %arg6[%dma_start3A_193, %dma_start3A_202, %dma_start3A_203] : memref<2x128x300xf32, #tpu.memory_space<vmem>> -> memref<1x128x300xf32, #tpu.memory_space<vmem>>
      %dma_start3A_205 = tpu.memref_squeeze %dma_start3A_204 : memref<1x128x300xf32, #tpu.memory_space<vmem>> -> memref<128x300xf32, #tpu.memory_space<vmem>>
      %dma_start3A_206 = arith.constant 0 : i32
      %dma_start3A_207 = tpu.memref_slice %dma_start3A_205[%add3A_192, %dma_start3A_206] : memref<128x300xf32, #tpu.memory_space<vmem>> -> memref<1x300xf32, #tpu.memory_space<vmem>>
      %dma_start3A_208 = arith.constant 0 : i32
      %dma_start3A_209 = tpu.memref_slice %arg3[%squeeze3A_188, %dma_start3A_208] : memref<400001x300xf32, #tpu.memory_space<hbm>> -> memref<1x300xf32, #tpu.memory_space<hbm>>
      tpu.enqueue_dma source(%dma_start3A_209 : memref<1x300xf32, #tpu.memory_space<hbm>>) target(%dma_start3A_207 : memref<1x300xf32, #tpu.memory_space<vmem>>) target_semaphore(%arg7 : memref<!tpu.dma_semaphore, #tpu.memory_space<semaphore_mem>>)
      %slice3A_210 = vector.extract_strided_slice %get3A_51 {offsets = [7], sizes = [1], strides = [1]} : vector<16xi32> to vector<1xi32>
      %squeeze3A_211 = vector.extract %slice3A_210[0] : i32 from vector<1xi32>
      %mul3A_212 = arith.constant 16 : i32
      %mul3A_213 = arith.muli %add3A_45, %mul3A_212 : i32
      %add3A_214 = arith.constant 7 : i32
      %add3A_215 = arith.addi %mul3A_213, %add3A_214 : i32
      %dma_start3A_216 = arith.constant 0 : i32
      %dma_start3A_217 = arith.constant 0 : i32
      %dma_start3A_218 = arith.constant 0 : i32
      %dma_start3A_219 = tpu.memref_slice %arg6[%dma_start3A_216, %dma_start3A_217, %dma_start3A_218] : memref<2x128x300xf32, #tpu.memory_space<vmem>> -> memref<1x128x300xf32, #tpu.memory_space<vmem>>
      %dma_start3A_220 = tpu.memref_squeeze %dma_start3A_219 : memref<1x128x300xf32, #tpu.memory_space<vmem>> -> memref<128x300xf32, #tpu.memory_space<vmem>>
      %dma_start3A_221 = arith.constant 0 : i32
      %dma_start3A_222 = tpu.memref_slice %dma_start3A_220[%add3A_215, %dma_start3A_221] : memref<128x300xf32, #tpu.memory_space<vmem>> -> memref<1x300xf32, #tpu.memory_space<vmem>>
      %dma_start3A_223 = arith.constant 0 : i32
      %dma_start3A_224 = tpu.memref_slice %arg3[%squeeze3A_211, %dma_start3A_223] : memref<400001x300xf32, #tpu.memory_space<hbm>> -> memref<1x300xf32, #tpu.memory_space<hbm>>
      %dma_start3A_225 = arith.constant 0 : i32
      %dma_start3A_226 = arith.constant 0 : i32
      %dma_start3A_227 = tpu.memref_slice %arg6[%dma_start3A_216, %dma_start3A_225, %dma_start3A_226] : memref<2x128x300xf32, #tpu.memory_space<vmem>> -> memref<1x128x300xf32, #tpu.memory_space<vmem>>
      %dma_start3A_228 = tpu.memref_squeeze %dma_start3A_227 : memref<1x128x300xf32, #tpu.memory_space<vmem>> -> memref<128x300xf32, #tpu.memory_space<vmem>>
      %dma_start3A_229 = arith.constant 0 : i32
      %dma_start3A_230 = tpu.memref_slice %dma_start3A_228[%add3A_215, %dma_start3A_229] : memref<128x300xf32, #tpu.memory_space<vmem>> -> memref<1x300xf32, #tpu.memory_space<vmem>>
      %dma_start3A_231 = arith.constant 0 : i32
      %dma_start3A_232 = tpu.memref_slice %arg3[%squeeze3A_211, %dma_start3A_231] : memref<400001x300xf32, #tpu.memory_space<hbm>> -> memref<1x300xf32, #tpu.memory_space<hbm>>
      tpu.enqueue_dma source(%dma_start3A_232 : memref<1x300xf32, #tpu.memory_space<hbm>>) target(%dma_start3A_230 : memref<1x300xf32, #tpu.memory_space<vmem>>) target_semaphore(%arg7 : memref<!tpu.dma_semaphore, #tpu.memory_space<semaphore_mem>>)
      %slice3A_233 = vector.extract_strided_slice %get3A_51 {offsets = [8], sizes = [1], strides = [1]} : vector<16xi32> to vector<1xi32>
      %squeeze3A_234 = vector.extract %slice3A_233[0] : i32 from vector<1xi32>
      %mul3A_235 = arith.constant 16 : i32
      %mul3A_236 = arith.muli %add3A_45, %mul3A_235 : i32
      %add3A_237 = arith.constant 8 : i32
      %add3A_238 = arith.addi %mul3A_236, %add3A_237 : i32
      %dma_start3A_239 = arith.constant 0 : i32
      %dma_start3A_240 = arith.constant 0 : i32
      %dma_start3A_241 = arith.constant 0 : i32
      %dma_start3A_242 = tpu.memref_slice %arg6[%dma_start3A_239, %dma_start3A_240, %dma_start3A_241] : memref<2x128x300xf32, #tpu.memory_space<vmem>> -> memref<1x128x300xf32, #tpu.memory_space<vmem>>
      %dma_start3A_243 = tpu.memref_squeeze %dma_start3A_242 : memref<1x128x300xf32, #tpu.memory_space<vmem>> -> memref<128x300xf32, #tpu.memory_space<vmem>>
      %dma_start3A_244 = arith.constant 0 : i32
      %dma_start3A_245 = tpu.memref_slice %dma_start3A_243[%add3A_238, %dma_start3A_244] : memref<128x300xf32, #tpu.memory_space<vmem>> -> memref<1x300xf32, #tpu.memory_space<vmem>>
      %dma_start3A_246 = arith.constant 0 : i32
      %dma_start3A_247 = tpu.memref_slice %arg3[%squeeze3A_234, %dma_start3A_246] : memref<400001x300xf32, #tpu.memory_space<hbm>> -> memref<1x300xf32, #tpu.memory_space<hbm>>
      %dma_start3A_248 = arith.constant 0 : i32
      %dma_start3A_249 = arith.constant 0 : i32
      %dma_start3A_250 = tpu.memref_slice %arg6[%dma_start3A_239, %dma_start3A_248, %dma_start3A_249] : memref<2x128x300xf32, #tpu.memory_space<vmem>> -> memref<1x128x300xf32, #tpu.memory_space<vmem>>
      %dma_start3A_251 = tpu.memref_squeeze %dma_start3A_250 : memref<1x128x300xf32, #tpu.memory_space<vmem>> -> memref<128x300xf32, #tpu.memory_space<vmem>>
      %dma_start3A_252 = arith.constant 0 : i32
      %dma_start3A_253 = tpu.memref_slice %dma_start3A_251[%add3A_238, %dma_start3A_252] : memref<128x300xf32, #tpu.memory_space<vmem>> -> memref<1x300xf32, #tpu.memory_space<vmem>>
      %dma_start3A_254 = arith.constant 0 : i32
      %dma_start3A_255 = tpu.memref_slice %arg3[%squeeze3A_234, %dma_start3A_254] : memref<400001x300xf32, #tpu.memory_space<hbm>> -> memref<1x300xf32, #tpu.memory_space<hbm>>
      tpu.enqueue_dma source(%dma_start3A_255 : memref<1x300xf32, #tpu.memory_space<hbm>>) target(%dma_start3A_253 : memref<1x300xf32, #tpu.memory_space<vmem>>) target_semaphore(%arg7 : memref<!tpu.dma_semaphore, #tpu.memory_space<semaphore_mem>>)
      %slice3A_256 = vector.extract_strided_slice %get3A_51 {offsets = [9], sizes = [1], strides = [1]} : vector<16xi32> to vector<1xi32>
      %squeeze3A_257 = vector.extract %slice3A_256[0] : i32 from vector<1xi32>
      %mul3A_258 = arith.constant 16 : i32
      %mul3A_259 = arith.muli %add3A_45, %mul3A_258 : i32
      %add3A_260 = arith.constant 9 : i32
      %add3A_261 = arith.addi %mul3A_259, %add3A_260 : i32
      %dma_start3A_262 = arith.constant 0 : i32
      %dma_start3A_263 = arith.constant 0 : i32
      %dma_start3A_264 = arith.constant 0 : i32
      %dma_start3A_265 = tpu.memref_slice %arg6[%dma_start3A_262, %dma_start3A_263, %dma_start3A_264] : memref<2x128x300xf32, #tpu.memory_space<vmem>> -> memref<1x128x300xf32, #tpu.memory_space<vmem>>
      %dma_start3A_266 = tpu.memref_squeeze %dma_start3A_265 : memref<1x128x300xf32, #tpu.memory_space<vmem>> -> memref<128x300xf32, #tpu.memory_space<vmem>>
      %dma_start3A_267 = arith.constant 0 : i32
      %dma_start3A_268 = tpu.memref_slice %dma_start3A_266[%add3A_261, %dma_start3A_267] : memref<128x300xf32, #tpu.memory_space<vmem>> -> memref<1x300xf32, #tpu.memory_space<vmem>>
      %dma_start3A_269 = arith.constant 0 : i32
      %dma_start3A_270 = tpu.memref_slice %arg3[%squeeze3A_257, %dma_start3A_269] : memref<400001x300xf32, #tpu.memory_space<hbm>> -> memref<1x300xf32, #tpu.memory_space<hbm>>
      %dma_start3A_271 = arith.constant 0 : i32
      %dma_start3A_272 = arith.constant 0 : i32
      %dma_start3A_273 = tpu.memref_slice %arg6[%dma_start3A_262, %dma_start3A_271, %dma_start3A_272] : memref<2x128x300xf32, #tpu.memory_space<vmem>> -> memref<1x128x300xf32, #tpu.memory_space<vmem>>
      %dma_start3A_274 = tpu.memref_squeeze %dma_start3A_273 : memref<1x128x300xf32, #tpu.memory_space<vmem>> -> memref<128x300xf32, #tpu.memory_space<vmem>>
      %dma_start3A_275 = arith.constant 0 : i32
      %dma_start3A_276 = tpu.memref_slice %dma_start3A_274[%add3A_261, %dma_start3A_275] : memref<128x300xf32, #tpu.memory_space<vmem>> -> memref<1x300xf32, #tpu.memory_space<vmem>>
      %dma_start3A_277 = arith.constant 0 : i32
      %dma_start3A_278 = tpu.memref_slice %arg3[%squeeze3A_257, %dma_start3A_277] : memref<400001x300xf32, #tpu.memory_space<hbm>> -> memref<1x300xf32, #tpu.memory_space<hbm>>
      tpu.enqueue_dma source(%dma_start3A_278 : memref<1x300xf32, #tpu.memory_space<hbm>>) target(%dma_start3A_276 : memref<1x300xf32, #tpu.memory_space<vmem>>) target_semaphore(%arg7 : memref<!tpu.dma_semaphore, #tpu.memory_space<semaphore_mem>>)
      %slice3A_279 = vector.extract_strided_slice %get3A_51 {offsets = [10], sizes = [1], strides = [1]} : vector<16xi32> to vector<1xi32>
      %squeeze3A_280 = vector.extract %slice3A_279[0] : i32 from vector<1xi32>
      %mul3A_281 = arith.constant 16 : i32
      %mul3A_282 = arith.muli %add3A_45, %mul3A_281 : i32
      %add3A_283 = arith.constant 10 : i32
      %add3A_284 = arith.addi %mul3A_282, %add3A_283 : i32
      %dma_start3A_285 = arith.constant 0 : i32
      %dma_start3A_286 = arith.constant 0 : i32
      %dma_start3A_287 = arith.constant 0 : i32
      %dma_start3A_288 = tpu.memref_slice %arg6[%dma_start3A_285, %dma_start3A_286, %dma_start3A_287] : memref<2x128x300xf32, #tpu.memory_space<vmem>> -> memref<1x128x300xf32, #tpu.memory_space<vmem>>
      %dma_start3A_289 = tpu.memref_squeeze %dma_start3A_288 : memref<1x128x300xf32, #tpu.memory_space<vmem>> -> memref<128x300xf32, #tpu.memory_space<vmem>>
      %dma_start3A_290 = arith.constant 0 : i32
      %dma_start3A_291 = tpu.memref_slice %dma_start3A_289[%add3A_284, %dma_start3A_290] : memref<128x300xf32, #tpu.memory_space<vmem>> -> memref<1x300xf32, #tpu.memory_space<vmem>>
      %dma_start3A_292 = arith.constant 0 : i32
      %dma_start3A_293 = tpu.memref_slice %arg3[%squeeze3A_280, %dma_start3A_292] : memref<400001x300xf32, #tpu.memory_space<hbm>> -> memref<1x300xf32, #tpu.memory_space<hbm>>
      %dma_start3A_294 = arith.constant 0 : i32
      %dma_start3A_295 = arith.constant 0 : i32
      %dma_start3A_296 = tpu.memref_slice %arg6[%dma_start3A_285, %dma_start3A_294, %dma_start3A_295] : memref<2x128x300xf32, #tpu.memory_space<vmem>> -> memref<1x128x300xf32, #tpu.memory_space<vmem>>
      %dma_start3A_297 = tpu.memref_squeeze %dma_start3A_296 : memref<1x128x300xf32, #tpu.memory_space<vmem>> -> memref<128x300xf32, #tpu.memory_space<vmem>>
      %dma_start3A_298 = arith.constant 0 : i32
      %dma_start3A_299 = tpu.memref_slice %dma_start3A_297[%add3A_284, %dma_start3A_298] : memref<128x300xf32, #tpu.memory_space<vmem>> -> memref<1x300xf32, #tpu.memory_space<vmem>>
      %dma_start3A_300 = arith.constant 0 : i32
      %dma_start3A_301 = tpu.memref_slice %arg3[%squeeze3A_280, %dma_start3A_300] : memref<400001x300xf32, #tpu.memory_space<hbm>> -> memref<1x300xf32, #tpu.memory_space<hbm>>
      tpu.enqueue_dma source(%dma_start3A_301 : memref<1x300xf32, #tpu.memory_space<hbm>>) target(%dma_start3A_299 : memref<1x300xf32, #tpu.memory_space<vmem>>) target_semaphore(%arg7 : memref<!tpu.dma_semaphore, #tpu.memory_space<semaphore_mem>>)
      %slice3A_302 = vector.extract_strided_slice %get3A_51 {offsets = [11], sizes = [1], strides = [1]} : vector<16xi32> to vector<1xi32>
      %squeeze3A_303 = vector.extract %slice3A_302[0] : i32 from vector<1xi32>
      %mul3A_304 = arith.constant 16 : i32
      %mul3A_305 = arith.muli %add3A_45, %mul3A_304 : i32
      %add3A_306 = arith.constant 11 : i32
      %add3A_307 = arith.addi %mul3A_305, %add3A_306 : i32
      %dma_start3A_308 = arith.constant 0 : i32
      %dma_start3A_309 = arith.constant 0 : i32
      %dma_start3A_310 = arith.constant 0 : i32
      %dma_start3A_311 = tpu.memref_slice %arg6[%dma_start3A_308, %dma_start3A_309, %dma_start3A_310] : memref<2x128x300xf32, #tpu.memory_space<vmem>> -> memref<1x128x300xf32, #tpu.memory_space<vmem>>
      %dma_start3A_312 = tpu.memref_squeeze %dma_start3A_311 : memref<1x128x300xf32, #tpu.memory_space<vmem>> -> memref<128x300xf32, #tpu.memory_space<vmem>>
      %dma_start3A_313 = arith.constant 0 : i32
      %dma_start3A_314 = tpu.memref_slice %dma_start3A_312[%add3A_307, %dma_start3A_313] : memref<128x300xf32, #tpu.memory_space<vmem>> -> memref<1x300xf32, #tpu.memory_space<vmem>>
      %dma_start3A_315 = arith.constant 0 : i32
      %dma_start3A_316 = tpu.memref_slice %arg3[%squeeze3A_303, %dma_start3A_315] : memref<400001x300xf32, #tpu.memory_space<hbm>> -> memref<1x300xf32, #tpu.memory_space<hbm>>
      %dma_start3A_317 = arith.constant 0 : i32
      %dma_start3A_318 = arith.constant 0 : i32
      %dma_start3A_319 = tpu.memref_slice %arg6[%dma_start3A_308, %dma_start3A_317, %dma_start3A_318] : memref<2x128x300xf32, #tpu.memory_space<vmem>> -> memref<1x128x300xf32, #tpu.memory_space<vmem>>
      %dma_start3A_320 = tpu.memref_squeeze %dma_start3A_319 : memref<1x128x300xf32, #tpu.memory_space<vmem>> -> memref<128x300xf32, #tpu.memory_space<vmem>>
      %dma_start3A_321 = arith.constant 0 : i32
      %dma_start3A_322 = tpu.memref_slice %dma_start3A_320[%add3A_307, %dma_start3A_321] : memref<128x300xf32, #tpu.memory_space<vmem>> -> memref<1x300xf32, #tpu.memory_space<vmem>>
      %dma_start3A_323 = arith.constant 0 : i32
      %dma_start3A_324 = tpu.memref_slice %arg3[%squeeze3A_303, %dma_start3A_323] : memref<400001x300xf32, #tpu.memory_space<hbm>> -> memref<1x300xf32, #tpu.memory_space<hbm>>
      tpu.enqueue_dma source(%dma_start3A_324 : memref<1x300xf32, #tpu.memory_space<hbm>>) target(%dma_start3A_322 : memref<1x300xf32, #tpu.memory_space<vmem>>) target_semaphore(%arg7 : memref<!tpu.dma_semaphore, #tpu.memory_space<semaphore_mem>>)
      %slice3A_325 = vector.extract_strided_slice %get3A_51 {offsets = [12], sizes = [1], strides = [1]} : vector<16xi32> to vector<1xi32>
      %squeeze3A_326 = vector.extract %slice3A_325[0] : i32 from vector<1xi32>
      %mul3A_327 = arith.constant 16 : i32
      %mul3A_328 = arith.muli %add3A_45, %mul3A_327 : i32
      %add3A_329 = arith.constant 12 : i32
      %add3A_330 = arith.addi %mul3A_328, %add3A_329 : i32
      %dma_start3A_331 = arith.constant 0 : i32
      %dma_start3A_332 = arith.constant 0 : i32
      %dma_start3A_333 = arith.constant 0 : i32
      %dma_start3A_334 = tpu.memref_slice %arg6[%dma_start3A_331, %dma_start3A_332, %dma_start3A_333] : memref<2x128x300xf32, #tpu.memory_space<vmem>> -> memref<1x128x300xf32, #tpu.memory_space<vmem>>
      %dma_start3A_335 = tpu.memref_squeeze %dma_start3A_334 : memref<1x128x300xf32, #tpu.memory_space<vmem>> -> memref<128x300xf32, #tpu.memory_space<vmem>>
      %dma_start3A_336 = arith.constant 0 : i32
      %dma_start3A_337 = tpu.memref_slice %dma_start3A_335[%add3A_330, %dma_start3A_336] : memref<128x300xf32, #tpu.memory_space<vmem>> -> memref<1x300xf32, #tpu.memory_space<vmem>>
      %dma_start3A_338 = arith.constant 0 : i32
      %dma_start3A_339 = tpu.memref_slice %arg3[%squeeze3A_326, %dma_start3A_338] : memref<400001x300xf32, #tpu.memory_space<hbm>> -> memref<1x300xf32, #tpu.memory_space<hbm>>
      %dma_start3A_340 = arith.constant 0 : i32
      %dma_start3A_341 = arith.constant 0 : i32
      %dma_start3A_342 = tpu.memref_slice %arg6[%dma_start3A_331, %dma_start3A_340, %dma_start3A_341] : memref<2x128x300xf32, #tpu.memory_space<vmem>> -> memref<1x128x300xf32, #tpu.memory_space<vmem>>
      %dma_start3A_343 = tpu.memref_squeeze %dma_start3A_342 : memref<1x128x300xf32, #tpu.memory_space<vmem>> -> memref<128x300xf32, #tpu.memory_space<vmem>>
      %dma_start3A_344 = arith.constant 0 : i32
      %dma_start3A_345 = tpu.memref_slice %dma_start3A_343[%add3A_330, %dma_start3A_344] : memref<128x300xf32, #tpu.memory_space<vmem>> -> memref<1x300xf32, #tpu.memory_space<vmem>>
      %dma_start3A_346 = arith.constant 0 : i32
      %dma_start3A_347 = tpu.memref_slice %arg3[%squeeze3A_326, %dma_start3A_346] : memref<400001x300xf32, #tpu.memory_space<hbm>> -> memref<1x300xf32, #tpu.memory_space<hbm>>
      tpu.enqueue_dma source(%dma_start3A_347 : memref<1x300xf32, #tpu.memory_space<hbm>>) target(%dma_start3A_345 : memref<1x300xf32, #tpu.memory_space<vmem>>) target_semaphore(%arg7 : memref<!tpu.dma_semaphore, #tpu.memory_space<semaphore_mem>>)
      %slice3A_348 = vector.extract_strided_slice %get3A_51 {offsets = [13], sizes = [1], strides = [1]} : vector<16xi32> to vector<1xi32>
      %squeeze3A_349 = vector.extract %slice3A_348[0] : i32 from vector<1xi32>
      %mul3A_350 = arith.constant 16 : i32
      %mul3A_351 = arith.muli %add3A_45, %mul3A_350 : i32
      %add3A_352 = arith.constant 13 : i32
      %add3A_353 = arith.addi %mul3A_351, %add3A_352 : i32
      %dma_start3A_354 = arith.constant 0 : i32
      %dma_start3A_355 = arith.constant 0 : i32
      %dma_start3A_356 = arith.constant 0 : i32
      %dma_start3A_357 = tpu.memref_slice %arg6[%dma_start3A_354, %dma_start3A_355, %dma_start3A_356] : memref<2x128x300xf32, #tpu.memory_space<vmem>> -> memref<1x128x300xf32, #tpu.memory_space<vmem>>
      %dma_start3A_358 = tpu.memref_squeeze %dma_start3A_357 : memref<1x128x300xf32, #tpu.memory_space<vmem>> -> memref<128x300xf32, #tpu.memory_space<vmem>>
      %dma_start3A_359 = arith.constant 0 : i32
      %dma_start3A_360 = tpu.memref_slice %dma_start3A_358[%add3A_353, %dma_start3A_359] : memref<128x300xf32, #tpu.memory_space<vmem>> -> memref<1x300xf32, #tpu.memory_space<vmem>>
      %dma_start3A_361 = arith.constant 0 : i32
      %dma_start3A_362 = tpu.memref_slice %arg3[%squeeze3A_349, %dma_start3A_361] : memref<400001x300xf32, #tpu.memory_space<hbm>> -> memref<1x300xf32, #tpu.memory_space<hbm>>
      %dma_start3A_363 = arith.constant 0 : i32
      %dma_start3A_364 = arith.constant 0 : i32
      %dma_start3A_365 = tpu.memref_slice %arg6[%dma_start3A_354, %dma_start3A_363, %dma_start3A_364] : memref<2x128x300xf32, #tpu.memory_space<vmem>> -> memref<1x128x300xf32, #tpu.memory_space<vmem>>
      %dma_start3A_366 = tpu.memref_squeeze %dma_start3A_365 : memref<1x128x300xf32, #tpu.memory_space<vmem>> -> memref<128x300xf32, #tpu.memory_space<vmem>>
      %dma_start3A_367 = arith.constant 0 : i32
      %dma_start3A_368 = tpu.memref_slice %dma_start3A_366[%add3A_353, %dma_start3A_367] : memref<128x300xf32, #tpu.memory_space<vmem>> -> memref<1x300xf32, #tpu.memory_space<vmem>>
      %dma_start3A_369 = arith.constant 0 : i32
      %dma_start3A_370 = tpu.memref_slice %arg3[%squeeze3A_349, %dma_start3A_369] : memref<400001x300xf32, #tpu.memory_space<hbm>> -> memref<1x300xf32, #tpu.memory_space<hbm>>
      tpu.enqueue_dma source(%dma_start3A_370 : memref<1x300xf32, #tpu.memory_space<hbm>>) target(%dma_start3A_368 : memref<1x300xf32, #tpu.memory_space<vmem>>) target_semaphore(%arg7 : memref<!tpu.dma_semaphore, #tpu.memory_space<semaphore_mem>>)
      %slice3A_371 = vector.extract_strided_slice %get3A_51 {offsets = [14], sizes = [1], strides = [1]} : vector<16xi32> to vector<1xi32>
      %squeeze3A_372 = vector.extract %slice3A_371[0] : i32 from vector<1xi32>
      %mul3A_373 = arith.constant 16 : i32
      %mul3A_374 = arith.muli %add3A_45, %mul3A_373 : i32
      %add3A_375 = arith.constant 14 : i32
      %add3A_376 = arith.addi %mul3A_374, %add3A_375 : i32
      %dma_start3A_377 = arith.constant 0 : i32
      %dma_start3A_378 = arith.constant 0 : i32
      %dma_start3A_379 = arith.constant 0 : i32
      %dma_start3A_380 = tpu.memref_slice %arg6[%dma_start3A_377, %dma_start3A_378, %dma_start3A_379] : memref<2x128x300xf32, #tpu.memory_space<vmem>> -> memref<1x128x300xf32, #tpu.memory_space<vmem>>
      %dma_start3A_381 = tpu.memref_squeeze %dma_start3A_380 : memref<1x128x300xf32, #tpu.memory_space<vmem>> -> memref<128x300xf32, #tpu.memory_space<vmem>>
      %dma_start3A_382 = arith.constant 0 : i32
      %dma_start3A_383 = tpu.memref_slice %dma_start3A_381[%add3A_376, %dma_start3A_382] : memref<128x300xf32, #tpu.memory_space<vmem>> -> memref<1x300xf32, #tpu.memory_space<vmem>>
      %dma_start3A_384 = arith.constant 0 : i32
      %dma_start3A_385 = tpu.memref_slice %arg3[%squeeze3A_372, %dma_start3A_384] : memref<400001x300xf32, #tpu.memory_space<hbm>> -> memref<1x300xf32, #tpu.memory_space<hbm>>
      %dma_start3A_386 = arith.constant 0 : i32
      %dma_start3A_387 = arith.constant 0 : i32
      %dma_start3A_388 = tpu.memref_slice %arg6[%dma_start3A_377, %dma_start3A_386, %dma_start3A_387] : memref<2x128x300xf32, #tpu.memory_space<vmem>> -> memref<1x128x300xf32, #tpu.memory_space<vmem>>
      %dma_start3A_389 = tpu.memref_squeeze %dma_start3A_388 : memref<1x128x300xf32, #tpu.memory_space<vmem>> -> memref<128x300xf32, #tpu.memory_space<vmem>>
      %dma_start3A_390 = arith.constant 0 : i32
      %dma_start3A_391 = tpu.memref_slice %dma_start3A_389[%add3A_376, %dma_start3A_390] : memref<128x300xf32, #tpu.memory_space<vmem>> -> memref<1x300xf32, #tpu.memory_space<vmem>>
      %dma_start3A_392 = arith.constant 0 : i32
      %dma_start3A_393 = tpu.memref_slice %arg3[%squeeze3A_372, %dma_start3A_392] : memref<400001x300xf32, #tpu.memory_space<hbm>> -> memref<1x300xf32, #tpu.memory_space<hbm>>
      tpu.enqueue_dma source(%dma_start3A_393 : memref<1x300xf32, #tpu.memory_space<hbm>>) target(%dma_start3A_391 : memref<1x300xf32, #tpu.memory_space<vmem>>) target_semaphore(%arg7 : memref<!tpu.dma_semaphore, #tpu.memory_space<semaphore_mem>>)
      %slice3A_394 = vector.extract_strided_slice %get3A_51 {offsets = [15], sizes = [1], strides = [1]} : vector<16xi32> to vector<1xi32>
      %squeeze3A_395 = vector.extract %slice3A_394[0] : i32 from vector<1xi32>
      %mul3A_396 = arith.constant 16 : i32
      %mul3A_397 = arith.muli %add3A_45, %mul3A_396 : i32
      %add3A_398 = arith.constant 15 : i32
      %add3A_399 = arith.addi %mul3A_397, %add3A_398 : i32
      %dma_start3A_400 = arith.constant 0 : i32
      %dma_start3A_401 = arith.constant 0 : i32
      %dma_start3A_402 = arith.constant 0 : i32
      %dma_start3A_403 = tpu.memref_slice %arg6[%dma_start3A_400, %dma_start3A_401, %dma_start3A_402] : memref<2x128x300xf32, #tpu.memory_space<vmem>> -> memref<1x128x300xf32, #tpu.memory_space<vmem>>
      %dma_start3A_404 = tpu.memref_squeeze %dma_start3A_403 : memref<1x128x300xf32, #tpu.memory_space<vmem>> -> memref<128x300xf32, #tpu.memory_space<vmem>>
      %dma_start3A_405 = arith.constant 0 : i32
      %dma_start3A_406 = tpu.memref_slice %dma_start3A_404[%add3A_399, %dma_start3A_405] : memref<128x300xf32, #tpu.memory_space<vmem>> -> memref<1x300xf32, #tpu.memory_space<vmem>>
      %dma_start3A_407 = arith.constant 0 : i32
      %dma_start3A_408 = tpu.memref_slice %arg3[%squeeze3A_395, %dma_start3A_407] : memref<400001x300xf32, #tpu.memory_space<hbm>> -> memref<1x300xf32, #tpu.memory_space<hbm>>
      %dma_start3A_409 = arith.constant 0 : i32
      %dma_start3A_410 = arith.constant 0 : i32
      %dma_start3A_411 = tpu.memref_slice %arg6[%dma_start3A_400, %dma_start3A_409, %dma_start3A_410] : memref<2x128x300xf32, #tpu.memory_space<vmem>> -> memref<1x128x300xf32, #tpu.memory_space<vmem>>
      %dma_start3A_412 = tpu.memref_squeeze %dma_start3A_411 : memref<1x128x300xf32, #tpu.memory_space<vmem>> -> memref<128x300xf32, #tpu.memory_space<vmem>>
      %dma_start3A_413 = arith.constant 0 : i32
      %dma_start3A_414 = tpu.memref_slice %dma_start3A_412[%add3A_399, %dma_start3A_413] : memref<128x300xf32, #tpu.memory_space<vmem>> -> memref<1x300xf32, #tpu.memory_space<vmem>>
      %dma_start3A_415 = arith.constant 0 : i32
      %dma_start3A_416 = tpu.memref_slice %arg3[%squeeze3A_395, %dma_start3A_415] : memref<400001x300xf32, #tpu.memory_space<hbm>> -> memref<1x300xf32, #tpu.memory_space<hbm>>
      tpu.enqueue_dma source(%dma_start3A_416 : memref<1x300xf32, #tpu.memory_space<hbm>>) target(%dma_start3A_414 : memref<1x300xf32, #tpu.memory_space<vmem>>) target_semaphore(%arg7 : memref<!tpu.dma_semaphore, #tpu.memory_space<semaphore_mem>>)
    }
    %scan3A_6 = arith.constant 8 : i32
    %scan3A_7 = arith.constant 0 : i32
    %scan3A_8 = arith.constant 25 : i32
    %scan3A_9 = arith.addi %scan3A_7, %scan3A_8 : i32
    %scan3A_10 = arith.constant 1 : i32
    scf.for %scan3A_41 = %scan3A_7 to %scan3A_9 step %scan3A_10  : i32 {
      %mul3A_42 = arith.constant 1 : i32
      %mul3A_43 = arith.muli %scan3A_41, %mul3A_42 : i32
      %add3A_44 = arith.constant 0 : i32
      %add3A_45 = arith.addi %add3A_44, %mul3A_43 : i32
      %mul3A_46 = arith.constant 2 : i32
      %mul3A_47 = arith.muli %mul3A_46, %add3A_45 : i32
      %ge3A = arith.constant 1 : i32
      %ge3A_48 = arith.cmpi sge, %add3A_45, %ge3A : i32
      %convert_element_type3A = arith.extui %ge3A_48 : i1 to i32
      %cond3A = arith.constant 0 : i32
      %cond3A_49 = arith.cmpi ne, %convert_element_type3A, %cond3A : i32
      scf.if %cond3A_49 {
        %dma_wait3A_124 = arith.constant 1 : i32
        %dma_wait3A_125 = arith.constant 0 : i32
        %dma_wait3A_126 = arith.constant 0 : i32
        %dma_wait3A_127 = tpu.memref_slice %arg6[%dma_wait3A_124, %dma_wait3A_125, %dma_wait3A_126] : memref<2x128x300xf32, #tpu.memory_space<vmem>> -> memref<1x128x300xf32, #tpu.memory_space<vmem>>
        %dma_wait3A_128 = tpu.memref_squeeze %dma_wait3A_127 : memref<1x128x300xf32, #tpu.memory_space<vmem>> -> memref<128x300xf32, #tpu.memory_space<vmem>>
        %dma_wait3A_129 = arith.constant 0 : i32
        %dma_wait3A_130 = arith.constant 0 : i32
        %dma_wait3A_131 = tpu.memref_slice %arg4[%dma_wait3A_129, %dma_wait3A_130] : memref<204800x300xf32, #tpu.memory_space<hbm>> -> memref<128x300xf32, #tpu.memory_space<hbm>>
        %dma_wait3A_132 = arith.constant 0 : i32
        %dma_wait3A_133 = arith.constant 0 : i32
        %dma_wait3A_134 = tpu.memref_slice %arg6[%dma_wait3A_124, %dma_wait3A_132, %dma_wait3A_133] : memref<2x128x300xf32, #tpu.memory_space<vmem>> -> memref<1x128x300xf32, #tpu.memory_space<vmem>>
        %dma_wait3A_135 = tpu.memref_squeeze %dma_wait3A_134 : memref<1x128x300xf32, #tpu.memory_space<vmem>> -> memref<128x300xf32, #tpu.memory_space<vmem>>
        %dma_wait3A_136 = arith.constant 0 : i32
        %dma_wait3A_137 = arith.constant 0 : i32
        %dma_wait3A_138 = tpu.memref_slice %arg4[%dma_wait3A_136, %dma_wait3A_137] : memref<204800x300xf32, #tpu.memory_space<hbm>> -> memref<128x300xf32, #tpu.memory_space<hbm>>
        tpu.wait_dma2 semaphore(%arg10 : memref<!tpu.dma_semaphore, #tpu.memory_space<semaphore_mem>>) src(%dma_wait3A_138 : memref<128x300xf32, #tpu.memory_space<hbm>>) dst(%dma_wait3A_135 : memref<128x300xf32, #tpu.memory_space<vmem>>)
      } else {
      }
      %add3A_50 = arith.constant 1 : i32
      %add3A_51 = arith.addi %mul3A_47, %add3A_50 : i32
      %scan3A_52 = arith.constant 0 : i32
      %scan3A_53 = arith.constant 8 : i32
      %scan3A_54 = arith.addi %scan3A_52, %scan3A_53 : i32
      %scan3A_55 = arith.constant 1 : i32
      scf.for %scan3A_124 = %scan3A_52 to %scan3A_54 step %scan3A_55  : i32 {
        %mul3A_125 = arith.constant 1 : i32
        %mul3A_126 = arith.muli %scan3A_124, %mul3A_125 : i32
        %add3A_127 = arith.constant 0 : i32
        %add3A_128 = arith.addi %add3A_127, %mul3A_126 : i32
        %mul3A_129 = arith.constant 128 : i32
        %mul3A_130 = arith.muli %add3A_51, %mul3A_129 : i32
        %mul3A_131 = arith.constant 16 : i32
        %mul3A_132 = arith.muli %add3A_128, %mul3A_131 : i32
        %add3A_133 = arith.addi %mul3A_130, %mul3A_132 : i32
        %get3A = arith.index_cast %add3A_133 : i32 to index
        %get3A_134 = tpu.vector_load %arg5[%get3A] {strides = array<i32>} : memref<6400xi32, #tpu.memory_space<vmem>>, vector<16xi32>,
        %get3A_135 = vector.shape_cast %get3A_134 : vector<16xi32> to vector<16xi32>
        %slice3A = vector.extract_strided_slice %get3A_135 {offsets = [0], sizes = [1], strides = [1]} : vector<16xi32> to vector<1xi32>
        %squeeze3A = vector.extract %slice3A[0] : i32 from vector<1xi32>
        %mul3A_136 = arith.constant 16 : i32
        %mul3A_137 = arith.muli %add3A_128, %mul3A_136 : i32
        %add3A_138 = arith.constant 0 : i32
        %add3A_139 = arith.addi %mul3A_137, %add3A_138 : i32
        %dma_start3A_140 = arith.constant 1 : i32
        %dma_start3A_141 = arith.constant 0 : i32
        %dma_start3A_142 = arith.constant 0 : i32
        %dma_start3A_143 = tpu.memref_slice %arg6[%dma_start3A_140, %dma_start3A_141, %dma_start3A_142] : memref<2x128x300xf32, #tpu.memory_space<vmem>> -> memref<1x128x300xf32, #tpu.memory_space<vmem>>
        %dma_start3A_144 = tpu.memref_squeeze %dma_start3A_143 : memref<1x128x300xf32, #tpu.memory_space<vmem>> -> memref<128x300xf32, #tpu.memory_space<vmem>>
        %dma_start3A_145 = arith.constant 0 : i32
        %dma_start3A_146 = tpu.memref_slice %dma_start3A_144[%add3A_139, %dma_start3A_145] : memref<128x300xf32, #tpu.memory_space<vmem>> -> memref<1x300xf32, #tpu.memory_space<vmem>>
        %dma_start3A_147 = arith.constant 0 : i32
        %dma_start3A_148 = tpu.memref_slice %arg3[%squeeze3A, %dma_start3A_147] : memref<400001x300xf32, #tpu.memory_space<hbm>> -> memref<1x300xf32, #tpu.memory_space<hbm>>
        %dma_start3A_149 = arith.constant 0 : i32
        %dma_start3A_150 = arith.constant 0 : i32
        %dma_start3A_151 = tpu.memref_slice %arg6[%dma_start3A_140, %dma_start3A_149, %dma_start3A_150] : memref<2x128x300xf32, #tpu.memory_space<vmem>> -> memref<1x128x300xf32, #tpu.memory_space<vmem>>
        %dma_start3A_152 = tpu.memref_squeeze %dma_start3A_151 : memref<1x128x300xf32, #tpu.memory_space<vmem>> -> memref<128x300xf32, #tpu.memory_space<vmem>>
        %dma_start3A_153 = arith.constant 0 : i32
        %dma_start3A_154 = tpu.memref_slice %dma_start3A_152[%add3A_139, %dma_start3A_153] : memref<128x300xf32, #tpu.memory_space<vmem>> -> memref<1x300xf32, #tpu.memory_space<vmem>>
        %dma_start3A_155 = arith.constant 0 : i32
        %dma_start3A_156 = tpu.memref_slice %arg3[%squeeze3A, %dma_start3A_155] : memref<400001x300xf32, #tpu.memory_space<hbm>> -> memref<1x300xf32, #tpu.memory_space<hbm>>
        tpu.enqueue_dma source(%dma_start3A_156 : memref<1x300xf32, #tpu.memory_space<hbm>>) target(%dma_start3A_154 : memref<1x300xf32, #tpu.memory_space<vmem>>) target_semaphore(%arg8 : memref<!tpu.dma_semaphore, #tpu.memory_space<semaphore_mem>>)
        %slice3A_157 = vector.extract_strided_slice %get3A_135 {offsets = [1], sizes = [1], strides = [1]} : vector<16xi32> to vector<1xi32>
        %squeeze3A_158 = vector.extract %slice3A_157[0] : i32 from vector<1xi32>
        %mul3A_159 = arith.constant 16 : i32
        %mul3A_160 = arith.muli %add3A_128, %mul3A_159 : i32
        %add3A_161 = arith.constant 1 : i32
        %add3A_162 = arith.addi %mul3A_160, %add3A_161 : i32
        %dma_start3A_163 = arith.constant 1 : i32
        %dma_start3A_164 = arith.constant 0 : i32
        %dma_start3A_165 = arith.constant 0 : i32
        %dma_start3A_166 = tpu.memref_slice %arg6[%dma_start3A_163, %dma_start3A_164, %dma_start3A_165] : memref<2x128x300xf32, #tpu.memory_space<vmem>> -> memref<1x128x300xf32, #tpu.memory_space<vmem>>
        %dma_start3A_167 = tpu.memref_squeeze %dma_start3A_166 : memref<1x128x300xf32, #tpu.memory_space<vmem>> -> memref<128x300xf32, #tpu.memory_space<vmem>>
        %dma_start3A_168 = arith.constant 0 : i32
        %dma_start3A_169 = tpu.memref_slice %dma_start3A_167[%add3A_162, %dma_start3A_168] : memref<128x300xf32, #tpu.memory_space<vmem>> -> memref<1x300xf32, #tpu.memory_space<vmem>>
        %dma_start3A_170 = arith.constant 0 : i32
        %dma_start3A_171 = tpu.memref_slice %arg3[%squeeze3A_158, %dma_start3A_170] : memref<400001x300xf32, #tpu.memory_space<hbm>> -> memref<1x300xf32, #tpu.memory_space<hbm>>
        %dma_start3A_172 = arith.constant 0 : i32
        %dma_start3A_173 = arith.constant 0 : i32
        %dma_start3A_174 = tpu.memref_slice %arg6[%dma_start3A_163, %dma_start3A_172, %dma_start3A_173] : memref<2x128x300xf32, #tpu.memory_space<vmem>> -> memref<1x128x300xf32, #tpu.memory_space<vmem>>
        %dma_start3A_175 = tpu.memref_squeeze %dma_start3A_174 : memref<1x128x300xf32, #tpu.memory_space<vmem>> -> memref<128x300xf32, #tpu.memory_space<vmem>>
        %dma_start3A_176 = arith.constant 0 : i32
        %dma_start3A_177 = tpu.memref_slice %dma_start3A_175[%add3A_162, %dma_start3A_176] : memref<128x300xf32, #tpu.memory_space<vmem>> -> memref<1x300xf32, #tpu.memory_space<vmem>>
        %dma_start3A_178 = arith.constant 0 : i32
        %dma_start3A_179 = tpu.memref_slice %arg3[%squeeze3A_158, %dma_start3A_178] : memref<400001x300xf32, #tpu.memory_space<hbm>> -> memref<1x300xf32, #tpu.memory_space<hbm>>
        tpu.enqueue_dma source(%dma_start3A_179 : memref<1x300xf32, #tpu.memory_space<hbm>>) target(%dma_start3A_177 : memref<1x300xf32, #tpu.memory_space<vmem>>) target_semaphore(%arg8 : memref<!tpu.dma_semaphore, #tpu.memory_space<semaphore_mem>>)
        %slice3A_180 = vector.extract_strided_slice %get3A_135 {offsets = [2], sizes = [1], strides = [1]} : vector<16xi32> to vector<1xi32>
        %squeeze3A_181 = vector.extract %slice3A_180[0] : i32 from vector<1xi32>
        %mul3A_182 = arith.constant 16 : i32
        %mul3A_183 = arith.muli %add3A_128, %mul3A_182 : i32
        %add3A_184 = arith.constant 2 : i32
        %add3A_185 = arith.addi %mul3A_183, %add3A_184 : i32
        %dma_start3A_186 = arith.constant 1 : i32
        %dma_start3A_187 = arith.constant 0 : i32
        %dma_start3A_188 = arith.constant 0 : i32
        %dma_start3A_189 = tpu.memref_slice %arg6[%dma_start3A_186, %dma_start3A_187, %dma_start3A_188] : memref<2x128x300xf32, #tpu.memory_space<vmem>> -> memref<1x128x300xf32, #tpu.memory_space<vmem>>
        %dma_start3A_190 = tpu.memref_squeeze %dma_start3A_189 : memref<1x128x300xf32, #tpu.memory_space<vmem>> -> memref<128x300xf32, #tpu.memory_space<vmem>>
        %dma_start3A_191 = arith.constant 0 : i32
        %dma_start3A_192 = tpu.memref_slice %dma_start3A_190[%add3A_185, %dma_start3A_191] : memref<128x300xf32, #tpu.memory_space<vmem>> -> memref<1x300xf32, #tpu.memory_space<vmem>>
        %dma_start3A_193 = arith.constant 0 : i32
        %dma_start3A_194 = tpu.memref_slice %arg3[%squeeze3A_181, %dma_start3A_193] : memref<400001x300xf32, #tpu.memory_space<hbm>> -> memref<1x300xf32, #tpu.memory_space<hbm>>
        %dma_start3A_195 = arith.constant 0 : i32
        %dma_start3A_196 = arith.constant 0 : i32
        %dma_start3A_197 = tpu.memref_slice %arg6[%dma_start3A_186, %dma_start3A_195, %dma_start3A_196] : memref<2x128x300xf32, #tpu.memory_space<vmem>> -> memref<1x128x300xf32, #tpu.memory_space<vmem>>
        %dma_start3A_198 = tpu.memref_squeeze %dma_start3A_197 : memref<1x128x300xf32, #tpu.memory_space<vmem>> -> memref<128x300xf32, #tpu.memory_space<vmem>>
        %dma_start3A_199 = arith.constant 0 : i32
        %dma_start3A_200 = tpu.memref_slice %dma_start3A_198[%add3A_185, %dma_start3A_199] : memref<128x300xf32, #tpu.memory_space<vmem>> -> memref<1x300xf32, #tpu.memory_space<vmem>>
        %dma_start3A_201 = arith.constant 0 : i32
        %dma_start3A_202 = tpu.memref_slice %arg3[%squeeze3A_181, %dma_start3A_201] : memref<400001x300xf32, #tpu.memory_space<hbm>> -> memref<1x300xf32, #tpu.memory_space<hbm>>
        tpu.enqueue_dma source(%dma_start3A_202 : memref<1x300xf32, #tpu.memory_space<hbm>>) target(%dma_start3A_200 : memref<1x300xf32, #tpu.memory_space<vmem>>) target_semaphore(%arg8 : memref<!tpu.dma_semaphore, #tpu.memory_space<semaphore_mem>>)
        %slice3A_203 = vector.extract_strided_slice %get3A_135 {offsets = [3], sizes = [1], strides = [1]} : vector<16xi32> to vector<1xi32>
        %squeeze3A_204 = vector.extract %slice3A_203[0] : i32 from vector<1xi32>
        %mul3A_205 = arith.constant 16 : i32
        %mul3A_206 = arith.muli %add3A_128, %mul3A_205 : i32
        %add3A_207 = arith.constant 3 : i32
        %add3A_208 = arith.addi %mul3A_206, %add3A_207 : i32
        %dma_start3A_209 = arith.constant 1 : i32
        %dma_start3A_210 = arith.constant 0 : i32
        %dma_start3A_211 = arith.constant 0 : i32
        %dma_start3A_212 = tpu.memref_slice %arg6[%dma_start3A_209, %dma_start3A_210, %dma_start3A_211] : memref<2x128x300xf32, #tpu.memory_space<vmem>> -> memref<1x128x300xf32, #tpu.memory_space<vmem>>
        %dma_start3A_213 = tpu.memref_squeeze %dma_start3A_212 : memref<1x128x300xf32, #tpu.memory_space<vmem>> -> memref<128x300xf32, #tpu.memory_space<vmem>>
        %dma_start3A_214 = arith.constant 0 : i32
        %dma_start3A_215 = tpu.memref_slice %dma_start3A_213[%add3A_208, %dma_start3A_214] : memref<128x300xf32, #tpu.memory_space<vmem>> -> memref<1x300xf32, #tpu.memory_space<vmem>>
        %dma_start3A_216 = arith.constant 0 : i32
        %dma_start3A_217 = tpu.memref_slice %arg3[%squeeze3A_204, %dma_start3A_216] : memref<400001x300xf32, #tpu.memory_space<hbm>> -> memref<1x300xf32, #tpu.memory_space<hbm>>
        %dma_start3A_218 = arith.constant 0 : i32
        %dma_start3A_219 = arith.constant 0 : i32
        %dma_start3A_220 = tpu.memref_slice %arg6[%dma_start3A_209, %dma_start3A_218, %dma_start3A_219] : memref<2x128x300xf32, #tpu.memory_space<vmem>> -> memref<1x128x300xf32, #tpu.memory_space<vmem>>
        %dma_start3A_221 = tpu.memref_squeeze %dma_start3A_220 : memref<1x128x300xf32, #tpu.memory_space<vmem>> -> memref<128x300xf32, #tpu.memory_space<vmem>>
        %dma_start3A_222 = arith.constant 0 : i32
        %dma_start3A_223 = tpu.memref_slice %dma_start3A_221[%add3A_208, %dma_start3A_222] : memref<128x300xf32, #tpu.memory_space<vmem>> -> memref<1x300xf32, #tpu.memory_space<vmem>>
        %dma_start3A_224 = arith.constant 0 : i32
        %dma_start3A_225 = tpu.memref_slice %arg3[%squeeze3A_204, %dma_start3A_224] : memref<400001x300xf32, #tpu.memory_space<hbm>> -> memref<1x300xf32, #tpu.memory_space<hbm>>
        tpu.enqueue_dma source(%dma_start3A_225 : memref<1x300xf32, #tpu.memory_space<hbm>>) target(%dma_start3A_223 : memref<1x300xf32, #tpu.memory_space<vmem>>) target_semaphore(%arg8 : memref<!tpu.dma_semaphore, #tpu.memory_space<semaphore_mem>>)
        %slice3A_226 = vector.extract_strided_slice %get3A_135 {offsets = [4], sizes = [1], strides = [1]} : vector<16xi32> to vector<1xi32>
        %squeeze3A_227 = vector.extract %slice3A_226[0] : i32 from vector<1xi32>
        %mul3A_228 = arith.constant 16 : i32
        %mul3A_229 = arith.muli %add3A_128, %mul3A_228 : i32
        %add3A_230 = arith.constant 4 : i32
        %add3A_231 = arith.addi %mul3A_229, %add3A_230 : i32
        %dma_start3A_232 = arith.constant 1 : i32
        %dma_start3A_233 = arith.constant 0 : i32
        %dma_start3A_234 = arith.constant 0 : i32
        %dma_start3A_235 = tpu.memref_slice %arg6[%dma_start3A_232, %dma_start3A_233, %dma_start3A_234] : memref<2x128x300xf32, #tpu.memory_space<vmem>> -> memref<1x128x300xf32, #tpu.memory_space<vmem>>
        %dma_start3A_236 = tpu.memref_squeeze %dma_start3A_235 : memref<1x128x300xf32, #tpu.memory_space<vmem>> -> memref<128x300xf32, #tpu.memory_space<vmem>>
        %dma_start3A_237 = arith.constant 0 : i32
        %dma_start3A_238 = tpu.memref_slice %dma_start3A_236[%add3A_231, %dma_start3A_237] : memref<128x300xf32, #tpu.memory_space<vmem>> -> memref<1x300xf32, #tpu.memory_space<vmem>>
        %dma_start3A_239 = arith.constant 0 : i32
        %dma_start3A_240 = tpu.memref_slice %arg3[%squeeze3A_227, %dma_start3A_239] : memref<400001x300xf32, #tpu.memory_space<hbm>> -> memref<1x300xf32, #tpu.memory_space<hbm>>
        %dma_start3A_241 = arith.constant 0 : i32
        %dma_start3A_242 = arith.constant 0 : i32
        %dma_start3A_243 = tpu.memref_slice %arg6[%dma_start3A_232, %dma_start3A_241, %dma_start3A_242] : memref<2x128x300xf32, #tpu.memory_space<vmem>> -> memref<1x128x300xf32, #tpu.memory_space<vmem>>
        %dma_start3A_244 = tpu.memref_squeeze %dma_start3A_243 : memref<1x128x300xf32, #tpu.memory_space<vmem>> -> memref<128x300xf32, #tpu.memory_space<vmem>>
        %dma_start3A_245 = arith.constant 0 : i32
        %dma_start3A_246 = tpu.memref_slice %dma_start3A_244[%add3A_231, %dma_start3A_245] : memref<128x300xf32, #tpu.memory_space<vmem>> -> memref<1x300xf32, #tpu.memory_space<vmem>>
        %dma_start3A_247 = arith.constant 0 : i32
        %dma_start3A_248 = tpu.memref_slice %arg3[%squeeze3A_227, %dma_start3A_247] : memref<400001x300xf32, #tpu.memory_space<hbm>> -> memref<1x300xf32, #tpu.memory_space<hbm>>
        tpu.enqueue_dma source(%dma_start3A_248 : memref<1x300xf32, #tpu.memory_space<hbm>>) target(%dma_start3A_246 : memref<1x300xf32, #tpu.memory_space<vmem>>) target_semaphore(%arg8 : memref<!tpu.dma_semaphore, #tpu.memory_space<semaphore_mem>>)
        %slice3A_249 = vector.extract_strided_slice %get3A_135 {offsets = [5], sizes = [1], strides = [1]} : vector<16xi32> to vector<1xi32>
        %squeeze3A_250 = vector.extract %slice3A_249[0] : i32 from vector<1xi32>
        %mul3A_251 = arith.constant 16 : i32
        %mul3A_252 = arith.muli %add3A_128, %mul3A_251 : i32
        %add3A_253 = arith.constant 5 : i32
        %add3A_254 = arith.addi %mul3A_252, %add3A_253 : i32
        %dma_start3A_255 = arith.constant 1 : i32
        %dma_start3A_256 = arith.constant 0 : i32
        %dma_start3A_257 = arith.constant 0 : i32
        %dma_start3A_258 = tpu.memref_slice %arg6[%dma_start3A_255, %dma_start3A_256, %dma_start3A_257] : memref<2x128x300xf32, #tpu.memory_space<vmem>> -> memref<1x128x300xf32, #tpu.memory_space<vmem>>
        %dma_start3A_259 = tpu.memref_squeeze %dma_start3A_258 : memref<1x128x300xf32, #tpu.memory_space<vmem>> -> memref<128x300xf32, #tpu.memory_space<vmem>>
        %dma_start3A_260 = arith.constant 0 : i32
        %dma_start3A_261 = tpu.memref_slice %dma_start3A_259[%add3A_254, %dma_start3A_260] : memref<128x300xf32, #tpu.memory_space<vmem>> -> memref<1x300xf32, #tpu.memory_space<vmem>>
        %dma_start3A_262 = arith.constant 0 : i32
        %dma_start3A_263 = tpu.memref_slice %arg3[%squeeze3A_250, %dma_start3A_262] : memref<400001x300xf32, #tpu.memory_space<hbm>> -> memref<1x300xf32, #tpu.memory_space<hbm>>
        %dma_start3A_264 = arith.constant 0 : i32
        %dma_start3A_265 = arith.constant 0 : i32
        %dma_start3A_266 = tpu.memref_slice %arg6[%dma_start3A_255, %dma_start3A_264, %dma_start3A_265] : memref<2x128x300xf32, #tpu.memory_space<vmem>> -> memref<1x128x300xf32, #tpu.memory_space<vmem>>
        %dma_start3A_267 = tpu.memref_squeeze %dma_start3A_266 : memref<1x128x300xf32, #tpu.memory_space<vmem>> -> memref<128x300xf32, #tpu.memory_space<vmem>>
        %dma_start3A_268 = arith.constant 0 : i32
        %dma_start3A_269 = tpu.memref_slice %dma_start3A_267[%add3A_254, %dma_start3A_268] : memref<128x300xf32, #tpu.memory_space<vmem>> -> memref<1x300xf32, #tpu.memory_space<vmem>>
        %dma_start3A_270 = arith.constant 0 : i32
        %dma_start3A_271 = tpu.memref_slice %arg3[%squeeze3A_250, %dma_start3A_270] : memref<400001x300xf32, #tpu.memory_space<hbm>> -> memref<1x300xf32, #tpu.memory_space<hbm>>
        tpu.enqueue_dma source(%dma_start3A_271 : memref<1x300xf32, #tpu.memory_space<hbm>>) target(%dma_start3A_269 : memref<1x300xf32, #tpu.memory_space<vmem>>) target_semaphore(%arg8 : memref<!tpu.dma_semaphore, #tpu.memory_space<semaphore_mem>>)
        %slice3A_272 = vector.extract_strided_slice %get3A_135 {offsets = [6], sizes = [1], strides = [1]} : vector<16xi32> to vector<1xi32>
        %squeeze3A_273 = vector.extract %slice3A_272[0] : i32 from vector<1xi32>
        %mul3A_274 = arith.constant 16 : i32
        %mul3A_275 = arith.muli %add3A_128, %mul3A_274 : i32
        %add3A_276 = arith.constant 6 : i32
        %add3A_277 = arith.addi %mul3A_275, %add3A_276 : i32
        %dma_start3A_278 = arith.constant 1 : i32
        %dma_start3A_279 = arith.constant 0 : i32
        %dma_start3A_280 = arith.constant 0 : i32
        %dma_start3A_281 = tpu.memref_slice %arg6[%dma_start3A_278, %dma_start3A_279, %dma_start3A_280] : memref<2x128x300xf32, #tpu.memory_space<vmem>> -> memref<1x128x300xf32, #tpu.memory_space<vmem>>
        %dma_start3A_282 = tpu.memref_squeeze %dma_start3A_281 : memref<1x128x300xf32, #tpu.memory_space<vmem>> -> memref<128x300xf32, #tpu.memory_space<vmem>>
        %dma_start3A_283 = arith.constant 0 : i32
        %dma_start3A_284 = tpu.memref_slice %dma_start3A_282[%add3A_277, %dma_start3A_283] : memref<128x300xf32, #tpu.memory_space<vmem>> -> memref<1x300xf32, #tpu.memory_space<vmem>>
        %dma_start3A_285 = arith.constant 0 : i32
        %dma_start3A_286 = tpu.memref_slice %arg3[%squeeze3A_273, %dma_start3A_285] : memref<400001x300xf32, #tpu.memory_space<hbm>> -> memref<1x300xf32, #tpu.memory_space<hbm>>
        %dma_start3A_287 = arith.constant 0 : i32
        %dma_start3A_288 = arith.constant 0 : i32
        %dma_start3A_289 = tpu.memref_slice %arg6[%dma_start3A_278, %dma_start3A_287, %dma_start3A_288] : memref<2x128x300xf32, #tpu.memory_space<vmem>> -> memref<1x128x300xf32, #tpu.memory_space<vmem>>
        %dma_start3A_290 = tpu.memref_squeeze %dma_start3A_289 : memref<1x128x300xf32, #tpu.memory_space<vmem>> -> memref<128x300xf32, #tpu.memory_space<vmem>>
        %dma_start3A_291 = arith.constant 0 : i32
        %dma_start3A_292 = tpu.memref_slice %dma_start3A_290[%add3A_277, %dma_start3A_291] : memref<128x300xf32, #tpu.memory_space<vmem>> -> memref<1x300xf32, #tpu.memory_space<vmem>>
        %dma_start3A_293 = arith.constant 0 : i32
        %dma_start3A_294 = tpu.memref_slice %arg3[%squeeze3A_273, %dma_start3A_293] : memref<400001x300xf32, #tpu.memory_space<hbm>> -> memref<1x300xf32, #tpu.memory_space<hbm>>
        tpu.enqueue_dma source(%dma_start3A_294 : memref<1x300xf32, #tpu.memory_space<hbm>>) target(%dma_start3A_292 : memref<1x300xf32, #tpu.memory_space<vmem>>) target_semaphore(%arg8 : memref<!tpu.dma_semaphore, #tpu.memory_space<semaphore_mem>>)
        %slice3A_295 = vector.extract_strided_slice %get3A_135 {offsets = [7], sizes = [1], strides = [1]} : vector<16xi32> to vector<1xi32>
        %squeeze3A_296 = vector.extract %slice3A_295[0] : i32 from vector<1xi32>
        %mul3A_297 = arith.constant 16 : i32
        %mul3A_298 = arith.muli %add3A_128, %mul3A_297 : i32
        %add3A_299 = arith.constant 7 : i32
        %add3A_300 = arith.addi %mul3A_298, %add3A_299 : i32
        %dma_start3A_301 = arith.constant 1 : i32
        %dma_start3A_302 = arith.constant 0 : i32
        %dma_start3A_303 = arith.constant 0 : i32
        %dma_start3A_304 = tpu.memref_slice %arg6[%dma_start3A_301, %dma_start3A_302, %dma_start3A_303] : memref<2x128x300xf32, #tpu.memory_space<vmem>> -> memref<1x128x300xf32, #tpu.memory_space<vmem>>
        %dma_start3A_305 = tpu.memref_squeeze %dma_start3A_304 : memref<1x128x300xf32, #tpu.memory_space<vmem>> -> memref<128x300xf32, #tpu.memory_space<vmem>>
        %dma_start3A_306 = arith.constant 0 : i32
        %dma_start3A_307 = tpu.memref_slice %dma_start3A_305[%add3A_300, %dma_start3A_306] : memref<128x300xf32, #tpu.memory_space<vmem>> -> memref<1x300xf32, #tpu.memory_space<vmem>>
        %dma_start3A_308 = arith.constant 0 : i32
        %dma_start3A_309 = tpu.memref_slice %arg3[%squeeze3A_296, %dma_start3A_308] : memref<400001x300xf32, #tpu.memory_space<hbm>> -> memref<1x300xf32, #tpu.memory_space<hbm>>
        %dma_start3A_310 = arith.constant 0 : i32
        %dma_start3A_311 = arith.constant 0 : i32
        %dma_start3A_312 = tpu.memref_slice %arg6[%dma_start3A_301, %dma_start3A_310, %dma_start3A_311] : memref<2x128x300xf32, #tpu.memory_space<vmem>> -> memref<1x128x300xf32, #tpu.memory_space<vmem>>
        %dma_start3A_313 = tpu.memref_squeeze %dma_start3A_312 : memref<1x128x300xf32, #tpu.memory_space<vmem>> -> memref<128x300xf32, #tpu.memory_space<vmem>>
        %dma_start3A_314 = arith.constant 0 : i32
        %dma_start3A_315 = tpu.memref_slice %dma_start3A_313[%add3A_300, %dma_start3A_314] : memref<128x300xf32, #tpu.memory_space<vmem>> -> memref<1x300xf32, #tpu.memory_space<vmem>>
        %dma_start3A_316 = arith.constant 0 : i32
        %dma_start3A_317 = tpu.memref_slice %arg3[%squeeze3A_296, %dma_start3A_316] : memref<400001x300xf32, #tpu.memory_space<hbm>> -> memref<1x300xf32, #tpu.memory_space<hbm>>
        tpu.enqueue_dma source(%dma_start3A_317 : memref<1x300xf32, #tpu.memory_space<hbm>>) target(%dma_start3A_315 : memref<1x300xf32, #tpu.memory_space<vmem>>) target_semaphore(%arg8 : memref<!tpu.dma_semaphore, #tpu.memory_space<semaphore_mem>>)
        %slice3A_318 = vector.extract_strided_slice %get3A_135 {offsets = [8], sizes = [1], strides = [1]} : vector<16xi32> to vector<1xi32>
        %squeeze3A_319 = vector.extract %slice3A_318[0] : i32 from vector<1xi32>
        %mul3A_320 = arith.constant 16 : i32
        %mul3A_321 = arith.muli %add3A_128, %mul3A_320 : i32
        %add3A_322 = arith.constant 8 : i32
        %add3A_323 = arith.addi %mul3A_321, %add3A_322 : i32
        %dma_start3A_324 = arith.constant 1 : i32
        %dma_start3A_325 = arith.constant 0 : i32
        %dma_start3A_326 = arith.constant 0 : i32
        %dma_start3A_327 = tpu.memref_slice %arg6[%dma_start3A_324, %dma_start3A_325, %dma_start3A_326] : memref<2x128x300xf32, #tpu.memory_space<vmem>> -> memref<1x128x300xf32, #tpu.memory_space<vmem>>
        %dma_start3A_328 = tpu.memref_squeeze %dma_start3A_327 : memref<1x128x300xf32, #tpu.memory_space<vmem>> -> memref<128x300xf32, #tpu.memory_space<vmem>>
        %dma_start3A_329 = arith.constant 0 : i32
        %dma_start3A_330 = tpu.memref_slice %dma_start3A_328[%add3A_323, %dma_start3A_329] : memref<128x300xf32, #tpu.memory_space<vmem>> -> memref<1x300xf32, #tpu.memory_space<vmem>>
        %dma_start3A_331 = arith.constant 0 : i32
        %dma_start3A_332 = tpu.memref_slice %arg3[%squeeze3A_319, %dma_start3A_331] : memref<400001x300xf32, #tpu.memory_space<hbm>> -> memref<1x300xf32, #tpu.memory_space<hbm>>
        %dma_start3A_333 = arith.constant 0 : i32
        %dma_start3A_334 = arith.constant 0 : i32
        %dma_start3A_335 = tpu.memref_slice %arg6[%dma_start3A_324, %dma_start3A_333, %dma_start3A_334] : memref<2x128x300xf32, #tpu.memory_space<vmem>> -> memref<1x128x300xf32, #tpu.memory_space<vmem>>
        %dma_start3A_336 = tpu.memref_squeeze %dma_start3A_335 : memref<1x128x300xf32, #tpu.memory_space<vmem>> -> memref<128x300xf32, #tpu.memory_space<vmem>>
        %dma_start3A_337 = arith.constant 0 : i32
        %dma_start3A_338 = tpu.memref_slice %dma_start3A_336[%add3A_323, %dma_start3A_337] : memref<128x300xf32, #tpu.memory_space<vmem>> -> memref<1x300xf32, #tpu.memory_space<vmem>>
        %dma_start3A_339 = arith.constant 0 : i32
        %dma_start3A_340 = tpu.memref_slice %arg3[%squeeze3A_319, %dma_start3A_339] : memref<400001x300xf32, #tpu.memory_space<hbm>> -> memref<1x300xf32, #tpu.memory_space<hbm>>
        tpu.enqueue_dma source(%dma_start3A_340 : memref<1x300xf32, #tpu.memory_space<hbm>>) target(%dma_start3A_338 : memref<1x300xf32, #tpu.memory_space<vmem>>) target_semaphore(%arg8 : memref<!tpu.dma_semaphore, #tpu.memory_space<semaphore_mem>>)
        %slice3A_341 = vector.extract_strided_slice %get3A_135 {offsets = [9], sizes = [1], strides = [1]} : vector<16xi32> to vector<1xi32>
        %squeeze3A_342 = vector.extract %slice3A_341[0] : i32 from vector<1xi32>
        %mul3A_343 = arith.constant 16 : i32
        %mul3A_344 = arith.muli %add3A_128, %mul3A_343 : i32
        %add3A_345 = arith.constant 9 : i32
        %add3A_346 = arith.addi %mul3A_344, %add3A_345 : i32
        %dma_start3A_347 = arith.constant 1 : i32
        %dma_start3A_348 = arith.constant 0 : i32
        %dma_start3A_349 = arith.constant 0 : i32
        %dma_start3A_350 = tpu.memref_slice %arg6[%dma_start3A_347, %dma_start3A_348, %dma_start3A_349] : memref<2x128x300xf32, #tpu.memory_space<vmem>> -> memref<1x128x300xf32, #tpu.memory_space<vmem>>
        %dma_start3A_351 = tpu.memref_squeeze %dma_start3A_350 : memref<1x128x300xf32, #tpu.memory_space<vmem>> -> memref<128x300xf32, #tpu.memory_space<vmem>>
        %dma_start3A_352 = arith.constant 0 : i32
        %dma_start3A_353 = tpu.memref_slice %dma_start3A_351[%add3A_346, %dma_start3A_352] : memref<128x300xf32, #tpu.memory_space<vmem>> -> memref<1x300xf32, #tpu.memory_space<vmem>>
        %dma_start3A_354 = arith.constant 0 : i32
        %dma_start3A_355 = tpu.memref_slice %arg3[%squeeze3A_342, %dma_start3A_354] : memref<400001x300xf32, #tpu.memory_space<hbm>> -> memref<1x300xf32, #tpu.memory_space<hbm>>
        %dma_start3A_356 = arith.constant 0 : i32
        %dma_start3A_357 = arith.constant 0 : i32
        %dma_start3A_358 = tpu.memref_slice %arg6[%dma_start3A_347, %dma_start3A_356, %dma_start3A_357] : memref<2x128x300xf32, #tpu.memory_space<vmem>> -> memref<1x128x300xf32, #tpu.memory_space<vmem>>
        %dma_start3A_359 = tpu.memref_squeeze %dma_start3A_358 : memref<1x128x300xf32, #tpu.memory_space<vmem>> -> memref<128x300xf32, #tpu.memory_space<vmem>>
        %dma_start3A_360 = arith.constant 0 : i32
        %dma_start3A_361 = tpu.memref_slice %dma_start3A_359[%add3A_346, %dma_start3A_360] : memref<128x300xf32, #tpu.memory_space<vmem>> -> memref<1x300xf32, #tpu.memory_space<vmem>>
        %dma_start3A_362 = arith.constant 0 : i32
        %dma_start3A_363 = tpu.memref_slice %arg3[%squeeze3A_342, %dma_start3A_362] : memref<400001x300xf32, #tpu.memory_space<hbm>> -> memref<1x300xf32, #tpu.memory_space<hbm>>
        tpu.enqueue_dma source(%dma_start3A_363 : memref<1x300xf32, #tpu.memory_space<hbm>>) target(%dma_start3A_361 : memref<1x300xf32, #tpu.memory_space<vmem>>) target_semaphore(%arg8 : memref<!tpu.dma_semaphore, #tpu.memory_space<semaphore_mem>>)
        %slice3A_364 = vector.extract_strided_slice %get3A_135 {offsets = [10], sizes = [1], strides = [1]} : vector<16xi32> to vector<1xi32>
        %squeeze3A_365 = vector.extract %slice3A_364[0] : i32 from vector<1xi32>
        %mul3A_366 = arith.constant 16 : i32
        %mul3A_367 = arith.muli %add3A_128, %mul3A_366 : i32
        %add3A_368 = arith.constant 10 : i32
        %add3A_369 = arith.addi %mul3A_367, %add3A_368 : i32
        %dma_start3A_370 = arith.constant 1 : i32
        %dma_start3A_371 = arith.constant 0 : i32
        %dma_start3A_372 = arith.constant 0 : i32
        %dma_start3A_373 = tpu.memref_slice %arg6[%dma_start3A_370, %dma_start3A_371, %dma_start3A_372] : memref<2x128x300xf32, #tpu.memory_space<vmem>> -> memref<1x128x300xf32, #tpu.memory_space<vmem>>
        %dma_start3A_374 = tpu.memref_squeeze %dma_start3A_373 : memref<1x128x300xf32, #tpu.memory_space<vmem>> -> memref<128x300xf32, #tpu.memory_space<vmem>>
        %dma_start3A_375 = arith.constant 0 : i32
        %dma_start3A_376 = tpu.memref_slice %dma_start3A_374[%add3A_369, %dma_start3A_375] : memref<128x300xf32, #tpu.memory_space<vmem>> -> memref<1x300xf32, #tpu.memory_space<vmem>>
        %dma_start3A_377 = arith.constant 0 : i32
        %dma_start3A_378 = tpu.memref_slice %arg3[%squeeze3A_365, %dma_start3A_377] : memref<400001x300xf32, #tpu.memory_space<hbm>> -> memref<1x300xf32, #tpu.memory_space<hbm>>
        %dma_start3A_379 = arith.constant 0 : i32
        %dma_start3A_380 = arith.constant 0 : i32
        %dma_start3A_381 = tpu.memref_slice %arg6[%dma_start3A_370, %dma_start3A_379, %dma_start3A_380] : memref<2x128x300xf32, #tpu.memory_space<vmem>> -> memref<1x128x300xf32, #tpu.memory_space<vmem>>
        %dma_start3A_382 = tpu.memref_squeeze %dma_start3A_381 : memref<1x128x300xf32, #tpu.memory_space<vmem>> -> memref<128x300xf32, #tpu.memory_space<vmem>>
        %dma_start3A_383 = arith.constant 0 : i32
        %dma_start3A_384 = tpu.memref_slice %dma_start3A_382[%add3A_369, %dma_start3A_383] : memref<128x300xf32, #tpu.memory_space<vmem>> -> memref<1x300xf32, #tpu.memory_space<vmem>>
        %dma_start3A_385 = arith.constant 0 : i32
        %dma_start3A_386 = tpu.memref_slice %arg3[%squeeze3A_365, %dma_start3A_385] : memref<400001x300xf32, #tpu.memory_space<hbm>> -> memref<1x300xf32, #tpu.memory_space<hbm>>
        tpu.enqueue_dma source(%dma_start3A_386 : memref<1x300xf32, #tpu.memory_space<hbm>>) target(%dma_start3A_384 : memref<1x300xf32, #tpu.memory_space<vmem>>) target_semaphore(%arg8 : memref<!tpu.dma_semaphore, #tpu.memory_space<semaphore_mem>>)
        %slice3A_387 = vector.extract_strided_slice %get3A_135 {offsets = [11], sizes = [1], strides = [1]} : vector<16xi32> to vector<1xi32>
        %squeeze3A_388 = vector.extract %slice3A_387[0] : i32 from vector<1xi32>
        %mul3A_389 = arith.constant 16 : i32
        %mul3A_390 = arith.muli %add3A_128, %mul3A_389 : i32
        %add3A_391 = arith.constant 11 : i32
        %add3A_392 = arith.addi %mul3A_390, %add3A_391 : i32
        %dma_start3A_393 = arith.constant 1 : i32
        %dma_start3A_394 = arith.constant 0 : i32
        %dma_start3A_395 = arith.constant 0 : i32
        %dma_start3A_396 = tpu.memref_slice %arg6[%dma_start3A_393, %dma_start3A_394, %dma_start3A_395] : memref<2x128x300xf32, #tpu.memory_space<vmem>> -> memref<1x128x300xf32, #tpu.memory_space<vmem>>
        %dma_start3A_397 = tpu.memref_squeeze %dma_start3A_396 : memref<1x128x300xf32, #tpu.memory_space<vmem>> -> memref<128x300xf32, #tpu.memory_space<vmem>>
        %dma_start3A_398 = arith.constant 0 : i32
        %dma_start3A_399 = tpu.memref_slice %dma_start3A_397[%add3A_392, %dma_start3A_398] : memref<128x300xf32, #tpu.memory_space<vmem>> -> memref<1x300xf32, #tpu.memory_space<vmem>>
        %dma_start3A_400 = arith.constant 0 : i32
        %dma_start3A_401 = tpu.memref_slice %arg3[%squeeze3A_388, %dma_start3A_400] : memref<400001x300xf32, #tpu.memory_space<hbm>> -> memref<1x300xf32, #tpu.memory_space<hbm>>
        %dma_start3A_402 = arith.constant 0 : i32
        %dma_start3A_403 = arith.constant 0 : i32
        %dma_start3A_404 = tpu.memref_slice %arg6[%dma_start3A_393, %dma_start3A_402, %dma_start3A_403] : memref<2x128x300xf32, #tpu.memory_space<vmem>> -> memref<1x128x300xf32, #tpu.memory_space<vmem>>
        %dma_start3A_405 = tpu.memref_squeeze %dma_start3A_404 : memref<1x128x300xf32, #tpu.memory_space<vmem>> -> memref<128x300xf32, #tpu.memory_space<vmem>>
        %dma_start3A_406 = arith.constant 0 : i32
        %dma_start3A_407 = tpu.memref_slice %dma_start3A_405[%add3A_392, %dma_start3A_406] : memref<128x300xf32, #tpu.memory_space<vmem>> -> memref<1x300xf32, #tpu.memory_space<vmem>>
        %dma_start3A_408 = arith.constant 0 : i32
        %dma_start3A_409 = tpu.memref_slice %arg3[%squeeze3A_388, %dma_start3A_408] : memref<400001x300xf32, #tpu.memory_space<hbm>> -> memref<1x300xf32, #tpu.memory_space<hbm>>
        tpu.enqueue_dma source(%dma_start3A_409 : memref<1x300xf32, #tpu.memory_space<hbm>>) target(%dma_start3A_407 : memref<1x300xf32, #tpu.memory_space<vmem>>) target_semaphore(%arg8 : memref<!tpu.dma_semaphore, #tpu.memory_space<semaphore_mem>>)
        %slice3A_410 = vector.extract_strided_slice %get3A_135 {offsets = [12], sizes = [1], strides = [1]} : vector<16xi32> to vector<1xi32>
        %squeeze3A_411 = vector.extract %slice3A_410[0] : i32 from vector<1xi32>
        %mul3A_412 = arith.constant 16 : i32
        %mul3A_413 = arith.muli %add3A_128, %mul3A_412 : i32
        %add3A_414 = arith.constant 12 : i32
        %add3A_415 = arith.addi %mul3A_413, %add3A_414 : i32
        %dma_start3A_416 = arith.constant 1 : i32
        %dma_start3A_417 = arith.constant 0 : i32
        %dma_start3A_418 = arith.constant 0 : i32
        %dma_start3A_419 = tpu.memref_slice %arg6[%dma_start3A_416, %dma_start3A_417, %dma_start3A_418] : memref<2x128x300xf32, #tpu.memory_space<vmem>> -> memref<1x128x300xf32, #tpu.memory_space<vmem>>
        %dma_start3A_420 = tpu.memref_squeeze %dma_start3A_419 : memref<1x128x300xf32, #tpu.memory_space<vmem>> -> memref<128x300xf32, #tpu.memory_space<vmem>>
        %dma_start3A_421 = arith.constant 0 : i32
        %dma_start3A_422 = tpu.memref_slice %dma_start3A_420[%add3A_415, %dma_start3A_421] : memref<128x300xf32, #tpu.memory_space<vmem>> -> memref<1x300xf32, #tpu.memory_space<vmem>>
        %dma_start3A_423 = arith.constant 0 : i32
        %dma_start3A_424 = tpu.memref_slice %arg3[%squeeze3A_411, %dma_start3A_423] : memref<400001x300xf32, #tpu.memory_space<hbm>> -> memref<1x300xf32, #tpu.memory_space<hbm>>
        %dma_start3A_425 = arith.constant 0 : i32
        %dma_start3A_426 = arith.constant 0 : i32
        %dma_start3A_427 = tpu.memref_slice %arg6[%dma_start3A_416, %dma_start3A_425, %dma_start3A_426] : memref<2x128x300xf32, #tpu.memory_space<vmem>> -> memref<1x128x300xf32, #tpu.memory_space<vmem>>
        %dma_start3A_428 = tpu.memref_squeeze %dma_start3A_427 : memref<1x128x300xf32, #tpu.memory_space<vmem>> -> memref<128x300xf32, #tpu.memory_space<vmem>>
        %dma_start3A_429 = arith.constant 0 : i32
        %dma_start3A_430 = tpu.memref_slice %dma_start3A_428[%add3A_415, %dma_start3A_429] : memref<128x300xf32, #tpu.memory_space<vmem>> -> memref<1x300xf32, #tpu.memory_space<vmem>>
        %dma_start3A_431 = arith.constant 0 : i32
        %dma_start3A_432 = tpu.memref_slice %arg3[%squeeze3A_411, %dma_start3A_431] : memref<400001x300xf32, #tpu.memory_space<hbm>> -> memref<1x300xf32, #tpu.memory_space<hbm>>
        tpu.enqueue_dma source(%dma_start3A_432 : memref<1x300xf32, #tpu.memory_space<hbm>>) target(%dma_start3A_430 : memref<1x300xf32, #tpu.memory_space<vmem>>) target_semaphore(%arg8 : memref<!tpu.dma_semaphore, #tpu.memory_space<semaphore_mem>>)
        %slice3A_433 = vector.extract_strided_slice %get3A_135 {offsets = [13], sizes = [1], strides = [1]} : vector<16xi32> to vector<1xi32>
        %squeeze3A_434 = vector.extract %slice3A_433[0] : i32 from vector<1xi32>
        %mul3A_435 = arith.constant 16 : i32
        %mul3A_436 = arith.muli %add3A_128, %mul3A_435 : i32
        %add3A_437 = arith.constant 13 : i32
        %add3A_438 = arith.addi %mul3A_436, %add3A_437 : i32
        %dma_start3A_439 = arith.constant 1 : i32
        %dma_start3A_440 = arith.constant 0 : i32
        %dma_start3A_441 = arith.constant 0 : i32
        %dma_start3A_442 = tpu.memref_slice %arg6[%dma_start3A_439, %dma_start3A_440, %dma_start3A_441] : memref<2x128x300xf32, #tpu.memory_space<vmem>> -> memref<1x128x300xf32, #tpu.memory_space<vmem>>
        %dma_start3A_443 = tpu.memref_squeeze %dma_start3A_442 : memref<1x128x300xf32, #tpu.memory_space<vmem>> -> memref<128x300xf32, #tpu.memory_space<vmem>>
        %dma_start3A_444 = arith.constant 0 : i32
        %dma_start3A_445 = tpu.memref_slice %dma_start3A_443[%add3A_438, %dma_start3A_444] : memref<128x300xf32, #tpu.memory_space<vmem>> -> memref<1x300xf32, #tpu.memory_space<vmem>>
        %dma_start3A_446 = arith.constant 0 : i32
        %dma_start3A_447 = tpu.memref_slice %arg3[%squeeze3A_434, %dma_start3A_446] : memref<400001x300xf32, #tpu.memory_space<hbm>> -> memref<1x300xf32, #tpu.memory_space<hbm>>
        %dma_start3A_448 = arith.constant 0 : i32
        %dma_start3A_449 = arith.constant 0 : i32
        %dma_start3A_450 = tpu.memref_slice %arg6[%dma_start3A_439, %dma_start3A_448, %dma_start3A_449] : memref<2x128x300xf32, #tpu.memory_space<vmem>> -> memref<1x128x300xf32, #tpu.memory_space<vmem>>
        %dma_start3A_451 = tpu.memref_squeeze %dma_start3A_450 : memref<1x128x300xf32, #tpu.memory_space<vmem>> -> memref<128x300xf32, #tpu.memory_space<vmem>>
        %dma_start3A_452 = arith.constant 0 : i32
        %dma_start3A_453 = tpu.memref_slice %dma_start3A_451[%add3A_438, %dma_start3A_452] : memref<128x300xf32, #tpu.memory_space<vmem>> -> memref<1x300xf32, #tpu.memory_space<vmem>>
        %dma_start3A_454 = arith.constant 0 : i32
        %dma_start3A_455 = tpu.memref_slice %arg3[%squeeze3A_434, %dma_start3A_454] : memref<400001x300xf32, #tpu.memory_space<hbm>> -> memref<1x300xf32, #tpu.memory_space<hbm>>
        tpu.enqueue_dma source(%dma_start3A_455 : memref<1x300xf32, #tpu.memory_space<hbm>>) target(%dma_start3A_453 : memref<1x300xf32, #tpu.memory_space<vmem>>) target_semaphore(%arg8 : memref<!tpu.dma_semaphore, #tpu.memory_space<semaphore_mem>>)
        %slice3A_456 = vector.extract_strided_slice %get3A_135 {offsets = [14], sizes = [1], strides = [1]} : vector<16xi32> to vector<1xi32>
        %squeeze3A_457 = vector.extract %slice3A_456[0] : i32 from vector<1xi32>
        %mul3A_458 = arith.constant 16 : i32
        %mul3A_459 = arith.muli %add3A_128, %mul3A_458 : i32
        %add3A_460 = arith.constant 14 : i32
        %add3A_461 = arith.addi %mul3A_459, %add3A_460 : i32
        %dma_start3A_462 = arith.constant 1 : i32
        %dma_start3A_463 = arith.constant 0 : i32
        %dma_start3A_464 = arith.constant 0 : i32
        %dma_start3A_465 = tpu.memref_slice %arg6[%dma_start3A_462, %dma_start3A_463, %dma_start3A_464] : memref<2x128x300xf32, #tpu.memory_space<vmem>> -> memref<1x128x300xf32, #tpu.memory_space<vmem>>
        %dma_start3A_466 = tpu.memref_squeeze %dma_start3A_465 : memref<1x128x300xf32, #tpu.memory_space<vmem>> -> memref<128x300xf32, #tpu.memory_space<vmem>>
        %dma_start3A_467 = arith.constant 0 : i32
        %dma_start3A_468 = tpu.memref_slice %dma_start3A_466[%add3A_461, %dma_start3A_467] : memref<128x300xf32, #tpu.memory_space<vmem>> -> memref<1x300xf32, #tpu.memory_space<vmem>>
        %dma_start3A_469 = arith.constant 0 : i32
        %dma_start3A_470 = tpu.memref_slice %arg3[%squeeze3A_457, %dma_start3A_469] : memref<400001x300xf32, #tpu.memory_space<hbm>> -> memref<1x300xf32, #tpu.memory_space<hbm>>
        %dma_start3A_471 = arith.constant 0 : i32
        %dma_start3A_472 = arith.constant 0 : i32
        %dma_start3A_473 = tpu.memref_slice %arg6[%dma_start3A_462, %dma_start3A_471, %dma_start3A_472] : memref<2x128x300xf32, #tpu.memory_space<vmem>> -> memref<1x128x300xf32, #tpu.memory_space<vmem>>
        %dma_start3A_474 = tpu.memref_squeeze %dma_start3A_473 : memref<1x128x300xf32, #tpu.memory_space<vmem>> -> memref<128x300xf32, #tpu.memory_space<vmem>>
        %dma_start3A_475 = arith.constant 0 : i32
        %dma_start3A_476 = tpu.memref_slice %dma_start3A_474[%add3A_461, %dma_start3A_475] : memref<128x300xf32, #tpu.memory_space<vmem>> -> memref<1x300xf32, #tpu.memory_space<vmem>>
        %dma_start3A_477 = arith.constant 0 : i32
        %dma_start3A_478 = tpu.memref_slice %arg3[%squeeze3A_457, %dma_start3A_477] : memref<400001x300xf32, #tpu.memory_space<hbm>> -> memref<1x300xf32, #tpu.memory_space<hbm>>
        tpu.enqueue_dma source(%dma_start3A_478 : memref<1x300xf32, #tpu.memory_space<hbm>>) target(%dma_start3A_476 : memref<1x300xf32, #tpu.memory_space<vmem>>) target_semaphore(%arg8 : memref<!tpu.dma_semaphore, #tpu.memory_space<semaphore_mem>>)
        %slice3A_479 = vector.extract_strided_slice %get3A_135 {offsets = [15], sizes = [1], strides = [1]} : vector<16xi32> to vector<1xi32>
        %squeeze3A_480 = vector.extract %slice3A_479[0] : i32 from vector<1xi32>
        %mul3A_481 = arith.constant 16 : i32
        %mul3A_482 = arith.muli %add3A_128, %mul3A_481 : i32
        %add3A_483 = arith.constant 15 : i32
        %add3A_484 = arith.addi %mul3A_482, %add3A_483 : i32
        %dma_start3A_485 = arith.constant 1 : i32
        %dma_start3A_486 = arith.constant 0 : i32
        %dma_start3A_487 = arith.constant 0 : i32
        %dma_start3A_488 = tpu.memref_slice %arg6[%dma_start3A_485, %dma_start3A_486, %dma_start3A_487] : memref<2x128x300xf32, #tpu.memory_space<vmem>> -> memref<1x128x300xf32, #tpu.memory_space<vmem>>
        %dma_start3A_489 = tpu.memref_squeeze %dma_start3A_488 : memref<1x128x300xf32, #tpu.memory_space<vmem>> -> memref<128x300xf32, #tpu.memory_space<vmem>>
        %dma_start3A_490 = arith.constant 0 : i32
        %dma_start3A_491 = tpu.memref_slice %dma_start3A_489[%add3A_484, %dma_start3A_490] : memref<128x300xf32, #tpu.memory_space<vmem>> -> memref<1x300xf32, #tpu.memory_space<vmem>>
        %dma_start3A_492 = arith.constant 0 : i32
        %dma_start3A_493 = tpu.memref_slice %arg3[%squeeze3A_480, %dma_start3A_492] : memref<400001x300xf32, #tpu.memory_space<hbm>> -> memref<1x300xf32, #tpu.memory_space<hbm>>
        %dma_start3A_494 = arith.constant 0 : i32
        %dma_start3A_495 = arith.constant 0 : i32
        %dma_start3A_496 = tpu.memref_slice %arg6[%dma_start3A_485, %dma_start3A_494, %dma_start3A_495] : memref<2x128x300xf32, #tpu.memory_space<vmem>> -> memref<1x128x300xf32, #tpu.memory_space<vmem>>
        %dma_start3A_497 = tpu.memref_squeeze %dma_start3A_496 : memref<1x128x300xf32, #tpu.memory_space<vmem>> -> memref<128x300xf32, #tpu.memory_space<vmem>>
        %dma_start3A_498 = arith.constant 0 : i32
        %dma_start3A_499 = tpu.memref_slice %dma_start3A_497[%add3A_484, %dma_start3A_498] : memref<128x300xf32, #tpu.memory_space<vmem>> -> memref<1x300xf32, #tpu.memory_space<vmem>>
        %dma_start3A_500 = arith.constant 0 : i32
        %dma_start3A_501 = tpu.memref_slice %arg3[%squeeze3A_480, %dma_start3A_500] : memref<400001x300xf32, #tpu.memory_space<hbm>> -> memref<1x300xf32, #tpu.memory_space<hbm>>
        tpu.enqueue_dma source(%dma_start3A_501 : memref<1x300xf32, #tpu.memory_space<hbm>>) target(%dma_start3A_499 : memref<1x300xf32, #tpu.memory_space<vmem>>) target_semaphore(%arg8 : memref<!tpu.dma_semaphore, #tpu.memory_space<semaphore_mem>>)
      }
      %scan3A_56 = arith.constant 8 : i32
      %dma_wait3A_57 = arith.constant 0 : i32
      %dma_wait3A_58 = arith.constant 0 : i32
      %dma_wait3A_59 = arith.constant 0 : i32
      %dma_wait3A_60 = tpu.memref_slice %arg6[%dma_wait3A_57, %dma_wait3A_58, %dma_wait3A_59] : memref<2x128x300xf32, #tpu.memory_space<vmem>> -> memref<1x128x300xf32, #tpu.memory_space<vmem>>
      %dma_wait3A_61 = tpu.memref_squeeze %dma_wait3A_60 : memref<1x128x300xf32, #tpu.memory_space<vmem>> -> memref<128x300xf32, #tpu.memory_space<vmem>>
      %dma_wait3A_62 = arith.constant 0 : i32
      %dma_wait3A_63 = arith.constant 0 : i32
      %dma_wait3A_64 = tpu.memref_slice %arg4[%dma_wait3A_62, %dma_wait3A_63] : memref<204800x300xf32, #tpu.memory_space<hbm>> -> memref<128x300xf32, #tpu.memory_space<hbm>>
      %dma_wait3A_65 = arith.constant 0 : i32
      %dma_wait3A_66 = arith.constant 0 : i32
      %dma_wait3A_67 = tpu.memref_slice %arg6[%dma_wait3A_57, %dma_wait3A_65, %dma_wait3A_66] : memref<2x128x300xf32, #tpu.memory_space<vmem>> -> memref<1x128x300xf32, #tpu.memory_space<vmem>>
      %dma_wait3A_68 = tpu.memref_squeeze %dma_wait3A_67 : memref<1x128x300xf32, #tpu.memory_space<vmem>> -> memref<128x300xf32, #tpu.memory_space<vmem>>
      %dma_wait3A_69 = arith.constant 0 : i32
      %dma_wait3A_70 = arith.constant 0 : i32
      %dma_wait3A_71 = tpu.memref_slice %arg4[%dma_wait3A_69, %dma_wait3A_70] : memref<204800x300xf32, #tpu.memory_space<hbm>> -> memref<128x300xf32, #tpu.memory_space<hbm>>
      tpu.wait_dma2 semaphore(%arg7 : memref<!tpu.dma_semaphore, #tpu.memory_space<semaphore_mem>>) src(%dma_wait3A_71 : memref<128x300xf32, #tpu.memory_space<hbm>>) dst(%dma_wait3A_68 : memref<128x300xf32, #tpu.memory_space<vmem>>)
      %mul3A_72 = arith.constant 128 : i32
      %mul3A_73 = arith.muli %mul3A_47, %mul3A_72 : i32
      %add3A_74 = arith.addi %mul3A_2, %mul3A_73 : i32
      %dma_start3A = arith.constant 0 : i32
      %dma_start3A_75 = arith.constant 0 : i32
      %dma_start3A_76 = arith.constant 0 : i32
      %dma_start3A_77 = tpu.memref_slice %arg6[%dma_start3A, %dma_start3A_75, %dma_start3A_76] : memref<2x128x300xf32, #tpu.memory_space<vmem>> -> memref<1x128x300xf32, #tpu.memory_space<vmem>>
      %dma_start3A_78 = tpu.memref_squeeze %dma_start3A_77 : memref<1x128x300xf32, #tpu.memory_space<vmem>> -> memref<128x300xf32, #tpu.memory_space<vmem>>
      %dma_start3A_79 = arith.constant 0 : i32
      %dma_start3A_80 = tpu.memref_slice %arg4[%add3A_74, %dma_start3A_79] : memref<204800x300xf32, #tpu.memory_space<hbm>> -> memref<128x300xf32, #tpu.memory_space<hbm>>
      %dma_start3A_81 = arith.constant 0 : i32
      %dma_start3A_82 = tpu.memref_slice %arg4[%add3A_74, %dma_start3A_81] : memref<204800x300xf32, #tpu.memory_space<hbm>> -> memref<128x300xf32, #tpu.memory_space<hbm>>
      %dma_start3A_83 = arith.constant 0 : i32
      %dma_start3A_84 = arith.constant 0 : i32
      %dma_start3A_85 = tpu.memref_slice %arg6[%dma_start3A, %dma_start3A_83, %dma_start3A_84] : memref<2x128x300xf32, #tpu.memory_space<vmem>> -> memref<1x128x300xf32, #tpu.memory_space<vmem>>
      %dma_start3A_86 = tpu.memref_squeeze %dma_start3A_85 : memref<1x128x300xf32, #tpu.memory_space<vmem>> -> memref<128x300xf32, #tpu.memory_space<vmem>>
      tpu.enqueue_dma source(%dma_start3A_86 : memref<128x300xf32, #tpu.memory_space<vmem>>) target(%dma_start3A_82 : memref<128x300xf32, #tpu.memory_space<hbm>>) target_semaphore(%arg9 : memref<!tpu.dma_semaphore, #tpu.memory_space<semaphore_mem>>)
      %lt3A = arith.constant 24 : i32
      %lt3A_87 = arith.cmpi slt, %add3A_45, %lt3A : i32
      %convert_element_type3A_88 = arith.extui %lt3A_87 : i1 to i32
      %cond3A_89 = arith.constant 0 : i32
      %cond3A_90 = arith.cmpi ne, %convert_element_type3A_88, %cond3A_89 : i32
      scf.if %cond3A_90 {
        %dma_wait3A_124 = arith.constant 0 : i32
        %dma_wait3A_125 = arith.constant 0 : i32
        %dma_wait3A_126 = arith.constant 0 : i32
        %dma_wait3A_127 = tpu.memref_slice %arg6[%dma_wait3A_124, %dma_wait3A_125, %dma_wait3A_126] : memref<2x128x300xf32, #tpu.memory_space<vmem>> -> memref<1x128x300xf32, #tpu.memory_space<vmem>>
        %dma_wait3A_128 = tpu.memref_squeeze %dma_wait3A_127 : memref<1x128x300xf32, #tpu.memory_space<vmem>> -> memref<128x300xf32, #tpu.memory_space<vmem>>
        %dma_wait3A_129 = arith.constant 0 : i32
        %dma_wait3A_130 = arith.constant 0 : i32
        %dma_wait3A_131 = tpu.memref_slice %arg4[%dma_wait3A_129, %dma_wait3A_130] : memref<204800x300xf32, #tpu.memory_space<hbm>> -> memref<128x300xf32, #tpu.memory_space<hbm>>
        %dma_wait3A_132 = arith.constant 0 : i32
        %dma_wait3A_133 = arith.constant 0 : i32
        %dma_wait3A_134 = tpu.memref_slice %arg6[%dma_wait3A_124, %dma_wait3A_132, %dma_wait3A_133] : memref<2x128x300xf32, #tpu.memory_space<vmem>> -> memref<1x128x300xf32, #tpu.memory_space<vmem>>
        %dma_wait3A_135 = tpu.memref_squeeze %dma_wait3A_134 : memref<1x128x300xf32, #tpu.memory_space<vmem>> -> memref<128x300xf32, #tpu.memory_space<vmem>>
        %dma_wait3A_136 = arith.constant 0 : i32
        %dma_wait3A_137 = arith.constant 0 : i32
        %dma_wait3A_138 = tpu.memref_slice %arg4[%dma_wait3A_136, %dma_wait3A_137] : memref<204800x300xf32, #tpu.memory_space<hbm>> -> memref<128x300xf32, #tpu.memory_space<hbm>>
        tpu.wait_dma2 semaphore(%arg9 : memref<!tpu.dma_semaphore, #tpu.memory_space<semaphore_mem>>) src(%dma_wait3A_138 : memref<128x300xf32, #tpu.memory_space<hbm>>) dst(%dma_wait3A_135 : memref<128x300xf32, #tpu.memory_space<vmem>>)
        %add3A_139 = arith.constant 2 : i32
        %add3A_140 = arith.addi %mul3A_47, %add3A_139 : i32
        %scan3A_141 = arith.constant 0 : i32
        %scan3A_142 = arith.constant 8 : i32
        %scan3A_143 = arith.addi %scan3A_141, %scan3A_142 : i32
        %scan3A_144 = arith.constant 1 : i32
        scf.for %scan3A_146 = %scan3A_141 to %scan3A_143 step %scan3A_144  : i32 {
          %mul3A_147 = arith.constant 1 : i32
          %mul3A_148 = arith.muli %scan3A_146, %mul3A_147 : i32
          %add3A_149 = arith.constant 0 : i32
          %add3A_150 = arith.addi %add3A_149, %mul3A_148 : i32
          %mul3A_151 = arith.constant 128 : i32
          %mul3A_152 = arith.muli %add3A_140, %mul3A_151 : i32
          %mul3A_153 = arith.constant 16 : i32
          %mul3A_154 = arith.muli %add3A_150, %mul3A_153 : i32
          %add3A_155 = arith.addi %mul3A_152, %mul3A_154 : i32
          %get3A = arith.index_cast %add3A_155 : i32 to index
          %get3A_156 = tpu.vector_load %arg5[%get3A] {strides = array<i32>} : memref<6400xi32, #tpu.memory_space<vmem>>, vector<16xi32>,
          %get3A_157 = vector.shape_cast %get3A_156 : vector<16xi32> to vector<16xi32>
          %slice3A = vector.extract_strided_slice %get3A_157 {offsets = [0], sizes = [1], strides = [1]} : vector<16xi32> to vector<1xi32>
          %squeeze3A = vector.extract %slice3A[0] : i32 from vector<1xi32>
          %mul3A_158 = arith.constant 16 : i32
          %mul3A_159 = arith.muli %add3A_150, %mul3A_158 : i32
          %add3A_160 = arith.constant 0 : i32
          %add3A_161 = arith.addi %mul3A_159, %add3A_160 : i32
          %dma_start3A_162 = arith.constant 0 : i32
          %dma_start3A_163 = arith.constant 0 : i32
          %dma_start3A_164 = arith.constant 0 : i32
          %dma_start3A_165 = tpu.memref_slice %arg6[%dma_start3A_162, %dma_start3A_163, %dma_start3A_164] : memref<2x128x300xf32, #tpu.memory_space<vmem>> -> memref<1x128x300xf32, #tpu.memory_space<vmem>>
          %dma_start3A_166 = tpu.memref_squeeze %dma_start3A_165 : memref<1x128x300xf32, #tpu.memory_space<vmem>> -> memref<128x300xf32, #tpu.memory_space<vmem>>
          %dma_start3A_167 = arith.constant 0 : i32
          %dma_start3A_168 = tpu.memref_slice %dma_start3A_166[%add3A_161, %dma_start3A_167] : memref<128x300xf32, #tpu.memory_space<vmem>> -> memref<1x300xf32, #tpu.memory_space<vmem>>
          %dma_start3A_169 = arith.constant 0 : i32
          %dma_start3A_170 = tpu.memref_slice %arg3[%squeeze3A, %dma_start3A_169] : memref<400001x300xf32, #tpu.memory_space<hbm>> -> memref<1x300xf32, #tpu.memory_space<hbm>>
          %dma_start3A_171 = arith.constant 0 : i32
          %dma_start3A_172 = arith.constant 0 : i32
          %dma_start3A_173 = tpu.memref_slice %arg6[%dma_start3A_162, %dma_start3A_171, %dma_start3A_172] : memref<2x128x300xf32, #tpu.memory_space<vmem>> -> memref<1x128x300xf32, #tpu.memory_space<vmem>>
          %dma_start3A_174 = tpu.memref_squeeze %dma_start3A_173 : memref<1x128x300xf32, #tpu.memory_space<vmem>> -> memref<128x300xf32, #tpu.memory_space<vmem>>
          %dma_start3A_175 = arith.constant 0 : i32
          %dma_start3A_176 = tpu.memref_slice %dma_start3A_174[%add3A_161, %dma_start3A_175] : memref<128x300xf32, #tpu.memory_space<vmem>> -> memref<1x300xf32, #tpu.memory_space<vmem>>
          %dma_start3A_177 = arith.constant 0 : i32
          %dma_start3A_178 = tpu.memref_slice %arg3[%squeeze3A, %dma_start3A_177] : memref<400001x300xf32, #tpu.memory_space<hbm>> -> memref<1x300xf32, #tpu.memory_space<hbm>>
          tpu.enqueue_dma source(%dma_start3A_178 : memref<1x300xf32, #tpu.memory_space<hbm>>) target(%dma_start3A_176 : memref<1x300xf32, #tpu.memory_space<vmem>>) target_semaphore(%arg7 : memref<!tpu.dma_semaphore, #tpu.memory_space<semaphore_mem>>)
          %slice3A_179 = vector.extract_strided_slice %get3A_157 {offsets = [1], sizes = [1], strides = [1]} : vector<16xi32> to vector<1xi32>
          %squeeze3A_180 = vector.extract %slice3A_179[0] : i32 from vector<1xi32>
          %mul3A_181 = arith.constant 16 : i32
          %mul3A_182 = arith.muli %add3A_150, %mul3A_181 : i32
          %add3A_183 = arith.constant 1 : i32
          %add3A_184 = arith.addi %mul3A_182, %add3A_183 : i32
          %dma_start3A_185 = arith.constant 0 : i32
          %dma_start3A_186 = arith.constant 0 : i32
          %dma_start3A_187 = arith.constant 0 : i32
          %dma_start3A_188 = tpu.memref_slice %arg6[%dma_start3A_185, %dma_start3A_186, %dma_start3A_187] : memref<2x128x300xf32, #tpu.memory_space<vmem>> -> memref<1x128x300xf32, #tpu.memory_space<vmem>>
          %dma_start3A_189 = tpu.memref_squeeze %dma_start3A_188 : memref<1x128x300xf32, #tpu.memory_space<vmem>> -> memref<128x300xf32, #tpu.memory_space<vmem>>
          %dma_start3A_190 = arith.constant 0 : i32
          %dma_start3A_191 = tpu.memref_slice %dma_start3A_189[%add3A_184, %dma_start3A_190] : memref<128x300xf32, #tpu.memory_space<vmem>> -> memref<1x300xf32, #tpu.memory_space<vmem>>
          %dma_start3A_192 = arith.constant 0 : i32
          %dma_start3A_193 = tpu.memref_slice %arg3[%squeeze3A_180, %dma_start3A_192] : memref<400001x300xf32, #tpu.memory_space<hbm>> -> memref<1x300xf32, #tpu.memory_space<hbm>>
          %dma_start3A_194 = arith.constant 0 : i32
          %dma_start3A_195 = arith.constant 0 : i32
          %dma_start3A_196 = tpu.memref_slice %arg6[%dma_start3A_185, %dma_start3A_194, %dma_start3A_195] : memref<2x128x300xf32, #tpu.memory_space<vmem>> -> memref<1x128x300xf32, #tpu.memory_space<vmem>>
          %dma_start3A_197 = tpu.memref_squeeze %dma_start3A_196 : memref<1x128x300xf32, #tpu.memory_space<vmem>> -> memref<128x300xf32, #tpu.memory_space<vmem>>
          %dma_start3A_198 = arith.constant 0 : i32
          %dma_start3A_199 = tpu.memref_slice %dma_start3A_197[%add3A_184, %dma_start3A_198] : memref<128x300xf32, #tpu.memory_space<vmem>> -> memref<1x300xf32, #tpu.memory_space<vmem>>
          %dma_start3A_200 = arith.constant 0 : i32
          %dma_start3A_201 = tpu.memref_slice %arg3[%squeeze3A_180, %dma_start3A_200] : memref<400001x300xf32, #tpu.memory_space<hbm>> -> memref<1x300xf32, #tpu.memory_space<hbm>>
          tpu.enqueue_dma source(%dma_start3A_201 : memref<1x300xf32, #tpu.memory_space<hbm>>) target(%dma_start3A_199 : memref<1x300xf32, #tpu.memory_space<vmem>>) target_semaphore(%arg7 : memref<!tpu.dma_semaphore, #tpu.memory_space<semaphore_mem>>)
          %slice3A_202 = vector.extract_strided_slice %get3A_157 {offsets = [2], sizes = [1], strides = [1]} : vector<16xi32> to vector<1xi32>
          %squeeze3A_203 = vector.extract %slice3A_202[0] : i32 from vector<1xi32>
          %mul3A_204 = arith.constant 16 : i32
          %mul3A_205 = arith.muli %add3A_150, %mul3A_204 : i32
          %add3A_206 = arith.constant 2 : i32
          %add3A_207 = arith.addi %mul3A_205, %add3A_206 : i32
          %dma_start3A_208 = arith.constant 0 : i32
          %dma_start3A_209 = arith.constant 0 : i32
          %dma_start3A_210 = arith.constant 0 : i32
          %dma_start3A_211 = tpu.memref_slice %arg6[%dma_start3A_208, %dma_start3A_209, %dma_start3A_210] : memref<2x128x300xf32, #tpu.memory_space<vmem>> -> memref<1x128x300xf32, #tpu.memory_space<vmem>>
          %dma_start3A_212 = tpu.memref_squeeze %dma_start3A_211 : memref<1x128x300xf32, #tpu.memory_space<vmem>> -> memref<128x300xf32, #tpu.memory_space<vmem>>
          %dma_start3A_213 = arith.constant 0 : i32
          %dma_start3A_214 = tpu.memref_slice %dma_start3A_212[%add3A_207, %dma_start3A_213] : memref<128x300xf32, #tpu.memory_space<vmem>> -> memref<1x300xf32, #tpu.memory_space<vmem>>
          %dma_start3A_215 = arith.constant 0 : i32
          %dma_start3A_216 = tpu.memref_slice %arg3[%squeeze3A_203, %dma_start3A_215] : memref<400001x300xf32, #tpu.memory_space<hbm>> -> memref<1x300xf32, #tpu.memory_space<hbm>>
          %dma_start3A_217 = arith.constant 0 : i32
          %dma_start3A_218 = arith.constant 0 : i32
          %dma_start3A_219 = tpu.memref_slice %arg6[%dma_start3A_208, %dma_start3A_217, %dma_start3A_218] : memref<2x128x300xf32, #tpu.memory_space<vmem>> -> memref<1x128x300xf32, #tpu.memory_space<vmem>>
          %dma_start3A_220 = tpu.memref_squeeze %dma_start3A_219 : memref<1x128x300xf32, #tpu.memory_space<vmem>> -> memref<128x300xf32, #tpu.memory_space<vmem>>
          %dma_start3A_221 = arith.constant 0 : i32
          %dma_start3A_222 = tpu.memref_slice %dma_start3A_220[%add3A_207, %dma_start3A_221] : memref<128x300xf32, #tpu.memory_space<vmem>> -> memref<1x300xf32, #tpu.memory_space<vmem>>
          %dma_start3A_223 = arith.constant 0 : i32
          %dma_start3A_224 = tpu.memref_slice %arg3[%squeeze3A_203, %dma_start3A_223] : memref<400001x300xf32, #tpu.memory_space<hbm>> -> memref<1x300xf32, #tpu.memory_space<hbm>>
          tpu.enqueue_dma source(%dma_start3A_224 : memref<1x300xf32, #tpu.memory_space<hbm>>) target(%dma_start3A_222 : memref<1x300xf32, #tpu.memory_space<vmem>>) target_semaphore(%arg7 : memref<!tpu.dma_semaphore, #tpu.memory_space<semaphore_mem>>)
          %slice3A_225 = vector.extract_strided_slice %get3A_157 {offsets = [3], sizes = [1], strides = [1]} : vector<16xi32> to vector<1xi32>
          %squeeze3A_226 = vector.extract %slice3A_225[0] : i32 from vector<1xi32>
          %mul3A_227 = arith.constant 16 : i32
          %mul3A_228 = arith.muli %add3A_150, %mul3A_227 : i32
          %add3A_229 = arith.constant 3 : i32
          %add3A_230 = arith.addi %mul3A_228, %add3A_229 : i32
          %dma_start3A_231 = arith.constant 0 : i32
          %dma_start3A_232 = arith.constant 0 : i32
          %dma_start3A_233 = arith.constant 0 : i32
          %dma_start3A_234 = tpu.memref_slice %arg6[%dma_start3A_231, %dma_start3A_232, %dma_start3A_233] : memref<2x128x300xf32, #tpu.memory_space<vmem>> -> memref<1x128x300xf32, #tpu.memory_space<vmem>>
          %dma_start3A_235 = tpu.memref_squeeze %dma_start3A_234 : memref<1x128x300xf32, #tpu.memory_space<vmem>> -> memref<128x300xf32, #tpu.memory_space<vmem>>
          %dma_start3A_236 = arith.constant 0 : i32
          %dma_start3A_237 = tpu.memref_slice %dma_start3A_235[%add3A_230, %dma_start3A_236] : memref<128x300xf32, #tpu.memory_space<vmem>> -> memref<1x300xf32, #tpu.memory_space<vmem>>
          %dma_start3A_238 = arith.constant 0 : i32
          %dma_start3A_239 = tpu.memref_slice %arg3[%squeeze3A_226, %dma_start3A_238] : memref<400001x300xf32, #tpu.memory_space<hbm>> -> memref<1x300xf32, #tpu.memory_space<hbm>>
          %dma_start3A_240 = arith.constant 0 : i32
          %dma_start3A_241 = arith.constant 0 : i32
          %dma_start3A_242 = tpu.memref_slice %arg6[%dma_start3A_231, %dma_start3A_240, %dma_start3A_241] : memref<2x128x300xf32, #tpu.memory_space<vmem>> -> memref<1x128x300xf32, #tpu.memory_space<vmem>>
          %dma_start3A_243 = tpu.memref_squeeze %dma_start3A_242 : memref<1x128x300xf32, #tpu.memory_space<vmem>> -> memref<128x300xf32, #tpu.memory_space<vmem>>
          %dma_start3A_244 = arith.constant 0 : i32
          %dma_start3A_245 = tpu.memref_slice %dma_start3A_243[%add3A_230, %dma_start3A_244] : memref<128x300xf32, #tpu.memory_space<vmem>> -> memref<1x300xf32, #tpu.memory_space<vmem>>
          %dma_start3A_246 = arith.constant 0 : i32
          %dma_start3A_247 = tpu.memref_slice %arg3[%squeeze3A_226, %dma_start3A_246] : memref<400001x300xf32, #tpu.memory_space<hbm>> -> memref<1x300xf32, #tpu.memory_space<hbm>>
          tpu.enqueue_dma source(%dma_start3A_247 : memref<1x300xf32, #tpu.memory_space<hbm>>) target(%dma_start3A_245 : memref<1x300xf32, #tpu.memory_space<vmem>>) target_semaphore(%arg7 : memref<!tpu.dma_semaphore, #tpu.memory_space<semaphore_mem>>)
          %slice3A_248 = vector.extract_strided_slice %get3A_157 {offsets = [4], sizes = [1], strides = [1]} : vector<16xi32> to vector<1xi32>
          %squeeze3A_249 = vector.extract %slice3A_248[0] : i32 from vector<1xi32>
          %mul3A_250 = arith.constant 16 : i32
          %mul3A_251 = arith.muli %add3A_150, %mul3A_250 : i32
          %add3A_252 = arith.constant 4 : i32
          %add3A_253 = arith.addi %mul3A_251, %add3A_252 : i32
          %dma_start3A_254 = arith.constant 0 : i32
          %dma_start3A_255 = arith.constant 0 : i32
          %dma_start3A_256 = arith.constant 0 : i32
          %dma_start3A_257 = tpu.memref_slice %arg6[%dma_start3A_254, %dma_start3A_255, %dma_start3A_256] : memref<2x128x300xf32, #tpu.memory_space<vmem>> -> memref<1x128x300xf32, #tpu.memory_space<vmem>>
          %dma_start3A_258 = tpu.memref_squeeze %dma_start3A_257 : memref<1x128x300xf32, #tpu.memory_space<vmem>> -> memref<128x300xf32, #tpu.memory_space<vmem>>
          %dma_start3A_259 = arith.constant 0 : i32
          %dma_start3A_260 = tpu.memref_slice %dma_start3A_258[%add3A_253, %dma_start3A_259] : memref<128x300xf32, #tpu.memory_space<vmem>> -> memref<1x300xf32, #tpu.memory_space<vmem>>
          %dma_start3A_261 = arith.constant 0 : i32
          %dma_start3A_262 = tpu.memref_slice %arg3[%squeeze3A_249, %dma_start3A_261] : memref<400001x300xf32, #tpu.memory_space<hbm>> -> memref<1x300xf32, #tpu.memory_space<hbm>>
          %dma_start3A_263 = arith.constant 0 : i32
          %dma_start3A_264 = arith.constant 0 : i32
          %dma_start3A_265 = tpu.memref_slice %arg6[%dma_start3A_254, %dma_start3A_263, %dma_start3A_264] : memref<2x128x300xf32, #tpu.memory_space<vmem>> -> memref<1x128x300xf32, #tpu.memory_space<vmem>>
          %dma_start3A_266 = tpu.memref_squeeze %dma_start3A_265 : memref<1x128x300xf32, #tpu.memory_space<vmem>> -> memref<128x300xf32, #tpu.memory_space<vmem>>
          %dma_start3A_267 = arith.constant 0 : i32
          %dma_start3A_268 = tpu.memref_slice %dma_start3A_266[%add3A_253, %dma_start3A_267] : memref<128x300xf32, #tpu.memory_space<vmem>> -> memref<1x300xf32, #tpu.memory_space<vmem>>
          %dma_start3A_269 = arith.constant 0 : i32
          %dma_start3A_270 = tpu.memref_slice %arg3[%squeeze3A_249, %dma_start3A_269] : memref<400001x300xf32, #tpu.memory_space<hbm>> -> memref<1x300xf32, #tpu.memory_space<hbm>>
          tpu.enqueue_dma source(%dma_start3A_270 : memref<1x300xf32, #tpu.memory_space<hbm>>) target(%dma_start3A_268 : memref<1x300xf32, #tpu.memory_space<vmem>>) target_semaphore(%arg7 : memref<!tpu.dma_semaphore, #tpu.memory_space<semaphore_mem>>)
          %slice3A_271 = vector.extract_strided_slice %get3A_157 {offsets = [5], sizes = [1], strides = [1]} : vector<16xi32> to vector<1xi32>
          %squeeze3A_272 = vector.extract %slice3A_271[0] : i32 from vector<1xi32>
          %mul3A_273 = arith.constant 16 : i32
          %mul3A_274 = arith.muli %add3A_150, %mul3A_273 : i32
          %add3A_275 = arith.constant 5 : i32
          %add3A_276 = arith.addi %mul3A_274, %add3A_275 : i32
          %dma_start3A_277 = arith.constant 0 : i32
          %dma_start3A_278 = arith.constant 0 : i32
          %dma_start3A_279 = arith.constant 0 : i32
          %dma_start3A_280 = tpu.memref_slice %arg6[%dma_start3A_277, %dma_start3A_278, %dma_start3A_279] : memref<2x128x300xf32, #tpu.memory_space<vmem>> -> memref<1x128x300xf32, #tpu.memory_space<vmem>>
          %dma_start3A_281 = tpu.memref_squeeze %dma_start3A_280 : memref<1x128x300xf32, #tpu.memory_space<vmem>> -> memref<128x300xf32, #tpu.memory_space<vmem>>
          %dma_start3A_282 = arith.constant 0 : i32
          %dma_start3A_283 = tpu.memref_slice %dma_start3A_281[%add3A_276, %dma_start3A_282] : memref<128x300xf32, #tpu.memory_space<vmem>> -> memref<1x300xf32, #tpu.memory_space<vmem>>
          %dma_start3A_284 = arith.constant 0 : i32
          %dma_start3A_285 = tpu.memref_slice %arg3[%squeeze3A_272, %dma_start3A_284] : memref<400001x300xf32, #tpu.memory_space<hbm>> -> memref<1x300xf32, #tpu.memory_space<hbm>>
          %dma_start3A_286 = arith.constant 0 : i32
          %dma_start3A_287 = arith.constant 0 : i32
          %dma_start3A_288 = tpu.memref_slice %arg6[%dma_start3A_277, %dma_start3A_286, %dma_start3A_287] : memref<2x128x300xf32, #tpu.memory_space<vmem>> -> memref<1x128x300xf32, #tpu.memory_space<vmem>>
          %dma_start3A_289 = tpu.memref_squeeze %dma_start3A_288 : memref<1x128x300xf32, #tpu.memory_space<vmem>> -> memref<128x300xf32, #tpu.memory_space<vmem>>
          %dma_start3A_290 = arith.constant 0 : i32
          %dma_start3A_291 = tpu.memref_slice %dma_start3A_289[%add3A_276, %dma_start3A_290] : memref<128x300xf32, #tpu.memory_space<vmem>> -> memref<1x300xf32, #tpu.memory_space<vmem>>
          %dma_start3A_292 = arith.constant 0 : i32
          %dma_start3A_293 = tpu.memref_slice %arg3[%squeeze3A_272, %dma_start3A_292] : memref<400001x300xf32, #tpu.memory_space<hbm>> -> memref<1x300xf32, #tpu.memory_space<hbm>>
          tpu.enqueue_dma source(%dma_start3A_293 : memref<1x300xf32, #tpu.memory_space<hbm>>) target(%dma_start3A_291 : memref<1x300xf32, #tpu.memory_space<vmem>>) target_semaphore(%arg7 : memref<!tpu.dma_semaphore, #tpu.memory_space<semaphore_mem>>)
          %slice3A_294 = vector.extract_strided_slice %get3A_157 {offsets = [6], sizes = [1], strides = [1]} : vector<16xi32> to vector<1xi32>
          %squeeze3A_295 = vector.extract %slice3A_294[0] : i32 from vector<1xi32>
          %mul3A_296 = arith.constant 16 : i32
          %mul3A_297 = arith.muli %add3A_150, %mul3A_296 : i32
          %add3A_298 = arith.constant 6 : i32
          %add3A_299 = arith.addi %mul3A_297, %add3A_298 : i32
          %dma_start3A_300 = arith.constant 0 : i32
          %dma_start3A_301 = arith.constant 0 : i32
          %dma_start3A_302 = arith.constant 0 : i32
          %dma_start3A_303 = tpu.memref_slice %arg6[%dma_start3A_300, %dma_start3A_301, %dma_start3A_302] : memref<2x128x300xf32, #tpu.memory_space<vmem>> -> memref<1x128x300xf32, #tpu.memory_space<vmem>>
          %dma_start3A_304 = tpu.memref_squeeze %dma_start3A_303 : memref<1x128x300xf32, #tpu.memory_space<vmem>> -> memref<128x300xf32, #tpu.memory_space<vmem>>
          %dma_start3A_305 = arith.constant 0 : i32
          %dma_start3A_306 = tpu.memref_slice %dma_start3A_304[%add3A_299, %dma_start3A_305] : memref<128x300xf32, #tpu.memory_space<vmem>> -> memref<1x300xf32, #tpu.memory_space<vmem>>
          %dma_start3A_307 = arith.constant 0 : i32
          %dma_start3A_308 = tpu.memref_slice %arg3[%squeeze3A_295, %dma_start3A_307] : memref<400001x300xf32, #tpu.memory_space<hbm>> -> memref<1x300xf32, #tpu.memory_space<hbm>>
          %dma_start3A_309 = arith.constant 0 : i32
          %dma_start3A_310 = arith.constant 0 : i32
          %dma_start3A_311 = tpu.memref_slice %arg6[%dma_start3A_300, %dma_start3A_309, %dma_start3A_310] : memref<2x128x300xf32, #tpu.memory_space<vmem>> -> memref<1x128x300xf32, #tpu.memory_space<vmem>>
          %dma_start3A_312 = tpu.memref_squeeze %dma_start3A_311 : memref<1x128x300xf32, #tpu.memory_space<vmem>> -> memref<128x300xf32, #tpu.memory_space<vmem>>
          %dma_start3A_313 = arith.constant 0 : i32
          %dma_start3A_314 = tpu.memref_slice %dma_start3A_312[%add3A_299, %dma_start3A_313] : memref<128x300xf32, #tpu.memory_space<vmem>> -> memref<1x300xf32, #tpu.memory_space<vmem>>
          %dma_start3A_315 = arith.constant 0 : i32
          %dma_start3A_316 = tpu.memref_slice %arg3[%squeeze3A_295, %dma_start3A_315] : memref<400001x300xf32, #tpu.memory_space<hbm>> -> memref<1x300xf32, #tpu.memory_space<hbm>>
          tpu.enqueue_dma source(%dma_start3A_316 : memref<1x300xf32, #tpu.memory_space<hbm>>) target(%dma_start3A_314 : memref<1x300xf32, #tpu.memory_space<vmem>>) target_semaphore(%arg7 : memref<!tpu.dma_semaphore, #tpu.memory_space<semaphore_mem>>)
          %slice3A_317 = vector.extract_strided_slice %get3A_157 {offsets = [7], sizes = [1], strides = [1]} : vector<16xi32> to vector<1xi32>
          %squeeze3A_318 = vector.extract %slice3A_317[0] : i32 from vector<1xi32>
          %mul3A_319 = arith.constant 16 : i32
          %mul3A_320 = arith.muli %add3A_150, %mul3A_319 : i32
          %add3A_321 = arith.constant 7 : i32
          %add3A_322 = arith.addi %mul3A_320, %add3A_321 : i32
          %dma_start3A_323 = arith.constant 0 : i32
          %dma_start3A_324 = arith.constant 0 : i32
          %dma_start3A_325 = arith.constant 0 : i32
          %dma_start3A_326 = tpu.memref_slice %arg6[%dma_start3A_323, %dma_start3A_324, %dma_start3A_325] : memref<2x128x300xf32, #tpu.memory_space<vmem>> -> memref<1x128x300xf32, #tpu.memory_space<vmem>>
          %dma_start3A_327 = tpu.memref_squeeze %dma_start3A_326 : memref<1x128x300xf32, #tpu.memory_space<vmem>> -> memref<128x300xf32, #tpu.memory_space<vmem>>
          %dma_start3A_328 = arith.constant 0 : i32
          %dma_start3A_329 = tpu.memref_slice %dma_start3A_327[%add3A_322, %dma_start3A_328] : memref<128x300xf32, #tpu.memory_space<vmem>> -> memref<1x300xf32, #tpu.memory_space<vmem>>
          %dma_start3A_330 = arith.constant 0 : i32
          %dma_start3A_331 = tpu.memref_slice %arg3[%squeeze3A_318, %dma_start3A_330] : memref<400001x300xf32, #tpu.memory_space<hbm>> -> memref<1x300xf32, #tpu.memory_space<hbm>>
          %dma_start3A_332 = arith.constant 0 : i32
          %dma_start3A_333 = arith.constant 0 : i32
          %dma_start3A_334 = tpu.memref_slice %arg6[%dma_start3A_323, %dma_start3A_332, %dma_start3A_333] : memref<2x128x300xf32, #tpu.memory_space<vmem>> -> memref<1x128x300xf32, #tpu.memory_space<vmem>>
          %dma_start3A_335 = tpu.memref_squeeze %dma_start3A_334 : memref<1x128x300xf32, #tpu.memory_space<vmem>> -> memref<128x300xf32, #tpu.memory_space<vmem>>
          %dma_start3A_336 = arith.constant 0 : i32
          %dma_start3A_337 = tpu.memref_slice %dma_start3A_335[%add3A_322, %dma_start3A_336] : memref<128x300xf32, #tpu.memory_space<vmem>> -> memref<1x300xf32, #tpu.memory_space<vmem>>
          %dma_start3A_338 = arith.constant 0 : i32
          %dma_start3A_339 = tpu.memref_slice %arg3[%squeeze3A_318, %dma_start3A_338] : memref<400001x300xf32, #tpu.memory_space<hbm>> -> memref<1x300xf32, #tpu.memory_space<hbm>>
          tpu.enqueue_dma source(%dma_start3A_339 : memref<1x300xf32, #tpu.memory_space<hbm>>) target(%dma_start3A_337 : memref<1x300xf32, #tpu.memory_space<vmem>>) target_semaphore(%arg7 : memref<!tpu.dma_semaphore, #tpu.memory_space<semaphore_mem>>)
          %slice3A_340 = vector.extract_strided_slice %get3A_157 {offsets = [8], sizes = [1], strides = [1]} : vector<16xi32> to vector<1xi32>
          %squeeze3A_341 = vector.extract %slice3A_340[0] : i32 from vector<1xi32>
          %mul3A_342 = arith.constant 16 : i32
          %mul3A_343 = arith.muli %add3A_150, %mul3A_342 : i32
          %add3A_344 = arith.constant 8 : i32
          %add3A_345 = arith.addi %mul3A_343, %add3A_344 : i32
          %dma_start3A_346 = arith.constant 0 : i32
          %dma_start3A_347 = arith.constant 0 : i32
          %dma_start3A_348 = arith.constant 0 : i32
          %dma_start3A_349 = tpu.memref_slice %arg6[%dma_start3A_346, %dma_start3A_347, %dma_start3A_348] : memref<2x128x300xf32, #tpu.memory_space<vmem>> -> memref<1x128x300xf32, #tpu.memory_space<vmem>>
          %dma_start3A_350 = tpu.memref_squeeze %dma_start3A_349 : memref<1x128x300xf32, #tpu.memory_space<vmem>> -> memref<128x300xf32, #tpu.memory_space<vmem>>
          %dma_start3A_351 = arith.constant 0 : i32
          %dma_start3A_352 = tpu.memref_slice %dma_start3A_350[%add3A_345, %dma_start3A_351] : memref<128x300xf32, #tpu.memory_space<vmem>> -> memref<1x300xf32, #tpu.memory_space<vmem>>
          %dma_start3A_353 = arith.constant 0 : i32
          %dma_start3A_354 = tpu.memref_slice %arg3[%squeeze3A_341, %dma_start3A_353] : memref<400001x300xf32, #tpu.memory_space<hbm>> -> memref<1x300xf32, #tpu.memory_space<hbm>>
          %dma_start3A_355 = arith.constant 0 : i32
          %dma_start3A_356 = arith.constant 0 : i32
          %dma_start3A_357 = tpu.memref_slice %arg6[%dma_start3A_346, %dma_start3A_355, %dma_start3A_356] : memref<2x128x300xf32, #tpu.memory_space<vmem>> -> memref<1x128x300xf32, #tpu.memory_space<vmem>>
          %dma_start3A_358 = tpu.memref_squeeze %dma_start3A_357 : memref<1x128x300xf32, #tpu.memory_space<vmem>> -> memref<128x300xf32, #tpu.memory_space<vmem>>
          %dma_start3A_359 = arith.constant 0 : i32
          %dma_start3A_360 = tpu.memref_slice %dma_start3A_358[%add3A_345, %dma_start3A_359] : memref<128x300xf32, #tpu.memory_space<vmem>> -> memref<1x300xf32, #tpu.memory_space<vmem>>
          %dma_start3A_361 = arith.constant 0 : i32
          %dma_start3A_362 = tpu.memref_slice %arg3[%squeeze3A_341, %dma_start3A_361] : memref<400001x300xf32, #tpu.memory_space<hbm>> -> memref<1x300xf32, #tpu.memory_space<hbm>>
          tpu.enqueue_dma source(%dma_start3A_362 : memref<1x300xf32, #tpu.memory_space<hbm>>) target(%dma_start3A_360 : memref<1x300xf32, #tpu.memory_space<vmem>>) target_semaphore(%arg7 : memref<!tpu.dma_semaphore, #tpu.memory_space<semaphore_mem>>)
          %slice3A_363 = vector.extract_strided_slice %get3A_157 {offsets = [9], sizes = [1], strides = [1]} : vector<16xi32> to vector<1xi32>
          %squeeze3A_364 = vector.extract %slice3A_363[0] : i32 from vector<1xi32>
          %mul3A_365 = arith.constant 16 : i32
          %mul3A_366 = arith.muli %add3A_150, %mul3A_365 : i32
          %add3A_367 = arith.constant 9 : i32
          %add3A_368 = arith.addi %mul3A_366, %add3A_367 : i32
          %dma_start3A_369 = arith.constant 0 : i32
          %dma_start3A_370 = arith.constant 0 : i32
          %dma_start3A_371 = arith.constant 0 : i32
          %dma_start3A_372 = tpu.memref_slice %arg6[%dma_start3A_369, %dma_start3A_370, %dma_start3A_371] : memref<2x128x300xf32, #tpu.memory_space<vmem>> -> memref<1x128x300xf32, #tpu.memory_space<vmem>>
          %dma_start3A_373 = tpu.memref_squeeze %dma_start3A_372 : memref<1x128x300xf32, #tpu.memory_space<vmem>> -> memref<128x300xf32, #tpu.memory_space<vmem>>
          %dma_start3A_374 = arith.constant 0 : i32
          %dma_start3A_375 = tpu.memref_slice %dma_start3A_373[%add3A_368, %dma_start3A_374] : memref<128x300xf32, #tpu.memory_space<vmem>> -> memref<1x300xf32, #tpu.memory_space<vmem>>
          %dma_start3A_376 = arith.constant 0 : i32
          %dma_start3A_377 = tpu.memref_slice %arg3[%squeeze3A_364, %dma_start3A_376] : memref<400001x300xf32, #tpu.memory_space<hbm>> -> memref<1x300xf32, #tpu.memory_space<hbm>>
          %dma_start3A_378 = arith.constant 0 : i32
          %dma_start3A_379 = arith.constant 0 : i32
          %dma_start3A_380 = tpu.memref_slice %arg6[%dma_start3A_369, %dma_start3A_378, %dma_start3A_379] : memref<2x128x300xf32, #tpu.memory_space<vmem>> -> memref<1x128x300xf32, #tpu.memory_space<vmem>>
          %dma_start3A_381 = tpu.memref_squeeze %dma_start3A_380 : memref<1x128x300xf32, #tpu.memory_space<vmem>> -> memref<128x300xf32, #tpu.memory_space<vmem>>
          %dma_start3A_382 = arith.constant 0 : i32
          %dma_start3A_383 = tpu.memref_slice %dma_start3A_381[%add3A_368, %dma_start3A_382] : memref<128x300xf32, #tpu.memory_space<vmem>> -> memref<1x300xf32, #tpu.memory_space<vmem>>
          %dma_start3A_384 = arith.constant 0 : i32
          %dma_start3A_385 = tpu.memref_slice %arg3[%squeeze3A_364, %dma_start3A_384] : memref<400001x300xf32, #tpu.memory_space<hbm>> -> memref<1x300xf32, #tpu.memory_space<hbm>>
          tpu.enqueue_dma source(%dma_start3A_385 : memref<1x300xf32, #tpu.memory_space<hbm>>) target(%dma_start3A_383 : memref<1x300xf32, #tpu.memory_space<vmem>>) target_semaphore(%arg7 : memref<!tpu.dma_semaphore, #tpu.memory_space<semaphore_mem>>)
          %slice3A_386 = vector.extract_strided_slice %get3A_157 {offsets = [10], sizes = [1], strides = [1]} : vector<16xi32> to vector<1xi32>
          %squeeze3A_387 = vector.extract %slice3A_386[0] : i32 from vector<1xi32>
          %mul3A_388 = arith.constant 16 : i32
          %mul3A_389 = arith.muli %add3A_150, %mul3A_388 : i32
          %add3A_390 = arith.constant 10 : i32
          %add3A_391 = arith.addi %mul3A_389, %add3A_390 : i32
          %dma_start3A_392 = arith.constant 0 : i32
          %dma_start3A_393 = arith.constant 0 : i32
          %dma_start3A_394 = arith.constant 0 : i32
          %dma_start3A_395 = tpu.memref_slice %arg6[%dma_start3A_392, %dma_start3A_393, %dma_start3A_394] : memref<2x128x300xf32, #tpu.memory_space<vmem>> -> memref<1x128x300xf32, #tpu.memory_space<vmem>>
          %dma_start3A_396 = tpu.memref_squeeze %dma_start3A_395 : memref<1x128x300xf32, #tpu.memory_space<vmem>> -> memref<128x300xf32, #tpu.memory_space<vmem>>
          %dma_start3A_397 = arith.constant 0 : i32
          %dma_start3A_398 = tpu.memref_slice %dma_start3A_396[%add3A_391, %dma_start3A_397] : memref<128x300xf32, #tpu.memory_space<vmem>> -> memref<1x300xf32, #tpu.memory_space<vmem>>
          %dma_start3A_399 = arith.constant 0 : i32
          %dma_start3A_400 = tpu.memref_slice %arg3[%squeeze3A_387, %dma_start3A_399] : memref<400001x300xf32, #tpu.memory_space<hbm>> -> memref<1x300xf32, #tpu.memory_space<hbm>>
          %dma_start3A_401 = arith.constant 0 : i32
          %dma_start3A_402 = arith.constant 0 : i32
          %dma_start3A_403 = tpu.memref_slice %arg6[%dma_start3A_392, %dma_start3A_401, %dma_start3A_402] : memref<2x128x300xf32, #tpu.memory_space<vmem>> -> memref<1x128x300xf32, #tpu.memory_space<vmem>>
          %dma_start3A_404 = tpu.memref_squeeze %dma_start3A_403 : memref<1x128x300xf32, #tpu.memory_space<vmem>> -> memref<128x300xf32, #tpu.memory_space<vmem>>
          %dma_start3A_405 = arith.constant 0 : i32
          %dma_start3A_406 = tpu.memref_slice %dma_start3A_404[%add3A_391, %dma_start3A_405] : memref<128x300xf32, #tpu.memory_space<vmem>> -> memref<1x300xf32, #tpu.memory_space<vmem>>
          %dma_start3A_407 = arith.constant 0 : i32
          %dma_start3A_408 = tpu.memref_slice %arg3[%squeeze3A_387, %dma_start3A_407] : memref<400001x300xf32, #tpu.memory_space<hbm>> -> memref<1x300xf32, #tpu.memory_space<hbm>>
          tpu.enqueue_dma source(%dma_start3A_408 : memref<1x300xf32, #tpu.memory_space<hbm>>) target(%dma_start3A_406 : memref<1x300xf32, #tpu.memory_space<vmem>>) target_semaphore(%arg7 : memref<!tpu.dma_semaphore, #tpu.memory_space<semaphore_mem>>)
          %slice3A_409 = vector.extract_strided_slice %get3A_157 {offsets = [11], sizes = [1], strides = [1]} : vector<16xi32> to vector<1xi32>
          %squeeze3A_410 = vector.extract %slice3A_409[0] : i32 from vector<1xi32>
          %mul3A_411 = arith.constant 16 : i32
          %mul3A_412 = arith.muli %add3A_150, %mul3A_411 : i32
          %add3A_413 = arith.constant 11 : i32
          %add3A_414 = arith.addi %mul3A_412, %add3A_413 : i32
          %dma_start3A_415 = arith.constant 0 : i32
          %dma_start3A_416 = arith.constant 0 : i32
          %dma_start3A_417 = arith.constant 0 : i32
          %dma_start3A_418 = tpu.memref_slice %arg6[%dma_start3A_415, %dma_start3A_416, %dma_start3A_417] : memref<2x128x300xf32, #tpu.memory_space<vmem>> -> memref<1x128x300xf32, #tpu.memory_space<vmem>>
          %dma_start3A_419 = tpu.memref_squeeze %dma_start3A_418 : memref<1x128x300xf32, #tpu.memory_space<vmem>> -> memref<128x300xf32, #tpu.memory_space<vmem>>
          %dma_start3A_420 = arith.constant 0 : i32
          %dma_start3A_421 = tpu.memref_slice %dma_start3A_419[%add3A_414, %dma_start3A_420] : memref<128x300xf32, #tpu.memory_space<vmem>> -> memref<1x300xf32, #tpu.memory_space<vmem>>
          %dma_start3A_422 = arith.constant 0 : i32
          %dma_start3A_423 = tpu.memref_slice %arg3[%squeeze3A_410, %dma_start3A_422] : memref<400001x300xf32, #tpu.memory_space<hbm>> -> memref<1x300xf32, #tpu.memory_space<hbm>>
          %dma_start3A_424 = arith.constant 0 : i32
          %dma_start3A_425 = arith.constant 0 : i32
          %dma_start3A_426 = tpu.memref_slice %arg6[%dma_start3A_415, %dma_start3A_424, %dma_start3A_425] : memref<2x128x300xf32, #tpu.memory_space<vmem>> -> memref<1x128x300xf32, #tpu.memory_space<vmem>>
          %dma_start3A_427 = tpu.memref_squeeze %dma_start3A_426 : memref<1x128x300xf32, #tpu.memory_space<vmem>> -> memref<128x300xf32, #tpu.memory_space<vmem>>
          %dma_start3A_428 = arith.constant 0 : i32
          %dma_start3A_429 = tpu.memref_slice %dma_start3A_427[%add3A_414, %dma_start3A_428] : memref<128x300xf32, #tpu.memory_space<vmem>> -> memref<1x300xf32, #tpu.memory_space<vmem>>
          %dma_start3A_430 = arith.constant 0 : i32
          %dma_start3A_431 = tpu.memref_slice %arg3[%squeeze3A_410, %dma_start3A_430] : memref<400001x300xf32, #tpu.memory_space<hbm>> -> memref<1x300xf32, #tpu.memory_space<hbm>>
          tpu.enqueue_dma source(%dma_start3A_431 : memref<1x300xf32, #tpu.memory_space<hbm>>) target(%dma_start3A_429 : memref<1x300xf32, #tpu.memory_space<vmem>>) target_semaphore(%arg7 : memref<!tpu.dma_semaphore, #tpu.memory_space<semaphore_mem>>)
          %slice3A_432 = vector.extract_strided_slice %get3A_157 {offsets = [12], sizes = [1], strides = [1]} : vector<16xi32> to vector<1xi32>
          %squeeze3A_433 = vector.extract %slice3A_432[0] : i32 from vector<1xi32>
          %mul3A_434 = arith.constant 16 : i32
          %mul3A_435 = arith.muli %add3A_150, %mul3A_434 : i32
          %add3A_436 = arith.constant 12 : i32
          %add3A_437 = arith.addi %mul3A_435, %add3A_436 : i32
          %dma_start3A_438 = arith.constant 0 : i32
          %dma_start3A_439 = arith.constant 0 : i32
          %dma_start3A_440 = arith.constant 0 : i32
          %dma_start3A_441 = tpu.memref_slice %arg6[%dma_start3A_438, %dma_start3A_439, %dma_start3A_440] : memref<2x128x300xf32, #tpu.memory_space<vmem>> -> memref<1x128x300xf32, #tpu.memory_space<vmem>>
          %dma_start3A_442 = tpu.memref_squeeze %dma_start3A_441 : memref<1x128x300xf32, #tpu.memory_space<vmem>> -> memref<128x300xf32, #tpu.memory_space<vmem>>
          %dma_start3A_443 = arith.constant 0 : i32
          %dma_start3A_444 = tpu.memref_slice %dma_start3A_442[%add3A_437, %dma_start3A_443] : memref<128x300xf32, #tpu.memory_space<vmem>> -> memref<1x300xf32, #tpu.memory_space<vmem>>
          %dma_start3A_445 = arith.constant 0 : i32
          %dma_start3A_446 = tpu.memref_slice %arg3[%squeeze3A_433, %dma_start3A_445] : memref<400001x300xf32, #tpu.memory_space<hbm>> -> memref<1x300xf32, #tpu.memory_space<hbm>>
          %dma_start3A_447 = arith.constant 0 : i32
          %dma_start3A_448 = arith.constant 0 : i32
          %dma_start3A_449 = tpu.memref_slice %arg6[%dma_start3A_438, %dma_start3A_447, %dma_start3A_448] : memref<2x128x300xf32, #tpu.memory_space<vmem>> -> memref<1x128x300xf32, #tpu.memory_space<vmem>>
          %dma_start3A_450 = tpu.memref_squeeze %dma_start3A_449 : memref<1x128x300xf32, #tpu.memory_space<vmem>> -> memref<128x300xf32, #tpu.memory_space<vmem>>
          %dma_start3A_451 = arith.constant 0 : i32
          %dma_start3A_452 = tpu.memref_slice %dma_start3A_450[%add3A_437, %dma_start3A_451] : memref<128x300xf32, #tpu.memory_space<vmem>> -> memref<1x300xf32, #tpu.memory_space<vmem>>
          %dma_start3A_453 = arith.constant 0 : i32
          %dma_start3A_454 = tpu.memref_slice %arg3[%squeeze3A_433, %dma_start3A_453] : memref<400001x300xf32, #tpu.memory_space<hbm>> -> memref<1x300xf32, #tpu.memory_space<hbm>>
          tpu.enqueue_dma source(%dma_start3A_454 : memref<1x300xf32, #tpu.memory_space<hbm>>) target(%dma_start3A_452 : memref<1x300xf32, #tpu.memory_space<vmem>>) target_semaphore(%arg7 : memref<!tpu.dma_semaphore, #tpu.memory_space<semaphore_mem>>)
          %slice3A_455 = vector.extract_strided_slice %get3A_157 {offsets = [13], sizes = [1], strides = [1]} : vector<16xi32> to vector<1xi32>
          %squeeze3A_456 = vector.extract %slice3A_455[0] : i32 from vector<1xi32>
          %mul3A_457 = arith.constant 16 : i32
          %mul3A_458 = arith.muli %add3A_150, %mul3A_457 : i32
          %add3A_459 = arith.constant 13 : i32
          %add3A_460 = arith.addi %mul3A_458, %add3A_459 : i32
          %dma_start3A_461 = arith.constant 0 : i32
          %dma_start3A_462 = arith.constant 0 : i32
          %dma_start3A_463 = arith.constant 0 : i32
          %dma_start3A_464 = tpu.memref_slice %arg6[%dma_start3A_461, %dma_start3A_462, %dma_start3A_463] : memref<2x128x300xf32, #tpu.memory_space<vmem>> -> memref<1x128x300xf32, #tpu.memory_space<vmem>>
          %dma_start3A_465 = tpu.memref_squeeze %dma_start3A_464 : memref<1x128x300xf32, #tpu.memory_space<vmem>> -> memref<128x300xf32, #tpu.memory_space<vmem>>
          %dma_start3A_466 = arith.constant 0 : i32
          %dma_start3A_467 = tpu.memref_slice %dma_start3A_465[%add3A_460, %dma_start3A_466] : memref<128x300xf32, #tpu.memory_space<vmem>> -> memref<1x300xf32, #tpu.memory_space<vmem>>
          %dma_start3A_468 = arith.constant 0 : i32
          %dma_start3A_469 = tpu.memref_slice %arg3[%squeeze3A_456, %dma_start3A_468] : memref<400001x300xf32, #tpu.memory_space<hbm>> -> memref<1x300xf32, #tpu.memory_space<hbm>>
          %dma_start3A_470 = arith.constant 0 : i32
          %dma_start3A_471 = arith.constant 0 : i32
          %dma_start3A_472 = tpu.memref_slice %arg6[%dma_start3A_461, %dma_start3A_470, %dma_start3A_471] : memref<2x128x300xf32, #tpu.memory_space<vmem>> -> memref<1x128x300xf32, #tpu.memory_space<vmem>>
          %dma_start3A_473 = tpu.memref_squeeze %dma_start3A_472 : memref<1x128x300xf32, #tpu.memory_space<vmem>> -> memref<128x300xf32, #tpu.memory_space<vmem>>
          %dma_start3A_474 = arith.constant 0 : i32
          %dma_start3A_475 = tpu.memref_slice %dma_start3A_473[%add3A_460, %dma_start3A_474] : memref<128x300xf32, #tpu.memory_space<vmem>> -> memref<1x300xf32, #tpu.memory_space<vmem>>
          %dma_start3A_476 = arith.constant 0 : i32
          %dma_start3A_477 = tpu.memref_slice %arg3[%squeeze3A_456, %dma_start3A_476] : memref<400001x300xf32, #tpu.memory_space<hbm>> -> memref<1x300xf32, #tpu.memory_space<hbm>>
          tpu.enqueue_dma source(%dma_start3A_477 : memref<1x300xf32, #tpu.memory_space<hbm>>) target(%dma_start3A_475 : memref<1x300xf32, #tpu.memory_space<vmem>>) target_semaphore(%arg7 : memref<!tpu.dma_semaphore, #tpu.memory_space<semaphore_mem>>)
          %slice3A_478 = vector.extract_strided_slice %get3A_157 {offsets = [14], sizes = [1], strides = [1]} : vector<16xi32> to vector<1xi32>
          %squeeze3A_479 = vector.extract %slice3A_478[0] : i32 from vector<1xi32>
          %mul3A_480 = arith.constant 16 : i32
          %mul3A_481 = arith.muli %add3A_150, %mul3A_480 : i32
          %add3A_482 = arith.constant 14 : i32
          %add3A_483 = arith.addi %mul3A_481, %add3A_482 : i32
          %dma_start3A_484 = arith.constant 0 : i32
          %dma_start3A_485 = arith.constant 0 : i32
          %dma_start3A_486 = arith.constant 0 : i32
          %dma_start3A_487 = tpu.memref_slice %arg6[%dma_start3A_484, %dma_start3A_485, %dma_start3A_486] : memref<2x128x300xf32, #tpu.memory_space<vmem>> -> memref<1x128x300xf32, #tpu.memory_space<vmem>>
          %dma_start3A_488 = tpu.memref_squeeze %dma_start3A_487 : memref<1x128x300xf32, #tpu.memory_space<vmem>> -> memref<128x300xf32, #tpu.memory_space<vmem>>
          %dma_start3A_489 = arith.constant 0 : i32
          %dma_start3A_490 = tpu.memref_slice %dma_start3A_488[%add3A_483, %dma_start3A_489] : memref<128x300xf32, #tpu.memory_space<vmem>> -> memref<1x300xf32, #tpu.memory_space<vmem>>
          %dma_start3A_491 = arith.constant 0 : i32
          %dma_start3A_492 = tpu.memref_slice %arg3[%squeeze3A_479, %dma_start3A_491] : memref<400001x300xf32, #tpu.memory_space<hbm>> -> memref<1x300xf32, #tpu.memory_space<hbm>>
          %dma_start3A_493 = arith.constant 0 : i32
          %dma_start3A_494 = arith.constant 0 : i32
          %dma_start3A_495 = tpu.memref_slice %arg6[%dma_start3A_484, %dma_start3A_493, %dma_start3A_494] : memref<2x128x300xf32, #tpu.memory_space<vmem>> -> memref<1x128x300xf32, #tpu.memory_space<vmem>>
          %dma_start3A_496 = tpu.memref_squeeze %dma_start3A_495 : memref<1x128x300xf32, #tpu.memory_space<vmem>> -> memref<128x300xf32, #tpu.memory_space<vmem>>
          %dma_start3A_497 = arith.constant 0 : i32
          %dma_start3A_498 = tpu.memref_slice %dma_start3A_496[%add3A_483, %dma_start3A_497] : memref<128x300xf32, #tpu.memory_space<vmem>> -> memref<1x300xf32, #tpu.memory_space<vmem>>
          %dma_start3A_499 = arith.constant 0 : i32
          %dma_start3A_500 = tpu.memref_slice %arg3[%squeeze3A_479, %dma_start3A_499] : memref<400001x300xf32, #tpu.memory_space<hbm>> -> memref<1x300xf32, #tpu.memory_space<hbm>>
          tpu.enqueue_dma source(%dma_start3A_500 : memref<1x300xf32, #tpu.memory_space<hbm>>) target(%dma_start3A_498 : memref<1x300xf32, #tpu.memory_space<vmem>>) target_semaphore(%arg7 : memref<!tpu.dma_semaphore, #tpu.memory_space<semaphore_mem>>)
          %slice3A_501 = vector.extract_strided_slice %get3A_157 {offsets = [15], sizes = [1], strides = [1]} : vector<16xi32> to vector<1xi32>
          %squeeze3A_502 = vector.extract %slice3A_501[0] : i32 from vector<1xi32>
          %mul3A_503 = arith.constant 16 : i32
          %mul3A_504 = arith.muli %add3A_150, %mul3A_503 : i32
          %add3A_505 = arith.constant 15 : i32
          %add3A_506 = arith.addi %mul3A_504, %add3A_505 : i32
          %dma_start3A_507 = arith.constant 0 : i32
          %dma_start3A_508 = arith.constant 0 : i32
          %dma_start3A_509 = arith.constant 0 : i32
          %dma_start3A_510 = tpu.memref_slice %arg6[%dma_start3A_507, %dma_start3A_508, %dma_start3A_509] : memref<2x128x300xf32, #tpu.memory_space<vmem>> -> memref<1x128x300xf32, #tpu.memory_space<vmem>>
          %dma_start3A_511 = tpu.memref_squeeze %dma_start3A_510 : memref<1x128x300xf32, #tpu.memory_space<vmem>> -> memref<128x300xf32, #tpu.memory_space<vmem>>
          %dma_start3A_512 = arith.constant 0 : i32
          %dma_start3A_513 = tpu.memref_slice %dma_start3A_511[%add3A_506, %dma_start3A_512] : memref<128x300xf32, #tpu.memory_space<vmem>> -> memref<1x300xf32, #tpu.memory_space<vmem>>
          %dma_start3A_514 = arith.constant 0 : i32
          %dma_start3A_515 = tpu.memref_slice %arg3[%squeeze3A_502, %dma_start3A_514] : memref<400001x300xf32, #tpu.memory_space<hbm>> -> memref<1x300xf32, #tpu.memory_space<hbm>>
          %dma_start3A_516 = arith.constant 0 : i32
          %dma_start3A_517 = arith.constant 0 : i32
          %dma_start3A_518 = tpu.memref_slice %arg6[%dma_start3A_507, %dma_start3A_516, %dma_start3A_517] : memref<2x128x300xf32, #tpu.memory_space<vmem>> -> memref<1x128x300xf32, #tpu.memory_space<vmem>>
          %dma_start3A_519 = tpu.memref_squeeze %dma_start3A_518 : memref<1x128x300xf32, #tpu.memory_space<vmem>> -> memref<128x300xf32, #tpu.memory_space<vmem>>
          %dma_start3A_520 = arith.constant 0 : i32
          %dma_start3A_521 = tpu.memref_slice %dma_start3A_519[%add3A_506, %dma_start3A_520] : memref<128x300xf32, #tpu.memory_space<vmem>> -> memref<1x300xf32, #tpu.memory_space<vmem>>
          %dma_start3A_522 = arith.constant 0 : i32
          %dma_start3A_523 = tpu.memref_slice %arg3[%squeeze3A_502, %dma_start3A_522] : memref<400001x300xf32, #tpu.memory_space<hbm>> -> memref<1x300xf32, #tpu.memory_space<hbm>>
          tpu.enqueue_dma source(%dma_start3A_523 : memref<1x300xf32, #tpu.memory_space<hbm>>) target(%dma_start3A_521 : memref<1x300xf32, #tpu.memory_space<vmem>>) target_semaphore(%arg7 : memref<!tpu.dma_semaphore, #tpu.memory_space<semaphore_mem>>)
        }
        %scan3A_145 = arith.constant 8 : i32
      } else {
      }
      %dma_wait3A_91 = arith.constant 1 : i32
      %dma_wait3A_92 = arith.constant 0 : i32
      %dma_wait3A_93 = arith.constant 0 : i32
      %dma_wait3A_94 = tpu.memref_slice %arg6[%dma_wait3A_91, %dma_wait3A_92, %dma_wait3A_93] : memref<2x128x300xf32, #tpu.memory_space<vmem>> -> memref<1x128x300xf32, #tpu.memory_space<vmem>>
      %dma_wait3A_95 = tpu.memref_squeeze %dma_wait3A_94 : memref<1x128x300xf32, #tpu.memory_space<vmem>> -> memref<128x300xf32, #tpu.memory_space<vmem>>
      %dma_wait3A_96 = arith.constant 0 : i32
      %dma_wait3A_97 = arith.constant 0 : i32
      %dma_wait3A_98 = tpu.memref_slice %arg4[%dma_wait3A_96, %dma_wait3A_97] : memref<204800x300xf32, #tpu.memory_space<hbm>> -> memref<128x300xf32, #tpu.memory_space<hbm>>
      %dma_wait3A_99 = arith.constant 0 : i32
      %dma_wait3A_100 = arith.constant 0 : i32
      %dma_wait3A_101 = tpu.memref_slice %arg6[%dma_wait3A_91, %dma_wait3A_99, %dma_wait3A_100] : memref<2x128x300xf32, #tpu.memory_space<vmem>> -> memref<1x128x300xf32, #tpu.memory_space<vmem>>
      %dma_wait3A_102 = tpu.memref_squeeze %dma_wait3A_101 : memref<1x128x300xf32, #tpu.memory_space<vmem>> -> memref<128x300xf32, #tpu.memory_space<vmem>>
      %dma_wait3A_103 = arith.constant 0 : i32
      %dma_wait3A_104 = arith.constant 0 : i32
      %dma_wait3A_105 = tpu.memref_slice %arg4[%dma_wait3A_103, %dma_wait3A_104] : memref<204800x300xf32, #tpu.memory_space<hbm>> -> memref<128x300xf32, #tpu.memory_space<hbm>>
      tpu.wait_dma2 semaphore(%arg8 : memref<!tpu.dma_semaphore, #tpu.memory_space<semaphore_mem>>) src(%dma_wait3A_105 : memref<128x300xf32, #tpu.memory_space<hbm>>) dst(%dma_wait3A_102 : memref<128x300xf32, #tpu.memory_space<vmem>>)
      %add3A_106 = arith.constant 1 : i32
      %add3A_107 = arith.addi %mul3A_47, %add3A_106 : i32
      %mul3A_108 = arith.constant 128 : i32
      %mul3A_109 = arith.muli %add3A_107, %mul3A_108 : i32
      %add3A_110 = arith.addi %mul3A_2, %mul3A_109 : i32
      %dma_start3A_111 = arith.constant 1 : i32
      %dma_start3A_112 = arith.constant 0 : i32
      %dma_start3A_113 = arith.constant 0 : i32
      %dma_start3A_114 = tpu.memref_slice %arg6[%dma_start3A_111, %dma_start3A_112, %dma_start3A_113] : memref<2x128x300xf32, #tpu.memory_space<vmem>> -> memref<1x128x300xf32, #tpu.memory_space<vmem>>
      %dma_start3A_115 = tpu.memref_squeeze %dma_start3A_114 : memref<1x128x300xf32, #tpu.memory_space<vmem>> -> memref<128x300xf32, #tpu.memory_space<vmem>>
      %dma_start3A_116 = arith.constant 0 : i32
      %dma_start3A_117 = tpu.memref_slice %arg4[%add3A_110, %dma_start3A_116] : memref<204800x300xf32, #tpu.memory_space<hbm>> -> memref<128x300xf32, #tpu.memory_space<hbm>>
      %dma_start3A_118 = arith.constant 0 : i32
      %dma_start3A_119 = tpu.memref_slice %arg4[%add3A_110, %dma_start3A_118] : memref<204800x300xf32, #tpu.memory_space<hbm>> -> memref<128x300xf32, #tpu.memory_space<hbm>>
      %dma_start3A_120 = arith.constant 0 : i32
      %dma_start3A_121 = arith.constant 0 : i32
      %dma_start3A_122 = tpu.memref_slice %arg6[%dma_start3A_111, %dma_start3A_120, %dma_start3A_121] : memref<2x128x300xf32, #tpu.memory_space<vmem>> -> memref<1x128x300xf32, #tpu.memory_space<vmem>>
      %dma_start3A_123 = tpu.memref_squeeze %dma_start3A_122 : memref<1x128x300xf32, #tpu.memory_space<vmem>> -> memref<128x300xf32, #tpu.memory_space<vmem>>
      tpu.enqueue_dma source(%dma_start3A_123 : memref<128x300xf32, #tpu.memory_space<vmem>>) target(%dma_start3A_119 : memref<128x300xf32, #tpu.memory_space<hbm>>) target_semaphore(%arg10 : memref<!tpu.dma_semaphore, #tpu.memory_space<semaphore_mem>>)
    }
    %scan3A_11 = arith.constant 25 : i32
    %dma_wait3A = arith.constant 0 : i32
    %dma_wait3A_12 = arith.constant 0 : i32
    %dma_wait3A_13 = arith.constant 0 : i32
    %dma_wait3A_14 = tpu.memref_slice %arg6[%dma_wait3A, %dma_wait3A_12, %dma_wait3A_13] : memref<2x128x300xf32, #tpu.memory_space<vmem>> -> memref<1x128x300xf32, #tpu.memory_space<vmem>>
    %dma_wait3A_15 = tpu.memref_squeeze %dma_wait3A_14 : memref<1x128x300xf32, #tpu.memory_space<vmem>> -> memref<128x300xf32, #tpu.memory_space<vmem>>
    %dma_wait3A_16 = arith.constant 0 : i32
    %dma_wait3A_17 = arith.constant 0 : i32
    %dma_wait3A_18 = tpu.memref_slice %arg4[%dma_wait3A_16, %dma_wait3A_17] : memref<204800x300xf32, #tpu.memory_space<hbm>> -> memref<128x300xf32, #tpu.memory_space<hbm>>
    %dma_wait3A_19 = arith.constant 0 : i32
    %dma_wait3A_20 = arith.constant 0 : i32
    %dma_wait3A_21 = tpu.memref_slice %arg6[%dma_wait3A, %dma_wait3A_19, %dma_wait3A_20] : memref<2x128x300xf32, #tpu.memory_space<vmem>> -> memref<1x128x300xf32, #tpu.memory_space<vmem>>
    %dma_wait3A_22 = tpu.memref_squeeze %dma_wait3A_21 : memref<1x128x300xf32, #tpu.memory_space<vmem>> -> memref<128x300xf32, #tpu.memory_space<vmem>>
    %dma_wait3A_23 = arith.constant 0 : i32
    %dma_wait3A_24 = arith.constant 0 : i32
    %dma_wait3A_25 = tpu.memref_slice %arg4[%dma_wait3A_23, %dma_wait3A_24] : memref<204800x300xf32, #tpu.memory_space<hbm>> -> memref<128x300xf32, #tpu.memory_space<hbm>>
    tpu.wait_dma2 semaphore(%arg9 : memref<!tpu.dma_semaphore, #tpu.memory_space<semaphore_mem>>) src(%dma_wait3A_25 : memref<128x300xf32, #tpu.memory_space<hbm>>) dst(%dma_wait3A_22 : memref<128x300xf32, #tpu.memory_space<vmem>>)
    %dma_wait3A_26 = arith.constant 1 : i32
    %dma_wait3A_27 = arith.constant 0 : i32
    %dma_wait3A_28 = arith.constant 0 : i32
    %dma_wait3A_29 = tpu.memref_slice %arg6[%dma_wait3A_26, %dma_wait3A_27, %dma_wait3A_28] : memref<2x128x300xf32, #tpu.memory_space<vmem>> -> memref<1x128x300xf32, #tpu.memory_space<vmem>>
    %dma_wait3A_30 = tpu.memref_squeeze %dma_wait3A_29 : memref<1x128x300xf32, #tpu.memory_space<vmem>> -> memref<128x300xf32, #tpu.memory_space<vmem>>
    %dma_wait3A_31 = arith.constant 0 : i32
    %dma_wait3A_32 = arith.constant 0 : i32
    %dma_wait3A_33 = tpu.memref_slice %arg4[%dma_wait3A_31, %dma_wait3A_32] : memref<204800x300xf32, #tpu.memory_space<hbm>> -> memref<128x300xf32, #tpu.memory_space<hbm>>
    %dma_wait3A_34 = arith.constant 0 : i32
    %dma_wait3A_35 = arith.constant 0 : i32
    %dma_wait3A_36 = tpu.memref_slice %arg6[%dma_wait3A_26, %dma_wait3A_34, %dma_wait3A_35] : memref<2x128x300xf32, #tpu.memory_space<vmem>> -> memref<1x128x300xf32, #tpu.memory_space<vmem>>
    %dma_wait3A_37 = tpu.memref_squeeze %dma_wait3A_36 : memref<1x128x300xf32, #tpu.memory_space<vmem>> -> memref<128x300xf32, #tpu.memory_space<vmem>>
    %dma_wait3A_38 = arith.constant 0 : i32
    %dma_wait3A_39 = arith.constant 0 : i32
    %dma_wait3A_40 = tpu.memref_slice %arg4[%dma_wait3A_38, %dma_wait3A_39] : memref<204800x300xf32, #tpu.memory_space<hbm>> -> memref<128x300xf32, #tpu.memory_space<hbm>>
    tpu.wait_dma2 semaphore(%arg10 : memref<!tpu.dma_semaphore, #tpu.memory_space<semaphore_mem>>) src(%dma_wait3A_40 : memref<128x300xf32, #tpu.memory_space<hbm>>) dst(%dma_wait3A_37 : memref<128x300xf32, #tpu.memory_space<vmem>>)
    return
  }
}

</mosaic_0001>

<sc_bundles>
// kernel: kernel.3.cloned.1.call-start
scs
__scs_entry_jumppad:
0x0: {  	(pc) =	sbr.rel $0x88, $3  }
0x1: {  	(tag) =	ssettag $0x0;
	lr =	simm.s32 $0x1  }
0x2: {  	[smem:$0x3F9F] =	sst lr;
	_ =	strace $0xD0000000  }
0x3: {  	_ = 	snop  }
0x4: {  	_ = 	snop  }
0x5: {  	_ = 	snop  }
0x6: {  	_ = 	snop  }
0x7: {  	_ = 	snop  }
__scs_overlays_trampoline_lowered:
0x8: {  	[smem:$0x3FAE] =	sst s0  }
0x9: {  	[smem:$0x3FAF] =	sst s1  }
0xa: {  	[smem:$0x3FB0] =	sst s2  }
0xb: {  	[smem:$0x3FB1] =	sst s3  }
0xc: {  	[smem:$0x3FB2] =	sst s4  }
0xd: {  	[smem:$0x3FB3] =	sst s5  }
0xe: {  	[smem:$0x3FB4] =	sst s6  }
0xf: {  	[smem:$0x3FB5] =	sst s7  }
0x10: {  	[smem:$0x3FB6] =	sst s8  }
0x11: {  	[smem:$0x3FB7] =	sst s9;
	s0 =	simm.s32 @!p0 $0x0  }
0x12: {  	s1 =	sld [smem:$0x3F9D];
	s0 =	simm.s32 @p0 $0x1  }
0x13: {  	[smem:$0x3FB8] =	sst s0;
	s0 =	simm.s32 @!p1 $0x0  }
0x14: {  	s2 =	sld [smem:$0x3F9C];
	s0 =	simm.s32 @p1 $0x1  }
0x15: {  	[smem:$0x3FB9] =	sst s0;
	s0 =	simm.s32 @!p2 $0x0  }
0x16: {  	s3 =	sld [smem:$0x3FDB];
	s0 =	simm.s32 @p2 $0x1  }
0x17: {  	s4 =	simm.s32 $0x1BF5;
	[smem:$0x3FBB] =	sst s0  }
0x18: {  	s0 =	sld [smem:$0x3F9E];
	_ =	swait.ge [sflag:s4], $0x0  }
0x19: {  	s7 =	sld [smem:$0x3F9F]  }
0x1a: {  	s8 =	sadd.s32 $0xFFFFE003, lr  }
0x1b: {  	s9 =	sadd.s32 $0xFFFFFEF7, lr;
	s5 =	simm.s32 $0xFFFFFFFF;
	p2 =	slt.u32 s8, $0xFFFFF086  }
0x1c: {  	p1 =	slt.u32 s9, $0xF7A;
	s5 =	simm.s32 @!p2 $0x0  }
0x1d: {  	s5 =	simm.s32 @p1 $0x1;
	p0 =	seq.s32 s7, s2  }
0x1e: {  	s7 =	smul.u32 @!p0 $0xF7A, s2;
	p2 =	seq.s32 @!p0 s5, $0x0  }
0x1f: {  	s9 =	smul.u32 $0xF7A, s1;
	s8 =	simm.s32 @!p0 $0x1BF5;
	p2 =	por !p2, p0  }
0x20: {  	[sflag:s8] =	ssyncset.s32 @!p0 $0xFFFFF086;
	s6 =	sadd.s32 @!p0 s3, s7;
	s7 =	simm.s32 @!p0 $0x108  }
0x21: {  	s3 =	sadd.s32 s3, s9;
	s6 =	sadd.s32 @!p0 $0x88, s6;
	s7 =	simm.s32 @p2 $0x1082  }
0x22: {  	[simem:s7], [sflag:s8] =	dma.local @!p0 [hbm:s6], $0xF7A  }
0x23: {  	s9 =	sor.u32 $0xD0000000, s2;
	s6 =	simm.s32 $0x108;
	_ =	swait.ge @!p0 [sflag:s8], $0x0  }
0x24: {  	s3 =	sadd.s32 $0x88, s3;
	s6 =	simm.s32 @!p1 $0x1082;
	[sflag:s4] =	ssyncset.s32 $0xFFFFF086  }
0x25: {  	[simem:s6], [sflag:s4] =	dma.local [hbm:s3], $0xF7A  }
0x26: {  	[smem:$0x3F9F] =	sst s1;
	(tag) =	ssettag s2;
	_ =	strace s9  }
0x27: {  	s1 =	sld [smem:$0x3FAF]  }
0x28: {  	s2 =	sld [smem:$0x3FB0]  }
0x29: {  	s4 =	sld [smem:$0x3FB2]  }
0x2a: {  	p0 =	seq.s32 s5, $0x0;
	s5 =	sld [smem:$0x3FB3]  }
0x2b: {  	s6 =	sld [smem:$0x3FB4]  }
0x2c: {  	s7 =	sld [smem:$0x3FB5]  }
0x2d: {  	s3 =	simm.s32 $0x108;
	s8 =	sld [smem:$0x3FB6]  }
0x2e: {  	s3 =	simm.s32 @!p0 $0x1082;
	s9 =	sld [smem:$0x3FB7]  }
0x2f: {  	lr =	sadd.s32 s0, s3;
	s0 =	sld [smem:$0x3FAE]  }
0x30: {  	s3 =	sld [smem:$0x3FB1]  }
0x31: {  	[smem:$0x3FBA] =	sst s10  }
0x32: {  	s10 =	sld [smem:$0x3FB8];
	_ =	sdelay $0x3  }
0x33: {  	p0 =	seq.s32 s10, $0x1;
	s10 =	sld [smem:$0x3FBA];
	_ =	sdelay $0x3  }
0x34: {  	[smem:$0x3FBA] =	sst s10  }
0x35: {  	s10 =	sld [smem:$0x3FB9];
	_ =	sdelay $0x3  }
0x36: {  	p1 =	seq.s32 s10, $0x1;
	s10 =	sld [smem:$0x3FBA];
	_ =	sdelay $0x3  }
0x37: {  	[smem:$0x3FBA] =	sst s10  }
0x38: {  	s10 =	sld [smem:$0x3FBB]  }
0x39: {  	_ = 	snop;
	(pc) =	sbr.ind lr, $3  }
0x3a: {  	_ = 	snop  }
0x3b: {  	_ = 	snop  }
0x3c: {  	p2 =	seq.s32 s10, $0x1;
	s10 =	sld [smem:$0x3FBA]  }
0x3d: {  	_ =	shalt  }
0x3e: {  	_ =	shalt  }
0x3f: {  	_ =	shalt  }
0x40: {  	_ =	shalt  }
0x41: {  	_ =	shalt  }
0x42: {  	_ =	shalt  }
0x43: {  	_ =	shalt  }
0x44: {  	_ =	shalt  }
0x45: {  	_ =	shalt  }
0x46: {  	_ =	shalt  }
0x47: {  	_ =	shalt  }
0x48: {  	_ =	shalt  }
0x49: {  	_ =	shalt  }
0x4a: {  	_ =	shalt  }
0x4b: {  	_ =	shalt  }
0x4c: {  	_ =	shalt  }
0x4d: {  	_ =	shalt  }
0x4e: {  	_ =	shalt  }
0x4f: {  	_ =	shalt  }
0x50: {  	_ =	shalt  }
0x51: {  	_ =	shalt  }
0x52: {  	_ =	shalt  }
0x53: {  	_ =	shalt  }
0x54: {  	_ =	shalt  }
0x55: {  	_ =	shalt  }
0x56: {  	_ =	shalt  }
0x57: {  	_ =	shalt  }
0x58: {  	_ =	shalt  }
0x59: {  	_ =	shalt  }
0x5a: {  	_ =	shalt  }
0x5b: {  	_ =	shalt  }
0x5c: {  	_ =	shalt  }
0x5d: {  	_ =	shalt  }
0x5e: {  	_ =	shalt  }
0x5f: {  	_ =	shalt  }
0x60: {  	_ =	shalt  }
0x61: {  	_ =	shalt  }
0x62: {  	_ =	shalt  }
0x63: {  	_ =	shalt  }
0x64: {  	_ =	shalt  }
0x65: {  	_ =	shalt  }
0x66: {  	_ =	shalt  }
0x67: {  	_ =	shalt  }
0x68: {  	_ =	shalt  }
0x69: {  	_ =	shalt  }
0x6a: {  	_ =	shalt  }
0x6b: {  	_ =	shalt  }
0x6c: {  	_ =	shalt  }
0x6d: {  	_ =	shalt  }
0x6e: {  	_ =	shalt  }
0x6f: {  	_ =	shalt  }
0x70: {  	_ =	shalt  }
0x71: {  	_ =	shalt  }
0x72: {  	_ =	shalt  }
0x73: {  	_ =	shalt  }
0x74: {  	_ =	shalt  }
0x75: {  	_ =	shalt  }
0x76: {  	_ =	shalt  }
0x77: {  	_ =	shalt  }
0x78: {  	_ =	shalt  }
0x79: {  	_ =	shalt  }
0x7a: {  	_ =	shalt  }
0x7b: {  	_ =	shalt  }
0x7c: {  	_ =	shalt  }
0x7d: {  	_ =	shalt  }
0x7e: {  	_ =	shalt  }
0x7f: {  	_ =	shalt  }
0x80: {  	_ =	shalt  }
0x81: {  	_ =	shalt  }
0x82: {  	_ =	shalt  }
0x83: {  	_ =	shalt  }
0x84: {  	_ =	shalt  }
0x85: {  	_ =	shalt  }
0x86: {  	_ =	shalt  }
0x87: {  	_ =	shalt  }
.Lfunc_end0:
.L_simem_size_0:
called_computation.1_lowered:
.L_overlay_start_0:
0x88: {  	s2 =	sld [smem:$0x3FD9]  }
0x89: {  	s3 =	sld [smem:$0x3FFE];
	_ =	sdelay $0x1  }
0x8a: {  	s1 =	srdreg.scid  }
0x8b: {  	s0 =	sand.u32 $0x1, s1  }
0x8c: {  	s17 =	sshll.u32 s0, $0xA;
	s2 =	sadd.s32 s3, s2  }
0x8d: {  	s2 =	sadd.s32 s2, s17  }
0x8e: {  	[smem:$0x3FC6] =	sst s2  }
0x8f: {  	_ = 	snop  }
0x90: {  	s2 =	sld [smem:$0x3FD0];
	(tm) =	ssettm $0x1  }
0x91: {  	s18 =	sld [smem:$0x3FFB];
	_ =	sdelay $0x3  }
0x92: {  	_ =	strace s18  }
0x93: {  	s3 =	sld [smem:$0x3FFC];
	_ =	sdelay $0x3  }
0x94: {  	_ =	strace s3  }
0x95: {  	s3 =	sld [smem:$0x3FFD];
	_ =	sdelay $0x3  }
0x96: {  	_ =	strace s3  }
0x97: {  	_ =	strace $0x8FFFFFFF  }
0x98: {  	s19 =	sld [smem:$0x3FDB];
	_ =	sdelay $0x1  }
0x99: {  	s4 =	simm.s32 $_scs_section_size  }
0x9a: {  	s5 =	simm.s32 $_size__tile_overlayer_lowered;
	s6 =	simm.s32 $_tile_overlayer_lowered  }
0x9b: {  	s22 =	simm.s32 $0x1BFF;
	s21 =	sshll.u32 s6, $0x1;
	s3 =	sadd.s32 s4, s19  }
0x9c: {  	s7 =	simm.s32 $0x0;
	s20 =	sshll.u32 s5, $0x1;
	s5 =	sadd.s32 s21, s3  }
0x9d: {  	[timem:s7], [sflag:s22] =	dma.local [hbm:s5], s20  }
0x9e: {  	_ =	swait.ge [sflag:s22], s20  }
0x9f: {  	s4 =	ssub.s32 $0x0, s20;
	[sflag:s22] =	ssyncset.done $0x0  }
0xa0: {  	[sflag:s22] =	ssyncadd.s32 s4;
	_ =	sdelay $0x1  }
0xa1: {  	s23 =	simm.s32 $0x1B8B  }
0xa2: {  	_ =	swait.ge [sflag:s23], $0x1  }
0xa3: {  	[sflag:s23] =	ssyncset.done $0x0  }
0xa4: {  	s25 =	simm.s32 $0x1B8E;
	s24 =	sld [smem:$0x3FFE];
	[sflag:s23] =	ssyncadd.s32 $0xFFFFFFFF  }
0xa5: {  	s26 =	simm.s32 $execute0_lowered;
	[smem:$0x3FD2] =	sst s25  }
0xa6: {  	s5 =	sshll.u32 s26, $0x1;
	_ =	strace $0x80000046;
	[dreg:$0x1] =	wrdreg $0xFFFFFFFF  }
0xa7: {  	s28 =	simm.s32 $_size_execute0_lowered;
	s3 =	sadd.s32 s3, s5;
	[dreg:$0x0] =	wrdreg $0x0  }
0xa8: {  	s5 =	sshll.u32 s28, $0x1;
	[dreg:$0x2] =	wrdreg s3  }
0xa9: {  	[dreg:$0x3] =	wrdreg s5  }
0xaa: {  	[dreg:$0x4] =	wrdreg $0xC0  }
0xab: {  	_ =	task [dreg:s7], $0x5FFFF  }
0xac: {  	[dreg:$0x1] =	wrdreg $0xFFFFFFFF  }
0xad: {  	[dreg:$0x0] =	wrdreg $0x60  }
0xae: {  	[dreg:$0x2] =	wrdreg s2  }
0xaf: {  	[dreg:$0x3] =	wrdreg s24  }
0xb0: {  	[dreg:$0x4] =	wrdreg $0x9  }
0xb1: {  	_ =	task.clear_ibuf [dreg:s7], $0x5FFFF;
	_ =	strace $0x90000046  }
0xb2: {  	s29 =	simm.s32 $0x9;
	_ =	strace $0x80000048  }
0xb3: {  	_ =	swait.ge [sflag:s29], $0x1  }
0xb4: {  	[sflag:s29] =	ssyncadd.s32 $0xFFFFFFFF  }
0xb5: {  	_ =	strace $0x90000048  }
0xb6: {  	_ =	sfence  }
0xb7: {  	s30 =	sld [smem:$0x0];
	_ =	sdelay $0x2  }
0xb8: {  	s31 =	sshll.u32 s1, $0xD;
	s1 =	sshrl.u32 s1, $0x2  }
0xb9: {  	s3 =	sand.u32 $0x4000, s31;
	s1 =	sadd.s32 s1, s30  }
0xba: {  	s0 =	sor.u32 s3, s0;
	s1 =	sshll.u32 s1, $0x11  }
0xbb: {  	s0 =	sor.u32 s1, s0  }
0xbc: {  	s0 =	sadd.s32 $0x8F2B, s0  }
0xbd: {  	[sflag:s0] =	ssyncadd.remote.s32 $0x1  }
0xbe: {  	_ =	sfence.sel $0xFFFF  }
0xbf: {  	[dreg:$0x0] =	wrdreg $0xFFFFFFFF;
	(pc) =	sbr.abs _section_cstart, $3  }
0xc0: {  	[dreg:$0x1] =	wrdreg $0xFFFFFFFF  }
0xc1: {  	_ =	task.clear_ibuf [dreg:s7], $0x2FFFF;
	_ =	strace $0x9FFFFFFF  }
0xc2: {  	(tm) =	ssettm $0x7FFFFFFF  }
0xc3: {  	_ =	shalt  }
tec
execute0_lowered:
.L_overlay_start_1:
0x0: {  	(tag) =	ssettag $0x1  }
0x1: {  	s6 =	rddreg [dreg:$0x0];
	s1 =	srdreg.scid  }
0x2: {  	s0 =	stileid.u32;
	s5 =	rddreg [dreg:$0x1];
	s2 =	simm.s32 $0x0  }
0x3: {  	s10 =	simm.s32 $0x1900;
	s11 =	simm.s32 $0x2;
	s12 =	simm.s32 $0xD900  }
0x4: {  	s13 =	simm.s32 $0x3;
	s14 =	simm.s32 $0x4;
	s15 =	simm.s32 $0x0  }
0x5: {  	s4 =	sand.u32 $0x1, s1;
	s3 =	sshll.u32 s0, $0x1;
	s1 =	rddreg [dreg:$0x2]  }
.Ltmp0:
0x6: {  	[smem:$0x7FF] =	sst s2;
	s3 =	sor.u32 s4, s3;
	(pc) =	sbr.rel .LBB2_1-.Ltmp0, $4  }
0x7: {  	_ =	strace $0x80000047;
	s7 =	ssub.s32 $0x2, s4;
	s3 =	smul.u32 $0x1900, s3  }
0x8: {  	s4 =	sadd.s32 $0x800, s5;
	s5 =	sadd.s32 $0x1250200, s5;
	s8 =	sshrl.u32 s7, $0x1  }
0x9: {  	s7 =	ssub.s32 s7, s8;
	s8 =	simm.s32 $0x5;
	s9 =	sshrl.u32 s3, $0x3  }
0xa: {  	s7 =	smax.u32 s7, $0x1;
	s6 =	sadd.s32 s6, s9;
	s9 =	simm.s32 $0x1  }
.LBB2_10:
0xb: {  	s15 =	sadd.s32 $0x1, s15  }
0xc: {  	_ =	swait.ge [sflag:s13], $0xC000;
	p0 =	sne.s32 s15, s7  }
.Ltmp1:
0xd: {  	[sflag:s13] =	ssyncset.done $0x0;
	(pc) =	sbr.rel @!p0 .LBB2_11-.Ltmp1, $4  }
0xe: {  	[sflag:s13] =	ssyncadd.s32 $0xFFFF4000  }
0xf: {  	_ =	swait.ge [sflag:s14], $0xC000  }
0x10: {  	[sflag:s14] =	ssyncset.done $0x0  }
0x11: {  	[sflag:s14] =	ssyncadd.s32 $0xFFFF4000  }
.LBB2_1:
0x12: {  	[tilespmem:s2], [sflag:$0x5] =	stream.linear.gather [hbm4b:s6+s2], $0x1900, $0x38;
	[tilespmem:$0x19900] =	vst v63  }
0x13: {  	_ =	swait.ge [sflag:s8], $0x1900  }
0x14: {  	[sflag:s8] =	ssyncset.done $0x0  }
0x15: {  	s17 =	simm.s32 $0x0;
	s18 =	simm.s32 $0x0;
	[sflag:s8] =	ssyncadd.s32 $0xFFFFE700  }
.LBB2_2:
0x16: {  	v0 =	vld [tilespmem:s17+$0x0];
	_ =	sdelay $0x4  }
0x17: {  	(v2sf) =	vpush v0, $0x0;
	_ =	sdelay $0x7  }
0x18: {  	(v2sf) =	vpush v0, $0x1;
	_ =	sdelay $0x6  }
0x19: {  	s16 =	spop (v2sf)  }
0x1a: {  	s19 =	sshrl.u32 s16, $0x3  }
0x1b: {  	s16 =	sshll.u32 s16, $0x7;
	s19 =	smul.u32 $0xC00, s19  }
0x1c: {  	(v2sf) =	vpush v0, $0x2;
	s16 =	sand.u32 $0x380, s16  }
0x1d: {  	s16 =	sor.u32 s16, s19  }
0x1e: {  	s19 =	sshra.s32 s18, $0x2;
	s16 =	sshrl.u32 s16, $0x3  }
0x1f: {  	s21 =	sadd.s32 $0x1900, s19;
	s20 =	sadd.s32 s4, s16;
	s16 =	simm.s32 $0x0  }
0x20: {  	[tilespmem:s21], [sflag:$0x1] =	stream.linear.gather [hbm4b:s20+s16], $0x80, $0x38;
	[tilespmem:$0x19900] =	vst v63  }
0x21: {  	s23 =	spop (v2sf);
	s22 =	sadd.s32 $0x1D00, s19;
	s31 =	sadd.s32 $0x80, s20  }
0x22: {  	[tilespmem:s22], [sflag:$0x1] =	stream.linear.gather [hbm4b:s31+s16], $0x80, $0x38;
	[tilespmem:$0x19900] =	vst v63  }
0x23: {  	s24 =	sshrl.u32 s23, $0x3;
	s20 =	sadd.s32 $0x100, s20;
	s22 =	sadd.s32 $0x2100, s19  }
0x24: {  	[tilespmem:s22], [sflag:$0x1] =	stream.linear.gather [hbm4b:s20+s16], $0x80, $0x38;
	[tilespmem:$0x19900] =	vst v63  }
0x25: {  	s21 =	smul.u32 $0xC00, s24;
	s20 =	sshll.u32 s23, $0x7  }
0x26: {  	(v2sf) =	vpush v0, $0x3;
	s20 =	sand.u32 $0x380, s20  }
0x27: {  	s20 =	sor.u32 s20, s21  }
0x28: {  	s20 =	sshrl.u32 s20, $0x3  }
0x29: {  	s25 =	sadd.s32 $0x1980, s19;
	s20 =	sadd.s32 s4, s20  }
0x2a: {  	[tilespmem:s25], [sflag:$0x1] =	stream.linear.gather [hbm4b:s20+s16], $0x80, $0x38;
	[tilespmem:$0x19900] =	vst v63  }
0x2b: {  	s28 =	sadd.s32 $0x1D80, s19;
	s30 =	spop (v2sf);
	s26 =	sadd.s32 $0x80, s20  }
0x2c: {  	[tilespmem:s28], [sflag:$0x1] =	stream.linear.gather [hbm4b:s26+s16], $0x80, $0x38;
	[tilespmem:$0x19900] =	vst v63  }
0x2d: {  	s29 =	sadd.s32 $0x2180, s19;
	s20 =	sadd.s32 $0x100, s20;
	s31 =	sshrl.u32 s30, $0x3  }
0x2e: {  	[tilespmem:s29], [sflag:$0x1] =	stream.linear.gather [hbm4b:s20+s16], $0x80, $0x38;
	[tilespmem:$0x19900] =	vst v63  }
0x2f: {  	s21 =	smul.u32 $0xC00, s31;
	s20 =	sshll.u32 s30, $0x7  }
0x30: {  	(v2sf) =	vpush v0, $0x4;
	s20 =	sand.u32 $0x380, s20  }
0x31: {  	s20 =	sor.u32 s20, s21  }
0x32: {  	s20 =	sshrl.u32 s20, $0x3  }
0x33: {  	s22 =	sadd.s32 $0x1A00, s19;
	s20 =	sadd.s32 s4, s20  }
0x34: {  	[tilespmem:s22], [sflag:$0x1] =	stream.linear.gather [hbm4b:s20+s16], $0x80, $0x38;
	[tilespmem:$0x19900] =	vst v63  }
0x35: {  	s24 =	sadd.s32 $0x1E00, s19;
	s26 =	spop (v2sf);
	s23 =	sadd.s32 $0x80, s20  }
0x36: {  	[tilespmem:s24], [sflag:$0x1] =	stream.linear.gather [hbm4b:s23+s16], $0x80, $0x38;
	[tilespmem:$0x19900] =	vst v63  }
0x37: {  	s25 =	sadd.s32 $0x2200, s19;
	s28 =	sshrl.u32 s26, $0x3;
	s20 =	sadd.s32 $0x100, s20  }
0x38: {  	[tilespmem:s25], [sflag:$0x1] =	stream.linear.gather [hbm4b:s20+s16], $0x80, $0x38;
	[tilespmem:$0x19900] =	vst v63  }
0x39: {  	s21 =	smul.u32 $0xC00, s28;
	s20 =	sshll.u32 s26, $0x7  }
0x3a: {  	(v2sf) =	vpush v0, $0x5;
	s20 =	sand.u32 $0x380, s20  }
0x3b: {  	s20 =	sor.u32 s20, s21  }
0x3c: {  	s20 =	sshrl.u32 s20, $0x3  }
0x3d: {  	s29 =	sadd.s32 $0x1A80, s19;
	s20 =	sadd.s32 s4, s20  }
0x3e: {  	[tilespmem:s29], [sflag:$0x1] =	stream.linear.gather [hbm4b:s20+s16], $0x80, $0x38;
	[tilespmem:$0x19900] =	vst v63  }
0x3f: {  	s31 =	sadd.s32 $0x1E80, s19;
	s23 =	spop (v2sf);
	s30 =	sadd.s32 $0x80, s20  }
0x40: {  	[tilespmem:s31], [sflag:$0x1] =	stream.linear.gather [hbm4b:s30+s16], $0x80, $0x38;
	[tilespmem:$0x19900] =	vst v63  }
0x41: {  	s22 =	sadd.s32 $0x2280, s19;
	s24 =	sshrl.u32 s23, $0x3;
	s20 =	sadd.s32 $0x100, s20  }
0x42: {  	[tilespmem:s22], [sflag:$0x1] =	stream.linear.gather [hbm4b:s20+s16], $0x80, $0x38;
	[tilespmem:$0x19900] =	vst v63  }
0x43: {  	s21 =	smul.u32 $0xC00, s24;
	s20 =	sshll.u32 s23, $0x7  }
0x44: {  	(v2sf) =	vpush v0, $0x6;
	s20 =	sand.u32 $0x380, s20  }
0x45: {  	s20 =	sor.u32 s20, s21  }
0x46: {  	s20 =	sshrl.u32 s20, $0x3  }
0x47: {  	s25 =	sadd.s32 $0x1B00, s19;
	s20 =	sadd.s32 s4, s20  }
0x48: {  	[tilespmem:s25], [sflag:$0x1] =	stream.linear.gather [hbm4b:s20+s16], $0x80, $0x38;
	[tilespmem:$0x19900] =	vst v63  }
0x49: {  	s28 =	sadd.s32 $0x1F00, s19;
	s30 =	spop (v2sf);
	s26 =	sadd.s32 $0x80, s20  }
0x4a: {  	[tilespmem:s28], [sflag:$0x1] =	stream.linear.gather [hbm4b:s26+s16], $0x80, $0x38;
	[tilespmem:$0x19900] =	vst v63  }
0x4b: {  	s29 =	sadd.s32 $0x2300, s19;
	s31 =	sshrl.u32 s30, $0x3;
	s20 =	sadd.s32 $0x100, s20  }
0x4c: {  	[tilespmem:s29], [sflag:$0x1] =	stream.linear.gather [hbm4b:s20+s16], $0x80, $0x38;
	[tilespmem:$0x19900] =	vst v63  }
0x4d: {  	s21 =	smul.u32 $0xC00, s31;
	s20 =	sshll.u32 s30, $0x7  }
0x4e: {  	(v2sf) =	vpush v0, $0x7;
	s20 =	sand.u32 $0x380, s20  }
0x4f: {  	s20 =	sor.u32 s20, s21  }
0x50: {  	s20 =	sshrl.u32 s20, $0x3  }
0x51: {  	s22 =	sadd.s32 $0x1B80, s19;
	s20 =	sadd.s32 s4, s20  }
0x52: {  	[tilespmem:s22], [sflag:$0x1] =	stream.linear.gather [hbm4b:s20+s16], $0x80, $0x38;
	[tilespmem:$0x19900] =	vst v63  }
0x53: {  	s24 =	sadd.s32 $0x1F80, s19;
	s26 =	spop (v2sf);
	s23 =	sadd.s32 $0x80, s20  }
0x54: {  	[tilespmem:s24], [sflag:$0x1] =	stream.linear.gather [hbm4b:s23+s16], $0x80, $0x38;
	[tilespmem:$0x19900] =	vst v63  }
0x55: {  	s25 =	sadd.s32 $0x2380, s19;
	s28 =	sshrl.u32 s26, $0x3;
	s20 =	sadd.s32 $0x100, s20  }
0x56: {  	[tilespmem:s25], [sflag:$0x1] =	stream.linear.gather [hbm4b:s20+s16], $0x80, $0x38;
	[tilespmem:$0x19900] =	vst v63  }
0x57: {  	s21 =	smul.u32 $0xC00, s28;
	s20 =	sshll.u32 s26, $0x7  }
0x58: {  	(v2sf) =	vpush v0, $0x8;
	s20 =	sand.u32 $0x380, s20  }
0x59: {  	s20 =	sor.u32 s20, s21  }
0x5a: {  	s20 =	sshrl.u32 s20, $0x3  }
0x5b: {  	s29 =	sadd.s32 $0x1C00, s19;
	s20 =	sadd.s32 s4, s20  }
0x5c: {  	[tilespmem:s29], [sflag:$0x1] =	stream.linear.gather [hbm4b:s20+s16], $0x80, $0x38;
	[tilespmem:$0x19900] =	vst v63  }
0x5d: {  	s31 =	sadd.s32 $0x2000, s19;
	s23 =	spop (v2sf);
	s30 =	sadd.s32 $0x80, s20  }
0x5e: {  	[tilespmem:s31], [sflag:$0x1] =	stream.linear.gather [hbm4b:s30+s16], $0x80, $0x38;
	[tilespmem:$0x19900] =	vst v63  }
0x5f: {  	s22 =	sadd.s32 $0x2400, s19;
	s24 =	sshrl.u32 s23, $0x3;
	s20 =	sadd.s32 $0x100, s20  }
0x60: {  	[tilespmem:s22], [sflag:$0x1] =	stream.linear.gather [hbm4b:s20+s16], $0x80, $0x38;
	[tilespmem:$0x19900] =	vst v63  }
0x61: {  	s21 =	smul.u32 $0xC00, s24;
	s20 =	sshll.u32 s23, $0x7  }
0x62: {  	(v2sf) =	vpush v0, $0x9;
	s20 =	sand.u32 $0x380, s20  }
0x63: {  	s20 =	sor.u32 s20, s21  }
0x64: {  	s20 =	sshrl.u32 s20, $0x3  }
0x65: {  	s25 =	sadd.s32 $0x1C80, s19;
	s20 =	sadd.s32 s4, s20  }
0x66: {  	[tilespmem:s25], [sflag:$0x1] =	stream.linear.gather [hbm4b:s20+s16], $0x80, $0x38;
	[tilespmem:$0x19900] =	vst v63  }
0x67: {  	s28 =	sadd.s32 $0x2080, s19;
	s30 =	spop (v2sf);
	s26 =	sadd.s32 $0x80, s20  }
0x68: {  	[tilespmem:s28], [sflag:$0x1] =	stream.linear.gather [hbm4b:s26+s16], $0x80, $0x38;
	[tilespmem:$0x19900] =	vst v63  }
0x69: {  	s29 =	sadd.s32 $0x2480, s19;
	s31 =	sshrl.u32 s30, $0x3;
	s20 =	sadd.s32 $0x100, s20  }
0x6a: {  	[tilespmem:s29], [sflag:$0x1] =	stream.linear.gather [hbm4b:s20+s16], $0x80, $0x38;
	[tilespmem:$0x19900] =	vst v63  }
0x6b: {  	s21 =	smul.u32 $0xC00, s31;
	s20 =	sshll.u32 s30, $0x7  }
0x6c: {  	(v2sf) =	vpush v0, $0xA;
	s20 =	sand.u32 $0x380, s20  }
0x6d: {  	s20 =	sor.u32 s20, s21  }
0x6e: {  	s20 =	sshrl.u32 s20, $0x3  }
0x6f: {  	s22 =	sadd.s32 $0x2500, s19;
	s20 =	sadd.s32 s4, s20  }
0x70: {  	[tilespmem:s22], [sflag:$0x1] =	stream.linear.gather [hbm4b:s20+s16], $0x80, $0x38;
	[tilespmem:$0x19900] =	vst v63  }
0x71: {  	s24 =	sadd.s32 $0x2900, s19;
	s26 =	spop (v2sf);
	s23 =	sadd.s32 $0x80, s20  }
0x72: {  	[tilespmem:s24], [sflag:$0x1] =	stream.linear.gather [hbm4b:s23+s16], $0x80, $0x38;
	[tilespmem:$0x19900] =	vst v63  }
0x73: {  	s25 =	sadd.s32 $0x2D00, s19;
	s28 =	sshrl.u32 s26, $0x3;
	s20 =	sadd.s32 $0x100, s20  }
0x74: {  	[tilespmem:s25], [sflag:$0x1] =	stream.linear.gather [hbm4b:s20+s16], $0x80, $0x38;
	[tilespmem:$0x19900] =	vst v63  }
0x75: {  	s21 =	smul.u32 $0xC00, s28;
	s20 =	sshll.u32 s26, $0x7  }
0x76: {  	(v2sf) =	vpush v0, $0xB;
	s20 =	sand.u32 $0x380, s20  }
0x77: {  	s20 =	sor.u32 s20, s21  }
0x78: {  	s20 =	sshrl.u32 s20, $0x3  }
0x79: {  	s29 =	sadd.s32 $0x2580, s19;
	s20 =	sadd.s32 s4, s20  }
0x7a: {  	[tilespmem:s29], [sflag:$0x1] =	stream.linear.gather [hbm4b:s20+s16], $0x80, $0x38;
	[tilespmem:$0x19900] =	vst v63  }
0x7b: {  	s31 =	sadd.s32 $0x2980, s19;
	s23 =	spop (v2sf);
	s30 =	sadd.s32 $0x80, s20  }
0x7c: {  	[tilespmem:s31], [sflag:$0x1] =	stream.linear.gather [hbm4b:s30+s16], $0x80, $0x38;
	[tilespmem:$0x19900] =	vst v63  }
0x7d: {  	s22 =	sadd.s32 $0x2D80, s19;
	s24 =	sshrl.u32 s23, $0x3;
	s20 =	sadd.s32 $0x100, s20  }
0x7e: {  	[tilespmem:s22], [sflag:$0x1] =	stream.linear.gather [hbm4b:s20+s16], $0x80, $0x38;
	[tilespmem:$0x19900] =	vst v63  }
0x7f: {  	s21 =	smul.u32 $0xC00, s24;
	s20 =	sshll.u32 s23, $0x7  }
0x80: {  	(v2sf) =	vpush v0, $0xC;
	s20 =	sand.u32 $0x380, s20  }
0x81: {  	s20 =	sor.u32 s20, s21  }
0x82: {  	s20 =	sshrl.u32 s20, $0x3  }
0x83: {  	s25 =	sadd.s32 $0x2600, s19;
	s20 =	sadd.s32 s4, s20  }
0x84: {  	[tilespmem:s25], [sflag:$0x1] =	stream.linear.gather [hbm4b:s20+s16], $0x80, $0x38;
	[tilespmem:$0x19900] =	vst v63  }
0x85: {  	s28 =	sadd.s32 $0x2A00, s19;
	s30 =	spop (v2sf);
	s26 =	sadd.s32 $0x80, s20  }
0x86: {  	[tilespmem:s28], [sflag:$0x1] =	stream.linear.gather [hbm4b:s26+s16], $0x80, $0x38;
	[tilespmem:$0x19900] =	vst v63  }
0x87: {  	s29 =	sadd.s32 $0x2E00, s19;
	s31 =	sshrl.u32 s30, $0x3;
	s20 =	sadd.s32 $0x100, s20  }
0x88: {  	[tilespmem:s29], [sflag:$0x1] =	stream.linear.gather [hbm4b:s20+s16], $0x80, $0x38;
	[tilespmem:$0x19900] =	vst v63  }
0x89: {  	s21 =	smul.u32 $0xC00, s31;
	s20 =	sshll.u32 s30, $0x7  }
0x8a: {  	(v2sf) =	vpush v0, $0xD;
	s20 =	sand.u32 $0x380, s20  }
0x8b: {  	s20 =	sor.u32 s20, s21  }
0x8c: {  	s20 =	sshrl.u32 s20, $0x3  }
0x8d: {  	s22 =	sadd.s32 $0x2680, s19;
	s20 =	sadd.s32 s4, s20  }
0x8e: {  	[tilespmem:s22], [sflag:$0x1] =	stream.linear.gather [hbm4b:s20+s16], $0x80, $0x38;
	[tilespmem:$0x19900] =	vst v63  }
0x8f: {  	s24 =	sadd.s32 $0x2A80, s19;
	s26 =	spop (v2sf);
	s23 =	sadd.s32 $0x80, s20  }
0x90: {  	[tilespmem:s24], [sflag:$0x1] =	stream.linear.gather [hbm4b:s23+s16], $0x80, $0x38;
	[tilespmem:$0x19900] =	vst v63  }
0x91: {  	s25 =	sadd.s32 $0x2E80, s19;
	s28 =	sshrl.u32 s26, $0x3;
	s20 =	sadd.s32 $0x100, s20  }
0x92: {  	[tilespmem:s25], [sflag:$0x1] =	stream.linear.gather [hbm4b:s20+s16], $0x80, $0x38;
	[tilespmem:$0x19900] =	vst v63  }
0x93: {  	s21 =	smul.u32 $0xC00, s28;
	s20 =	sshll.u32 s26, $0x7  }
0x94: {  	(v2sf) =	vpush v0, $0xE;
	s20 =	sand.u32 $0x380, s20  }
0x95: {  	s20 =	sor.u32 s20, s21  }
0x96: {  	s20 =	sshrl.u32 s20, $0x3  }
0x97: {  	s29 =	sadd.s32 $0x2700, s19;
	s20 =	sadd.s32 s4, s20  }
0x98: {  	[tilespmem:s29], [sflag:$0x1] =	stream.linear.gather [hbm4b:s20+s16], $0x80, $0x38;
	[tilespmem:$0x19900] =	vst v63  }
0x99: {  	s31 =	sadd.s32 $0x2B00, s19;
	s23 =	spop (v2sf);
	s30 =	sadd.s32 $0x80, s20  }
0x9a: {  	[tilespmem:s31], [sflag:$0x1] =	stream.linear.gather [hbm4b:s30+s16], $0x80, $0x38;
	[tilespmem:$0x19900] =	vst v63  }
0x9b: {  	s22 =	sadd.s32 $0x2F00, s19;
	s24 =	sshrl.u32 s23, $0x3;
	s20 =	sadd.s32 $0x100, s20  }
0x9c: {  	[tilespmem:s22], [sflag:$0x1] =	stream.linear.gather [hbm4b:s20+s16], $0x80, $0x38;
	[tilespmem:$0x19900] =	vst v63  }
0x9d: {  	s21 =	smul.u32 $0xC00, s24;
	s20 =	sshll.u32 s23, $0x7  }
0x9e: {  	(v2sf) =	vpush v0, $0xF;
	s20 =	sand.u32 $0x380, s20  }
0x9f: {  	s20 =	sor.u32 s20, s21  }
0xa0: {  	s20 =	sshrl.u32 s20, $0x3  }
0xa1: {  	s25 =	sadd.s32 $0x2780, s19;
	s20 =	sadd.s32 s4, s20  }
0xa2: {  	[tilespmem:s25], [sflag:$0x1] =	stream.linear.gather [hbm4b:s20+s16], $0x80, $0x38;
	[tilespmem:$0x19900] =	vst v63  }
0xa3: {  	s28 =	sadd.s32 $0x2B80, s19;
	s29 =	spop (v2sf);
	s26 =	sadd.s32 $0x80, s20  }
0xa4: {  	[tilespmem:s28], [sflag:$0x1] =	stream.linear.gather [hbm4b:s26+s16], $0x80, $0x38;
	[tilespmem:$0x19900] =	vst v63  }
0xa5: {  	s30 =	sadd.s32 $0x2F80, s19;
	s31 =	sshrl.u32 s29, $0x3;
	s20 =	sadd.s32 $0x100, s20  }
0xa6: {  	[tilespmem:s30], [sflag:$0x1] =	stream.linear.gather [hbm4b:s20+s16], $0x80, $0x38;
	[tilespmem:$0x19900] =	vst v63  }
0xa7: {  	s21 =	sshll.u32 s29, $0x7;
	s20 =	smul.u32 $0xC00, s31  }
0xa8: {  	s21 =	sand.u32 $0x380, s21  }
0xa9: {  	s20 =	sor.u32 s21, s20  }
0xaa: {  	s20 =	sshrl.u32 s20, $0x3  }
0xab: {  	s22 =	sadd.s32 $0x2800, s19;
	s20 =	sadd.s32 s4, s20  }
0xac: {  	[tilespmem:s22], [sflag:$0x1] =	stream.linear.gather [hbm4b:s20+s16], $0x80, $0x38;
	[tilespmem:$0x19900] =	vst v63  }
0xad: {  	s24 =	sadd.s32 $0x2C00, s19;
	s26 =	spop (v2sf);
	s23 =	sadd.s32 $0x80, s20  }
0xae: {  	[tilespmem:s24], [sflag:$0x1] =	stream.linear.gather [hbm4b:s23+s16], $0x80, $0x38;
	[tilespmem:$0x19900] =	vst v63  }
0xaf: {  	s25 =	sadd.s32 $0x3000, s19;
	s28 =	sshrl.u32 s26, $0x3;
	s20 =	sadd.s32 $0x100, s20  }
0xb0: {  	[tilespmem:s25], [sflag:$0x1] =	stream.linear.gather [hbm4b:s20+s16], $0x80, $0x38;
	[tilespmem:$0x19900] =	vst v63  }
0xb1: {  	s21 =	smul.u32 $0xC00, s28;
	s20 =	sshll.u32 s26, $0x7  }
0xb2: {  	s20 =	sand.u32 $0x380, s20  }
0xb3: {  	s20 =	sor.u32 s20, s21  }
0xb4: {  	s20 =	sshrl.u32 s20, $0x3  }
0xb5: {  	p0 =	sne.s32 s18, $0x2A000;
	s29 =	sadd.s32 $0x2880, s19;
	s20 =	sadd.s32 s4, s20  }
0xb6: {  	[tilespmem:s29], [sflag:$0x1] =	stream.linear.gather [hbm4b:s20+s16], $0x80, $0x38;
	[tilespmem:$0x19900] =	vst v63  }
.Ltmp2:
0xb7: {  	_ = 	snop;
	(pc) =	sbr.rel @p0 .LBB2_2-.Ltmp2, $4  }
0xb8: {  	s17 =	sadd.s32 $0x10, s17;
	s31 =	sadd.s32 $0x2C80, s19;
	s30 =	sadd.s32 $0x80, s20  }
0xb9: {  	[tilespmem:s31], [sflag:$0x1] =	stream.linear.gather [hbm4b:s30+s16], $0x80, $0x38;
	[tilespmem:$0x19900] =	vst v63  }
0xba: {  	s18 =	sadd.s32 $0x6000, s18;
	s19 =	sadd.s32 $0x3080, s19;
	s20 =	sadd.s32 $0x100, s20  }
0xbb: {  	[tilespmem:s19], [sflag:$0x1] =	stream.linear.gather [hbm4b:s20+s16], $0x80, $0x38;
	[tilespmem:$0x19900] =	vst v63  }
.Ltmp3:
0xbc: {  	(pc) =	sbr.rel .LBB2_4-.Ltmp3, $2  }
0xbd: {  	_ =	sdelay $0x2  }
0xbe: {  	s17 =	simm.s32 $0x80;
	s18 =	simm.s32 $0x100  }
.LBB2_9:
0xbf: {  	s19 =	sshll.u32 s19, $0x7;
	s16 =	sadd.s32 $0x1, s16  }
0xc0: {  	s19 =	sadd.s32 s3, s19;
	p0 =	sne.s32 s16, $0x19  }
.Ltmp4:
0xc1: {  	s19 =	sshrl.u32 s19, $0x3;
	(pc) =	sbr.rel @!p0 .LBB2_10-.Ltmp4, $4  }
0xc2: {  	_ =	swait.ge [sflag:s11], $0xC000;
	s19 =	smul.u32 $0x180, s19  }
0xc3: {  	s17 =	sadd.s32 $0x100, s17;
	[sflag:s11] =	ssyncset.done $0x0  }
0xc4: {  	s18 =	sadd.s32 $0x100, s18;
	[sflag:s11] =	ssyncadd.s32 $0xFFFF4000;
	s19 =	sadd.s32 s5, s19  }
0xc5: {  	[hbm4b:s19+s2] =	stream.linear.scatter [tilespmem:s12], [sflag:$0x4], $0xC000, $0x38;
	[tilespmem:$0x19900] =	vst v63  }
.LBB2_4:
0xc6: {  	p0 =	seq.s32 s16, $0x0  }
0xc7: {  	s19 =	simm.s32 @!p0 $0x4  }
0xc8: {  	_ =	swait.ge @!p0 [sflag:s19], $0xC000  }
0xc9: {  	s20 =	sshll.u32 s16, $0x1;
	s21 =	simm.s32 $0x0;
	[sflag:s19] =	ssyncset.done @!p0 $0x0  }
0xca: {  	[sflag:s19] =	ssyncadd.s32 @!p0 $0xFFFF4000;
	s19 =	sor.u32 $0x1, s20;
	s20 =	smov.u32 s17  }
.LBB2_5:
0xcb: {  	v0 =	vld [tilespmem:s20+$0x0];
	_ =	sdelay $0x4  }
0xcc: {  	(v2sf) =	vpush v0, $0x0;
	_ =	sdelay $0x9  }
0xcd: {  	(v2sf) =	vpush v0, $0x1;
	_ =	sdelay $0x4  }
0xce: {  	s22 =	spop (v2sf)  }
0xcf: {  	s23 =	sshrl.u32 s22, $0x3  }
0xd0: {  	s22 =	sshll.u32 s22, $0x7;
	s23 =	smul.u32 $0xC00, s23  }
0xd1: {  	s22 =	sand.u32 $0x380, s22  }
0xd2: {  	(v2sf) =	vpush v0, $0x2;
	s22 =	sor.u32 s22, s23  }
0xd3: {  	s23 =	sshrl.u32 s22, $0x3;
	s22 =	sshra.s32 s21, $0x2  }
0xd4: {  	s23 =	sadd.s32 s4, s23;
	s24 =	sadd.s32 $0xD900, s22  }
0xd5: {  	[tilespmem:s24], [sflag:$0x2] =	stream.linear.gather [hbm4b:s23+s2], $0x80, $0x38;
	[tilespmem:$0x19900] =	vst v63  }
0xd6: {  	s25 =	sadd.s32 $0xDD00, s22;
	s30 =	sadd.s32 $0x80, s23  }
0xd7: {  	[tilespmem:s25], [sflag:$0x2] =	stream.linear.gather [hbm4b:s30+s2], $0x80, $0x38;
	[tilespmem:$0x19900] =	vst v63  }
0xd8: {  	s25 =	spop (v2sf)  }
0xd9: {  	s31 =	sadd.s32 $0xE100, s22;
	s23 =	sadd.s32 $0x100, s23;
	s26 =	sshrl.u32 s25, $0x3  }
0xda: {  	[tilespmem:s31], [sflag:$0x2] =	stream.linear.gather [hbm4b:s23+s2], $0x80, $0x38;
	[tilespmem:$0x19900] =	vst v63  }
0xdb: {  	s24 =	smul.u32 $0xC00, s26;
	s23 =	sshll.u32 s25, $0x7  }
0xdc: {  	(v2sf) =	vpush v0, $0x3;
	s23 =	sand.u32 $0x380, s23  }
0xdd: {  	s23 =	sor.u32 s23, s24  }
0xde: {  	s23 =	sshrl.u32 s23, $0x3  }
0xdf: {  	s28 =	sadd.s32 $0xD980, s22;
	s23 =	sadd.s32 s4, s23  }
0xe0: {  	[tilespmem:s28], [sflag:$0x2] =	stream.linear.gather [hbm4b:s23+s2], $0x80, $0x38;
	[tilespmem:$0x19900] =	vst v63  }
0xe1: {  	s30 =	sadd.s32 $0xDD80, s22;
	s25 =	spop (v2sf);
	s29 =	sadd.s32 $0x80, s23  }
0xe2: {  	[tilespmem:s30], [sflag:$0x2] =	stream.linear.gather [hbm4b:s29+s2], $0x80, $0x38;
	[tilespmem:$0x19900] =	vst v63  }
0xe3: {  	s31 =	sadd.s32 $0xE180, s22;
	s23 =	sadd.s32 $0x100, s23;
	s26 =	sshrl.u32 s25, $0x3  }
0xe4: {  	[tilespmem:s31], [sflag:$0x2] =	stream.linear.gather [hbm4b:s23+s2], $0x80, $0x38;
	[tilespmem:$0x19900] =	vst v63  }
0xe5: {  	s24 =	smul.u32 $0xC00, s26;
	s23 =	sshll.u32 s25, $0x7  }
0xe6: {  	(v2sf) =	vpush v0, $0x4;
	s23 =	sand.u32 $0x380, s23  }
0xe7: {  	s23 =	sor.u32 s23, s24  }
0xe8: {  	s23 =	sshrl.u32 s23, $0x3  }
0xe9: {  	s28 =	sadd.s32 $0xDA00, s22;
	s23 =	sadd.s32 s4, s23  }
0xea: {  	[tilespmem:s28], [sflag:$0x2] =	stream.linear.gather [hbm4b:s23+s2], $0x80, $0x38;
	[tilespmem:$0x19900] =	vst v63  }
0xeb: {  	s30 =	sadd.s32 $0xDE00, s22;
	s25 =	spop (v2sf);
	s29 =	sadd.s32 $0x80, s23  }
0xec: {  	[tilespmem:s30], [sflag:$0x2] =	stream.linear.gather [hbm4b:s29+s2], $0x80, $0x38;
	[tilespmem:$0x19900] =	vst v63  }
0xed: {  	s31 =	sadd.s32 $0xE200, s22;
	s23 =	sadd.s32 $0x100, s23;
	s26 =	sshrl.u32 s25, $0x3  }
0xee: {  	[tilespmem:s31], [sflag:$0x2] =	stream.linear.gather [hbm4b:s23+s2], $0x80, $0x38;
	[tilespmem:$0x19900] =	vst v63  }
0xef: {  	s24 =	smul.u32 $0xC00, s26;
	s23 =	sshll.u32 s25, $0x7  }
0xf0: {  	(v2sf) =	vpush v0, $0x5;
	s23 =	sand.u32 $0x380, s23  }
0xf1: {  	s23 =	sor.u32 s23, s24  }
0xf2: {  	s23 =	sshrl.u32 s23, $0x3  }
0xf3: {  	s28 =	sadd.s32 $0xDA80, s22;
	s23 =	sadd.s32 s4, s23  }
0xf4: {  	[tilespmem:s28], [sflag:$0x2] =	stream.linear.gather [hbm4b:s23+s2], $0x80, $0x38;
	[tilespmem:$0x19900] =	vst v63  }
0xf5: {  	s30 =	sadd.s32 $0xDE80, s22;
	s25 =	spop (v2sf);
	s29 =	sadd.s32 $0x80, s23  }
0xf6: {  	[tilespmem:s30], [sflag:$0x2] =	stream.linear.gather [hbm4b:s29+s2], $0x80, $0x38;
	[tilespmem:$0x19900] =	vst v63  }
0xf7: {  	s31 =	sadd.s32 $0xE280, s22;
	s26 =	sshrl.u32 s25, $0x3;
	s23 =	sadd.s32 $0x100, s23  }
0xf8: {  	[tilespmem:s31], [sflag:$0x2] =	stream.linear.gather [hbm4b:s23+s2], $0x80, $0x38;
	[tilespmem:$0x19900] =	vst v63  }
0xf9: {  	s24 =	smul.u32 $0xC00, s26;
	s23 =	sshll.u32 s25, $0x7  }
0xfa: {  	(v2sf) =	vpush v0, $0x6;
	s23 =	sand.u32 $0x380, s23  }
0xfb: {  	s23 =	sor.u32 s23, s24  }
0xfc: {  	s23 =	sshrl.u32 s23, $0x3  }
0xfd: {  	s28 =	sadd.s32 $0xDB00, s22;
	s23 =	sadd.s32 s4, s23  }
0xfe: {  	[tilespmem:s28], [sflag:$0x2] =	stream.linear.gather [hbm4b:s23+s2], $0x80, $0x38;
	[tilespmem:$0x19900] =	vst v63  }
0xff: {  	s30 =	sadd.s32 $0xDF00, s22;
	s25 =	spop (v2sf);
	s29 =	sadd.s32 $0x80, s23  }
0x100: {  	[tilespmem:s30], [sflag:$0x2] =	stream.linear.gather [hbm4b:s29+s2], $0x80, $0x38;
	[tilespmem:$0x19900] =	vst v63  }
0x101: {  	s31 =	sadd.s32 $0xE300, s22;
	s26 =	sshrl.u32 s25, $0x3;
	s23 =	sadd.s32 $0x100, s23  }
0x102: {  	[tilespmem:s31], [sflag:$0x2] =	stream.linear.gather [hbm4b:s23+s2], $0x80, $0x38;
	[tilespmem:$0x19900] =	vst v63  }
0x103: {  	s24 =	smul.u32 $0xC00, s26;
	s23 =	sshll.u32 s25, $0x7  }
0x104: {  	(v2sf) =	vpush v0, $0x7;
	s23 =	sand.u32 $0x380, s23  }
0x105: {  	s23 =	sor.u32 s23, s24  }
0x106: {  	s23 =	sshrl.u32 s23, $0x3  }
0x107: {  	s28 =	sadd.s32 $0xDB80, s22;
	s23 =	sadd.s32 s4, s23  }
0x108: {  	[tilespmem:s28], [sflag:$0x2] =	stream.linear.gather [hbm4b:s23+s2], $0x80, $0x38;
	[tilespmem:$0x19900] =	vst v63  }
0x109: {  	s30 =	sadd.s32 $0xDF80, s22;
	s25 =	spop (v2sf);
	s29 =	sadd.s32 $0x80, s23  }
0x10a: {  	[tilespmem:s30], [sflag:$0x2] =	stream.linear.gather [hbm4b:s29+s2], $0x80, $0x38;
	[tilespmem:$0x19900] =	vst v63  }
0x10b: {  	s31 =	sadd.s32 $0xE380, s22;
	s26 =	sshrl.u32 s25, $0x3;
	s23 =	sadd.s32 $0x100, s23  }
0x10c: {  	[tilespmem:s31], [sflag:$0x2] =	stream.linear.gather [hbm4b:s23+s2], $0x80, $0x38;
	[tilespmem:$0x19900] =	vst v63  }
0x10d: {  	s24 =	smul.u32 $0xC00, s26;
	s23 =	sshll.u32 s25, $0x7  }
0x10e: {  	(v2sf) =	vpush v0, $0x8;
	s23 =	sand.u32 $0x380, s23  }
0x10f: {  	s23 =	sor.u32 s23, s24  }
0x110: {  	s23 =	sshrl.u32 s23, $0x3  }
0x111: {  	s28 =	sadd.s32 $0xDC00, s22;
	s23 =	sadd.s32 s4, s23  }
0x112: {  	[tilespmem:s28], [sflag:$0x2] =	stream.linear.gather [hbm4b:s23+s2], $0x80, $0x38;
	[tilespmem:$0x19900] =	vst v63  }
0x113: {  	s30 =	sadd.s32 $0xE000, s22;
	s25 =	spop (v2sf);
	s29 =	sadd.s32 $0x80, s23  }
0x114: {  	[tilespmem:s30], [sflag:$0x2] =	stream.linear.gather [hbm4b:s29+s2], $0x80, $0x38;
	[tilespmem:$0x19900] =	vst v63  }
0x115: {  	s31 =	sadd.s32 $0xE400, s22;
	s26 =	sshrl.u32 s25, $0x3;
	s23 =	sadd.s32 $0x100, s23  }
0x116: {  	[tilespmem:s31], [sflag:$0x2] =	stream.linear.gather [hbm4b:s23+s2], $0x80, $0x38;
	[tilespmem:$0x19900] =	vst v63  }
0x117: {  	s24 =	smul.u32 $0xC00, s26;
	s23 =	sshll.u32 s25, $0x7  }
0x118: {  	(v2sf) =	vpush v0, $0x9;
	s23 =	sand.u32 $0x380, s23  }
0x119: {  	s23 =	sor.u32 s23, s24  }
0x11a: {  	s23 =	sshrl.u32 s23, $0x3  }
0x11b: {  	s28 =	sadd.s32 $0xDC80, s22;
	s23 =	sadd.s32 s4, s23  }
0x11c: {  	[tilespmem:s28], [sflag:$0x2] =	stream.linear.gather [hbm4b:s23+s2], $0x80, $0x38;
	[tilespmem:$0x19900] =	vst v63  }
0x11d: {  	s30 =	sadd.s32 $0xE080, s22;
	s25 =	spop (v2sf);
	s29 =	sadd.s32 $0x80, s23  }
0x11e: {  	[tilespmem:s30], [sflag:$0x2] =	stream.linear.gather [hbm4b:s29+s2], $0x80, $0x38;
	[tilespmem:$0x19900] =	vst v63  }
0x11f: {  	s31 =	sadd.s32 $0xE480, s22;
	s26 =	sshrl.u32 s25, $0x3;
	s23 =	sadd.s32 $0x100, s23  }
0x120: {  	[tilespmem:s31], [sflag:$0x2] =	stream.linear.gather [hbm4b:s23+s2], $0x80, $0x38;
	[tilespmem:$0x19900] =	vst v63  }
0x121: {  	s24 =	smul.u32 $0xC00, s26;
	s23 =	sshll.u32 s25, $0x7  }
0x122: {  	(v2sf) =	vpush v0, $0xA;
	s23 =	sand.u32 $0x380, s23  }
0x123: {  	s23 =	sor.u32 s23, s24  }
0x124: {  	s23 =	sshrl.u32 s23, $0x3  }
0x125: {  	s28 =	sadd.s32 $0xE500, s22;
	s23 =	sadd.s32 s4, s23  }
0x126: {  	[tilespmem:s28], [sflag:$0x2] =	stream.linear.gather [hbm4b:s23+s2], $0x80, $0x38;
	[tilespmem:$0x19900] =	vst v63  }
0x127: {  	s30 =	sadd.s32 $0xE900, s22;
	s25 =	spop (v2sf);
	s29 =	sadd.s32 $0x80, s23  }
0x128: {  	[tilespmem:s30], [sflag:$0x2] =	stream.linear.gather [hbm4b:s29+s2], $0x80, $0x38;
	[tilespmem:$0x19900] =	vst v63  }
0x129: {  	s31 =	sadd.s32 $0xED00, s22;
	s26 =	sshrl.u32 s25, $0x3;
	s23 =	sadd.s32 $0x100, s23  }
0x12a: {  	[tilespmem:s31], [sflag:$0x2] =	stream.linear.gather [hbm4b:s23+s2], $0x80, $0x38;
	[tilespmem:$0x19900] =	vst v63  }
0x12b: {  	s24 =	smul.u32 $0xC00, s26;
	s23 =	sshll.u32 s25, $0x7  }
0x12c: {  	(v2sf) =	vpush v0, $0xB;
	s23 =	sand.u32 $0x380, s23  }
0x12d: {  	s23 =	sor.u32 s23, s24  }
0x12e: {  	s23 =	sshrl.u32 s23, $0x3  }
0x12f: {  	s28 =	sadd.s32 $0xE580, s22;
	s23 =	sadd.s32 s4, s23  }
0x130: {  	[tilespmem:s28], [sflag:$0x2] =	stream.linear.gather [hbm4b:s23+s2], $0x80, $0x38;
	[tilespmem:$0x19900] =	vst v63  }
0x131: {  	s30 =	sadd.s32 $0xE980, s22;
	s25 =	spop (v2sf);
	s29 =	sadd.s32 $0x80, s23  }
0x132: {  	[tilespmem:s30], [sflag:$0x2] =	stream.linear.gather [hbm4b:s29+s2], $0x80, $0x38;
	[tilespmem:$0x19900] =	vst v63  }
0x133: {  	s31 =	sadd.s32 $0xED80, s22;
	s26 =	sshrl.u32 s25, $0x3;
	s23 =	sadd.s32 $0x100, s23  }
0x134: {  	[tilespmem:s31], [sflag:$0x2] =	stream.linear.gather [hbm4b:s23+s2], $0x80, $0x38;
	[tilespmem:$0x19900] =	vst v63  }
0x135: {  	s24 =	smul.u32 $0xC00, s26;
	s23 =	sshll.u32 s25, $0x7  }
0x136: {  	(v2sf) =	vpush v0, $0xC;
	s23 =	sand.u32 $0x380, s23  }
0x137: {  	s23 =	sor.u32 s23, s24  }
0x138: {  	s23 =	sshrl.u32 s23, $0x3  }
0x139: {  	s28 =	sadd.s32 $0xE600, s22;
	s23 =	sadd.s32 s4, s23  }
0x13a: {  	[tilespmem:s28], [sflag:$0x2] =	stream.linear.gather [hbm4b:s23+s2], $0x80, $0x38;
	[tilespmem:$0x19900] =	vst v63  }
0x13b: {  	s30 =	sadd.s32 $0xEA00, s22;
	s25 =	spop (v2sf);
	s29 =	sadd.s32 $0x80, s23  }
0x13c: {  	[tilespmem:s30], [sflag:$0x2] =	stream.linear.gather [hbm4b:s29+s2], $0x80, $0x38;
	[tilespmem:$0x19900] =	vst v63  }
0x13d: {  	s31 =	sadd.s32 $0xEE00, s22;
	s26 =	sshrl.u32 s25, $0x3;
	s23 =	sadd.s32 $0x100, s23  }
0x13e: {  	[tilespmem:s31], [sflag:$0x2] =	stream.linear.gather [hbm4b:s23+s2], $0x80, $0x38;
	[tilespmem:$0x19900] =	vst v63  }
0x13f: {  	s24 =	smul.u32 $0xC00, s26;
	s23 =	sshll.u32 s25, $0x7  }
0x140: {  	(v2sf) =	vpush v0, $0xD;
	s23 =	sand.u32 $0x380, s23  }
0x141: {  	s23 =	sor.u32 s23, s24  }
0x142: {  	s23 =	sshrl.u32 s23, $0x3  }
0x143: {  	s28 =	sadd.s32 $0xE680, s22;
	s23 =	sadd.s32 s4, s23  }
0x144: {  	[tilespmem:s28], [sflag:$0x2] =	stream.linear.gather [hbm4b:s23+s2], $0x80, $0x38;
	[tilespmem:$0x19900] =	vst v63  }
0x145: {  	s30 =	sadd.s32 $0xEA80, s22;
	s25 =	spop (v2sf);
	s29 =	sadd.s32 $0x80, s23  }
0x146: {  	[tilespmem:s30], [sflag:$0x2] =	stream.linear.gather [hbm4b:s29+s2], $0x80, $0x38;
	[tilespmem:$0x19900] =	vst v63  }
0x147: {  	s31 =	sadd.s32 $0xEE80, s22;
	s26 =	sshrl.u32 s25, $0x3;
	s23 =	sadd.s32 $0x100, s23  }
0x148: {  	[tilespmem:s31], [sflag:$0x2] =	stream.linear.gather [hbm4b:s23+s2], $0x80, $0x38;
	[tilespmem:$0x19900] =	vst v63  }
0x149: {  	s24 =	smul.u32 $0xC00, s26;
	s23 =	sshll.u32 s25, $0x7  }
0x14a: {  	(v2sf) =	vpush v0, $0xE;
	s23 =	sand.u32 $0x380, s23  }
0x14b: {  	s23 =	sor.u32 s23, s24  }
0x14c: {  	s23 =	sshrl.u32 s23, $0x3  }
0x14d: {  	s28 =	sadd.s32 $0xE700, s22;
	s23 =	sadd.s32 s4, s23  }
0x14e: {  	[tilespmem:s28], [sflag:$0x2] =	stream.linear.gather [hbm4b:s23+s2], $0x80, $0x38;
	[tilespmem:$0x19900] =	vst v63  }
0x14f: {  	s30 =	sadd.s32 $0xEB00, s22;
	s25 =	spop (v2sf);
	s29 =	sadd.s32 $0x80, s23  }
0x150: {  	[tilespmem:s30], [sflag:$0x2] =	stream.linear.gather [hbm4b:s29+s2], $0x80, $0x38;
	[tilespmem:$0x19900] =	vst v63  }
0x151: {  	s31 =	sadd.s32 $0xEF00, s22;
	s26 =	sshrl.u32 s25, $0x3;
	s23 =	sadd.s32 $0x100, s23  }
0x152: {  	[tilespmem:s31], [sflag:$0x2] =	stream.linear.gather [hbm4b:s23+s2], $0x80, $0x38;
	[tilespmem:$0x19900] =	vst v63  }
0x153: {  	s24 =	smul.u32 $0xC00, s26;
	s23 =	sshll.u32 s25, $0x7  }
0x154: {  	(v2sf) =	vpush v0, $0xF;
	s23 =	sand.u32 $0x380, s23  }
0x155: {  	s23 =	sor.u32 s23, s24  }
0x156: {  	s23 =	sshrl.u32 s23, $0x3  }
0x157: {  	s28 =	sadd.s32 $0xE780, s22;
	s23 =	sadd.s32 s4, s23  }
0x158: {  	[tilespmem:s28], [sflag:$0x2] =	stream.linear.gather [hbm4b:s23+s2], $0x80, $0x38;
	[tilespmem:$0x19900] =	vst v63  }
0x159: {  	s30 =	sadd.s32 $0xEB80, s22;
	s31 =	spop (v2sf);
	s29 =	sadd.s32 $0x80, s23  }
0x15a: {  	[tilespmem:s30], [sflag:$0x2] =	stream.linear.gather [hbm4b:s29+s2], $0x80, $0x38;
	[tilespmem:$0x19900] =	vst v63  }
0x15b: {  	s26 =	sadd.s32 $0xEF80, s22;
	s23 =	sadd.s32 $0x100, s23;
	s28 =	sshrl.u32 s31, $0x3  }
0x15c: {  	[tilespmem:s26], [sflag:$0x2] =	stream.linear.gather [hbm4b:s23+s2], $0x80, $0x38;
	[tilespmem:$0x19900] =	vst v63  }
0x15d: {  	s24 =	sshll.u32 s31, $0x7;
	s23 =	smul.u32 $0xC00, s28  }
0x15e: {  	s24 =	sand.u32 $0x380, s24  }
0x15f: {  	s23 =	sor.u32 s24, s23  }
0x160: {  	s23 =	sshrl.u32 s23, $0x3  }
0x161: {  	s29 =	sadd.s32 $0xE800, s22;
	s23 =	sadd.s32 s4, s23  }
0x162: {  	[tilespmem:s29], [sflag:$0x2] =	stream.linear.gather [hbm4b:s23+s2], $0x80, $0x38;
	[tilespmem:$0x19900] =	vst v63  }
0x163: {  	s31 =	sadd.s32 $0xEC00, s22;
	s26 =	spop (v2sf);
	s30 =	sadd.s32 $0x80, s23  }
0x164: {  	[tilespmem:s31], [sflag:$0x2] =	stream.linear.gather [hbm4b:s30+s2], $0x80, $0x38;
	[tilespmem:$0x19900] =	vst v63  }
0x165: {  	s25 =	sadd.s32 $0xF000, s22;
	s28 =	sshrl.u32 s26, $0x3;
	s23 =	sadd.s32 $0x100, s23  }
0x166: {  	[tilespmem:s25], [sflag:$0x2] =	stream.linear.gather [hbm4b:s23+s2], $0x80, $0x38;
	[tilespmem:$0x19900] =	vst v63  }
0x167: {  	s24 =	smul.u32 $0xC00, s28;
	s23 =	sshll.u32 s26, $0x7  }
0x168: {  	s23 =	sand.u32 $0x380, s23  }
0x169: {  	s23 =	sor.u32 s23, s24  }
0x16a: {  	s23 =	sshrl.u32 s23, $0x3  }
0x16b: {  	p0 =	sne.s32 s21, $0x2A000;
	s29 =	sadd.s32 $0xE880, s22;
	s23 =	sadd.s32 s4, s23  }
0x16c: {  	[tilespmem:s29], [sflag:$0x2] =	stream.linear.gather [hbm4b:s23+s2], $0x80, $0x38;
	[tilespmem:$0x19900] =	vst v63  }
.Ltmp5:
0x16d: {  	_ = 	snop;
	(pc) =	sbr.rel @p0 .LBB2_5-.Ltmp5, $4  }
0x16e: {  	s20 =	sadd.s32 $0x10, s20;
	s31 =	sadd.s32 $0xEC80, s22;
	s30 =	sadd.s32 $0x80, s23  }
0x16f: {  	[tilespmem:s31], [sflag:$0x2] =	stream.linear.gather [hbm4b:s30+s2], $0x80, $0x38;
	[tilespmem:$0x19900] =	vst v63  }
0x170: {  	s21 =	sadd.s32 $0x6000, s21;
	s22 =	sadd.s32 $0xF080, s22;
	s23 =	sadd.s32 $0x100, s23  }
0x171: {  	[tilespmem:s22], [sflag:$0x2] =	stream.linear.gather [hbm4b:s23+s2], $0x80, $0x38;
	[tilespmem:$0x19900] =	vst v63  }
0x172: {  	s20 =	sshll.u32 s16, $0x8  }
0x173: {  	p0 =	seq.s32 s16, $0x18;
	s20 =	sadd.s32 s3, s20  }
.Ltmp6:
0x174: {  	s20 =	sshrl.u32 s20, $0x3;
	(pc) =	sbr.rel @p0 .LBB2_9-.Ltmp6, $4  }
0x175: {  	_ =	swait.ge [sflag:s9], $0xC000;
	s20 =	smul.u32 $0x180, s20  }
0x176: {  	[sflag:s9] =	ssyncset.done $0x0  }
0x177: {  	[sflag:s9] =	ssyncadd.s32 $0xFFFF4000;
	s20 =	sadd.s32 s5, s20  }
0x178: {  	[hbm4b:s20+s2] =	stream.linear.scatter [tilespmem:s10], [sflag:$0x3], $0xC000, $0x38;
	[tilespmem:$0x19900] =	vst v63  }
0x179: {  	_ =	swait.ge [sflag:s13], $0xC000  }
0x17a: {  	[sflag:s13] =	ssyncset.done $0x0  }
0x17b: {  	s20 =	simm.s32 $0x0;
	s21 =	smov.u32 s18;
	[sflag:s13] =	ssyncadd.s32 $0xFFFF4000  }
.LBB2_8:
0x17c: {  	v0 =	vld [tilespmem:s21+$0x0];
	_ =	sdelay $0x4  }
0x17d: {  	(v2sf) =	vpush v0, $0x0;
	_ =	sdelay $0x9  }
0x17e: {  	(v2sf) =	vpush v0, $0x1;
	_ =	sdelay $0x4  }
0x17f: {  	s22 =	spop (v2sf)  }
0x180: {  	s23 =	sshrl.u32 s22, $0x3  }
0x181: {  	s22 =	sshll.u32 s22, $0x7;
	s23 =	smul.u32 $0xC00, s23  }
0x182: {  	s22 =	sand.u32 $0x380, s22  }
0x183: {  	(v2sf) =	vpush v0, $0x2;
	s22 =	sor.u32 s22, s23  }
0x184: {  	s23 =	sshrl.u32 s22, $0x3;
	s22 =	sshra.s32 s20, $0x2  }
0x185: {  	s23 =	sadd.s32 s4, s23;
	s24 =	sadd.s32 $0x1900, s22  }
0x186: {  	[tilespmem:s24], [sflag:$0x1] =	stream.linear.gather [hbm4b:s23+s2], $0x80, $0x38;
	[tilespmem:$0x19900] =	vst v63  }
0x187: {  	s25 =	sadd.s32 $0x1D00, s22;
	s30 =	sadd.s32 $0x80, s23  }
0x188: {  	[tilespmem:s25], [sflag:$0x1] =	stream.linear.gather [hbm4b:s30+s2], $0x80, $0x38;
	[tilespmem:$0x19900] =	vst v63  }
0x189: {  	s25 =	spop (v2sf)  }
0x18a: {  	s31 =	sadd.s32 $0x2100, s22;
	s23 =	sadd.s32 $0x100, s23;
	s26 =	sshrl.u32 s25, $0x3  }
0x18b: {  	[tilespmem:s31], [sflag:$0x1] =	stream.linear.gather [hbm4b:s23+s2], $0x80, $0x38;
	[tilespmem:$0x19900] =	vst v63  }
0x18c: {  	s24 =	smul.u32 $0xC00, s26;
	s23 =	sshll.u32 s25, $0x7  }
0x18d: {  	(v2sf) =	vpush v0, $0x3;
	s23 =	sand.u32 $0x380, s23  }
0x18e: {  	s23 =	sor.u32 s23, s24  }
0x18f: {  	s23 =	sshrl.u32 s23, $0x3  }
0x190: {  	s28 =	sadd.s32 $0x1980, s22;
	s23 =	sadd.s32 s4, s23  }
0x191: {  	[tilespmem:s28], [sflag:$0x1] =	stream.linear.gather [hbm4b:s23+s2], $0x80, $0x38;
	[tilespmem:$0x19900] =	vst v63  }
0x192: {  	s30 =	sadd.s32 $0x1D80, s22;
	s25 =	spop (v2sf);
	s29 =	sadd.s32 $0x80, s23  }
0x193: {  	[tilespmem:s30], [sflag:$0x1] =	stream.linear.gather [hbm4b:s29+s2], $0x80, $0x38;
	[tilespmem:$0x19900] =	vst v63  }
0x194: {  	s31 =	sadd.s32 $0x2180, s22;
	s23 =	sadd.s32 $0x100, s23;
	s26 =	sshrl.u32 s25, $0x3  }
0x195: {  	[tilespmem:s31], [sflag:$0x1] =	stream.linear.gather [hbm4b:s23+s2], $0x80, $0x38;
	[tilespmem:$0x19900] =	vst v63  }
0x196: {  	s24 =	smul.u32 $0xC00, s26;
	s23 =	sshll.u32 s25, $0x7  }
0x197: {  	(v2sf) =	vpush v0, $0x4;
	s23 =	sand.u32 $0x380, s23  }
0x198: {  	s23 =	sor.u32 s23, s24  }
0x199: {  	s23 =	sshrl.u32 s23, $0x3  }
0x19a: {  	s28 =	sadd.s32 $0x1A00, s22;
	s23 =	sadd.s32 s4, s23  }
0x19b: {  	[tilespmem:s28], [sflag:$0x1] =	stream.linear.gather [hbm4b:s23+s2], $0x80, $0x38;
	[tilespmem:$0x19900] =	vst v63  }
0x19c: {  	s30 =	sadd.s32 $0x1E00, s22;
	s25 =	spop (v2sf);
	s29 =	sadd.s32 $0x80, s23  }
0x19d: {  	[tilespmem:s30], [sflag:$0x1] =	stream.linear.gather [hbm4b:s29+s2], $0x80, $0x38;
	[tilespmem:$0x19900] =	vst v63  }
0x19e: {  	s31 =	sadd.s32 $0x2200, s22;
	s23 =	sadd.s32 $0x100, s23;
	s26 =	sshrl.u32 s25, $0x3  }
0x19f: {  	[tilespmem:s31], [sflag:$0x1] =	stream.linear.gather [hbm4b:s23+s2], $0x80, $0x38;
	[tilespmem:$0x19900] =	vst v63  }
0x1a0: {  	s24 =	smul.u32 $0xC00, s26;
	s23 =	sshll.u32 s25, $0x7  }
0x1a1: {  	(v2sf) =	vpush v0, $0x5;
	s23 =	sand.u32 $0x380, s23  }
0x1a2: {  	s23 =	sor.u32 s23, s24  }
0x1a3: {  	s23 =	sshrl.u32 s23, $0x3  }
0x1a4: {  	s28 =	sadd.s32 $0x1A80, s22;
	s23 =	sadd.s32 s4, s23  }
0x1a5: {  	[tilespmem:s28], [sflag:$0x1] =	stream.linear.gather [hbm4b:s23+s2], $0x80, $0x38;
	[tilespmem:$0x19900] =	vst v63  }
0x1a6: {  	s30 =	sadd.s32 $0x1E80, s22;
	s25 =	spop (v2sf);
	s29 =	sadd.s32 $0x80, s23  }
0x1a7: {  	[tilespmem:s30], [sflag:$0x1] =	stream.linear.gather [hbm4b:s29+s2], $0x80, $0x38;
	[tilespmem:$0x19900] =	vst v63  }
0x1a8: {  	s31 =	sadd.s32 $0x2280, s22;
	s26 =	sshrl.u32 s25, $0x3;
	s23 =	sadd.s32 $0x100, s23  }
0x1a9: {  	[tilespmem:s31], [sflag:$0x1] =	stream.linear.gather [hbm4b:s23+s2], $0x80, $0x38;
	[tilespmem:$0x19900] =	vst v63  }
0x1aa: {  	s24 =	smul.u32 $0xC00, s26;
	s23 =	sshll.u32 s25, $0x7  }
0x1ab: {  	(v2sf) =	vpush v0, $0x6;
	s23 =	sand.u32 $0x380, s23  }
0x1ac: {  	s23 =	sor.u32 s23, s24  }
0x1ad: {  	s23 =	sshrl.u32 s23, $0x3  }
0x1ae: {  	s28 =	sadd.s32 $0x1B00, s22;
	s23 =	sadd.s32 s4, s23  }
0x1af: {  	[tilespmem:s28], [sflag:$0x1] =	stream.linear.gather [hbm4b:s23+s2], $0x80, $0x38;
	[tilespmem:$0x19900] =	vst v63  }
0x1b0: {  	s30 =	sadd.s32 $0x1F00, s22;
	s25 =	spop (v2sf);
	s29 =	sadd.s32 $0x80, s23  }
0x1b1: {  	[tilespmem:s30], [sflag:$0x1] =	stream.linear.gather [hbm4b:s29+s2], $0x80, $0x38;
	[tilespmem:$0x19900] =	vst v63  }
0x1b2: {  	s31 =	sadd.s32 $0x2300, s22;
	s26 =	sshrl.u32 s25, $0x3;
	s23 =	sadd.s32 $0x100, s23  }
0x1b3: {  	[tilespmem:s31], [sflag:$0x1] =	stream.linear.gather [hbm4b:s23+s2], $0x80, $0x38;
	[tilespmem:$0x19900] =	vst v63  }
0x1b4: {  	s24 =	smul.u32 $0xC00, s26;
	s23 =	sshll.u32 s25, $0x7  }
0x1b5: {  	(v2sf) =	vpush v0, $0x7;
	s23 =	sand.u32 $0x380, s23  }
0x1b6: {  	s23 =	sor.u32 s23, s24  }
0x1b7: {  	s23 =	sshrl.u32 s23, $0x3  }
0x1b8: {  	s28 =	sadd.s32 $0x1B80, s22;
	s23 =	sadd.s32 s4, s23  }
0x1b9: {  	[tilespmem:s28], [sflag:$0x1] =	stream.linear.gather [hbm4b:s23+s2], $0x80, $0x38;
	[tilespmem:$0x19900] =	vst v63  }
0x1ba: {  	s30 =	sadd.s32 $0x1F80, s22;
	s25 =	spop (v2sf);
	s29 =	sadd.s32 $0x80, s23  }
0x1bb: {  	[tilespmem:s30], [sflag:$0x1] =	stream.linear.gather [hbm4b:s29+s2], $0x80, $0x38;
	[tilespmem:$0x19900] =	vst v63  }
0x1bc: {  	s31 =	sadd.s32 $0x2380, s22;
	s26 =	sshrl.u32 s25, $0x3;
	s23 =	sadd.s32 $0x100, s23  }
0x1bd: {  	[tilespmem:s31], [sflag:$0x1] =	stream.linear.gather [hbm4b:s23+s2], $0x80, $0x38;
	[tilespmem:$0x19900] =	vst v63  }
0x1be: {  	s24 =	smul.u32 $0xC00, s26;
	s23 =	sshll.u32 s25, $0x7  }
0x1bf: {  	(v2sf) =	vpush v0, $0x8;
	s23 =	sand.u32 $0x380, s23  }
0x1c0: {  	s23 =	sor.u32 s23, s24  }
0x1c1: {  	s23 =	sshrl.u32 s23, $0x3  }
0x1c2: {  	s28 =	sadd.s32 $0x1C00, s22;
	s23 =	sadd.s32 s4, s23  }
0x1c3: {  	[tilespmem:s28], [sflag:$0x1] =	stream.linear.gather [hbm4b:s23+s2], $0x80, $0x38;
	[tilespmem:$0x19900] =	vst v63  }
0x1c4: {  	s30 =	sadd.s32 $0x2000, s22;
	s25 =	spop (v2sf);
	s29 =	sadd.s32 $0x80, s23  }
0x1c5: {  	[tilespmem:s30], [sflag:$0x1] =	stream.linear.gather [hbm4b:s29+s2], $0x80, $0x38;
	[tilespmem:$0x19900] =	vst v63  }
0x1c6: {  	s31 =	sadd.s32 $0x2400, s22;
	s26 =	sshrl.u32 s25, $0x3;
	s23 =	sadd.s32 $0x100, s23  }
0x1c7: {  	[tilespmem:s31], [sflag:$0x1] =	stream.linear.gather [hbm4b:s23+s2], $0x80, $0x38;
	[tilespmem:$0x19900] =	vst v63  }
0x1c8: {  	s24 =	smul.u32 $0xC00, s26;
	s23 =	sshll.u32 s25, $0x7  }
0x1c9: {  	(v2sf) =	vpush v0, $0x9;
	s23 =	sand.u32 $0x380, s23  }
0x1ca: {  	s23 =	sor.u32 s23, s24  }
0x1cb: {  	s23 =	sshrl.u32 s23, $0x3  }
0x1cc: {  	s28 =	sadd.s32 $0x1C80, s22;
	s23 =	sadd.s32 s4, s23  }
0x1cd: {  	[tilespmem:s28], [sflag:$0x1] =	stream.linear.gather [hbm4b:s23+s2], $0x80, $0x38;
	[tilespmem:$0x19900] =	vst v63  }
0x1ce: {  	s30 =	sadd.s32 $0x2080, s22;
	s25 =	spop (v2sf);
	s29 =	sadd.s32 $0x80, s23  }
0x1cf: {  	[tilespmem:s30], [sflag:$0x1] =	stream.linear.gather [hbm4b:s29+s2], $0x80, $0x38;
	[tilespmem:$0x19900] =	vst v63  }
0x1d0: {  	s31 =	sadd.s32 $0x2480, s22;
	s26 =	sshrl.u32 s25, $0x3;
	s23 =	sadd.s32 $0x100, s23  }
0x1d1: {  	[tilespmem:s31], [sflag:$0x1] =	stream.linear.gather [hbm4b:s23+s2], $0x80, $0x38;
	[tilespmem:$0x19900] =	vst v63  }
0x1d2: {  	s24 =	smul.u32 $0xC00, s26;
	s23 =	sshll.u32 s25, $0x7  }
0x1d3: {  	(v2sf) =	vpush v0, $0xA;
	s23 =	sand.u32 $0x380, s23  }
0x1d4: {  	s23 =	sor.u32 s23, s24  }
0x1d5: {  	s23 =	sshrl.u32 s23, $0x3  }
0x1d6: {  	s28 =	sadd.s32 $0x2500, s22;
	s23 =	sadd.s32 s4, s23  }
0x1d7: {  	[tilespmem:s28], [sflag:$0x1] =	stream.linear.gather [hbm4b:s23+s2], $0x80, $0x38;
	[tilespmem:$0x19900] =	vst v63  }
0x1d8: {  	s30 =	sadd.s32 $0x2900, s22;
	s25 =	spop (v2sf);
	s29 =	sadd.s32 $0x80, s23  }
0x1d9: {  	[tilespmem:s30], [sflag:$0x1] =	stream.linear.gather [hbm4b:s29+s2], $0x80, $0x38;
	[tilespmem:$0x19900] =	vst v63  }
0x1da: {  	s31 =	sadd.s32 $0x2D00, s22;
	s26 =	sshrl.u32 s25, $0x3;
	s23 =	sadd.s32 $0x100, s23  }
0x1db: {  	[tilespmem:s31], [sflag:$0x1] =	stream.linear.gather [hbm4b:s23+s2], $0x80, $0x38;
	[tilespmem:$0x19900] =	vst v63  }
0x1dc: {  	s24 =	smul.u32 $0xC00, s26;
	s23 =	sshll.u32 s25, $0x7  }
0x1dd: {  	(v2sf) =	vpush v0, $0xB;
	s23 =	sand.u32 $0x380, s23  }
0x1de: {  	s23 =	sor.u32 s23, s24  }
0x1df: {  	s23 =	sshrl.u32 s23, $0x3  }
0x1e0: {  	s28 =	sadd.s32 $0x2580, s22;
	s23 =	sadd.s32 s4, s23  }
0x1e1: {  	[tilespmem:s28], [sflag:$0x1] =	stream.linear.gather [hbm4b:s23+s2], $0x80, $0x38;
	[tilespmem:$0x19900] =	vst v63  }
0x1e2: {  	s30 =	sadd.s32 $0x2980, s22;
	s25 =	spop (v2sf);
	s29 =	sadd.s32 $0x80, s23  }
0x1e3: {  	[tilespmem:s30], [sflag:$0x1] =	stream.linear.gather [hbm4b:s29+s2], $0x80, $0x38;
	[tilespmem:$0x19900] =	vst v63  }
0x1e4: {  	s31 =	sadd.s32 $0x2D80, s22;
	s26 =	sshrl.u32 s25, $0x3;
	s23 =	sadd.s32 $0x100, s23  }
0x1e5: {  	[tilespmem:s31], [sflag:$0x1] =	stream.linear.gather [hbm4b:s23+s2], $0x80, $0x38;
	[tilespmem:$0x19900] =	vst v63  }
0x1e6: {  	s24 =	smul.u32 $0xC00, s26;
	s23 =	sshll.u32 s25, $0x7  }
0x1e7: {  	(v2sf) =	vpush v0, $0xC;
	s23 =	sand.u32 $0x380, s23  }
0x1e8: {  	s23 =	sor.u32 s23, s24  }
0x1e9: {  	s23 =	sshrl.u32 s23, $0x3  }
0x1ea: {  	s28 =	sadd.s32 $0x2600, s22;
	s23 =	sadd.s32 s4, s23  }
0x1eb: {  	[tilespmem:s28], [sflag:$0x1] =	stream.linear.gather [hbm4b:s23+s2], $0x80, $0x38;
	[tilespmem:$0x19900] =	vst v63  }
0x1ec: {  	s30 =	sadd.s32 $0x2A00, s22;
	s25 =	spop (v2sf);
	s29 =	sadd.s32 $0x80, s23  }
0x1ed: {  	[tilespmem:s30], [sflag:$0x1] =	stream.linear.gather [hbm4b:s29+s2], $0x80, $0x38;
	[tilespmem:$0x19900] =	vst v63  }
0x1ee: {  	s31 =	sadd.s32 $0x2E00, s22;
	s26 =	sshrl.u32 s25, $0x3;
	s23 =	sadd.s32 $0x100, s23  }
0x1ef: {  	[tilespmem:s31], [sflag:$0x1] =	stream.linear.gather [hbm4b:s23+s2], $0x80, $0x38;
	[tilespmem:$0x19900] =	vst v63  }
0x1f0: {  	s24 =	smul.u32 $0xC00, s26;
	s23 =	sshll.u32 s25, $0x7  }
0x1f1: {  	(v2sf) =	vpush v0, $0xD;
	s23 =	sand.u32 $0x380, s23  }
0x1f2: {  	s23 =	sor.u32 s23, s24  }
0x1f3: {  	s23 =	sshrl.u32 s23, $0x3  }
0x1f4: {  	s28 =	sadd.s32 $0x2680, s22;
	s23 =	sadd.s32 s4, s23  }
0x1f5: {  	[tilespmem:s28], [sflag:$0x1] =	stream.linear.gather [hbm4b:s23+s2], $0x80, $0x38;
	[tilespmem:$0x19900] =	vst v63  }
0x1f6: {  	s30 =	sadd.s32 $0x2A80, s22;
	s25 =	spop (v2sf);
	s29 =	sadd.s32 $0x80, s23  }
0x1f7: {  	[tilespmem:s30], [sflag:$0x1] =	stream.linear.gather [hbm4b:s29+s2], $0x80, $0x38;
	[tilespmem:$0x19900] =	vst v63  }
0x1f8: {  	s31 =	sadd.s32 $0x2E80, s22;
	s26 =	sshrl.u32 s25, $0x3;
	s23 =	sadd.s32 $0x100, s23  }
0x1f9: {  	[tilespmem:s31], [sflag:$0x1] =	stream.linear.gather [hbm4b:s23+s2], $0x80, $0x38;
	[tilespmem:$0x19900] =	vst v63  }
0x1fa: {  	s24 =	smul.u32 $0xC00, s26;
	s23 =	sshll.u32 s25, $0x7  }
0x1fb: {  	(v2sf) =	vpush v0, $0xE;
	s23 =	sand.u32 $0x380, s23  }
0x1fc: {  	s23 =	sor.u32 s23, s24  }
0x1fd: {  	s23 =	sshrl.u32 s23, $0x3  }
0x1fe: {  	s28 =	sadd.s32 $0x2700, s22;
	s23 =	sadd.s32 s4, s23  }
0x1ff: {  	[tilespmem:s28], [sflag:$0x1] =	stream.linear.gather [hbm4b:s23+s2], $0x80, $0x38;
	[tilespmem:$0x19900] =	vst v63  }
0x200: {  	s30 =	sadd.s32 $0x2B00, s22;
	s25 =	spop (v2sf);
	s29 =	sadd.s32 $0x80, s23  }
0x201: {  	[tilespmem:s30], [sflag:$0x1] =	stream.linear.gather [hbm4b:s29+s2], $0x80, $0x38;
	[tilespmem:$0x19900] =	vst v63  }
0x202: {  	s31 =	sadd.s32 $0x2F00, s22;
	s26 =	sshrl.u32 s25, $0x3;
	s23 =	sadd.s32 $0x100, s23  }
0x203: {  	[tilespmem:s31], [sflag:$0x1] =	stream.linear.gather [hbm4b:s23+s2], $0x80, $0x38;
	[tilespmem:$0x19900] =	vst v63  }
0x204: {  	s24 =	smul.u32 $0xC00, s26;
	s23 =	sshll.u32 s25, $0x7  }
0x205: {  	(v2sf) =	vpush v0, $0xF;
	s23 =	sand.u32 $0x380, s23  }
0x206: {  	s23 =	sor.u32 s23, s24  }
0x207: {  	s23 =	sshrl.u32 s23, $0x3  }
0x208: {  	s28 =	sadd.s32 $0x2780, s22;
	s23 =	sadd.s32 s4, s23  }
0x209: {  	[tilespmem:s28], [sflag:$0x1] =	stream.linear.gather [hbm4b:s23+s2], $0x80, $0x38;
	[tilespmem:$0x19900] =	vst v63  }
0x20a: {  	s30 =	sadd.s32 $0x2B80, s22;
	s31 =	spop (v2sf);
	s29 =	sadd.s32 $0x80, s23  }
0x20b: {  	[tilespmem:s30], [sflag:$0x1] =	stream.linear.gather [hbm4b:s29+s2], $0x80, $0x38;
	[tilespmem:$0x19900] =	vst v63  }
0x20c: {  	s26 =	sadd.s32 $0x2F80, s22;
	s23 =	sadd.s32 $0x100, s23;
	s28 =	sshrl.u32 s31, $0x3  }
0x20d: {  	[tilespmem:s26], [sflag:$0x1] =	stream.linear.gather [hbm4b:s23+s2], $0x80, $0x38;
	[tilespmem:$0x19900] =	vst v63  }
0x20e: {  	s24 =	sshll.u32 s31, $0x7;
	s23 =	smul.u32 $0xC00, s28  }
0x20f: {  	s24 =	sand.u32 $0x380, s24  }
0x210: {  	s23 =	sor.u32 s24, s23  }
0x211: {  	s23 =	sshrl.u32 s23, $0x3  }
0x212: {  	s29 =	sadd.s32 $0x2800, s22;
	s23 =	sadd.s32 s4, s23  }
0x213: {  	[tilespmem:s29], [sflag:$0x1] =	stream.linear.gather [hbm4b:s23+s2], $0x80, $0x38;
	[tilespmem:$0x19900] =	vst v63  }
0x214: {  	s31 =	sadd.s32 $0x2C00, s22;
	s26 =	spop (v2sf);
	s30 =	sadd.s32 $0x80, s23  }
0x215: {  	[tilespmem:s31], [sflag:$0x1] =	stream.linear.gather [hbm4b:s30+s2], $0x80, $0x38;
	[tilespmem:$0x19900] =	vst v63  }
0x216: {  	s25 =	sadd.s32 $0x3000, s22;
	s28 =	sshrl.u32 s26, $0x3;
	s23 =	sadd.s32 $0x100, s23  }
0x217: {  	[tilespmem:s25], [sflag:$0x1] =	stream.linear.gather [hbm4b:s23+s2], $0x80, $0x38;
	[tilespmem:$0x19900] =	vst v63  }
0x218: {  	s24 =	smul.u32 $0xC00, s28;
	s23 =	sshll.u32 s26, $0x7  }
0x219: {  	s23 =	sand.u32 $0x380, s23  }
0x21a: {  	s23 =	sor.u32 s23, s24  }
0x21b: {  	s23 =	sshrl.u32 s23, $0x3  }
0x21c: {  	p0 =	sne.s32 s20, $0x2A000;
	s29 =	sadd.s32 $0x2880, s22;
	s23 =	sadd.s32 s4, s23  }
0x21d: {  	[tilespmem:s29], [sflag:$0x1] =	stream.linear.gather [hbm4b:s23+s2], $0x80, $0x38;
	[tilespmem:$0x19900] =	vst v63  }
.Ltmp7:
0x21e: {  	_ = 	snop;
	(pc) =	sbr.rel @p0 .LBB2_8-.Ltmp7, $4  }
0x21f: {  	s21 =	sadd.s32 $0x10, s21;
	s31 =	sadd.s32 $0x2C80, s22;
	s30 =	sadd.s32 $0x80, s23  }
0x220: {  	[tilespmem:s31], [sflag:$0x1] =	stream.linear.gather [hbm4b:s30+s2], $0x80, $0x38;
	[tilespmem:$0x19900] =	vst v63  }
0x221: {  	s20 =	sadd.s32 $0x6000, s20;
	s22 =	sadd.s32 $0x3080, s22;
	s23 =	sadd.s32 $0x100, s23  }
0x222: {  	[tilespmem:s22], [sflag:$0x1] =	stream.linear.gather [hbm4b:s23+s2], $0x80, $0x38;
	[tilespmem:$0x19900] =	vst v63  }
.Ltmp8:
0x223: {  	_ = 	snop;
	(pc) =	sbr.rel .LBB2_9-.Ltmp8, $1  }
0x224: {  	_ =	sdelay $0x3  }
.LBB2_11:
0x225: {  	_ =	sfence.sel $0x180000  }
0x226: {  	[bflag:$0x0] =	sbarrier.arrive $0xFFFF  }
0x227: {  	p0 =	sne.s32 s0, $0x0;
	_ =	strace $0x90000047  }
0x228: {  	s0 =	sadd.s32 @!p0 $0x100000, s1;
	[bflag:$0x2] =	sbarrier.arrive $0xFFFF  }
0x229: {  	[sflag:s0] =	ssyncadd.tile.s32 @!p0 $0x1;
	_ =	shalt  }
.Lfunc_end2:
_tile_overlayer_lowered:
.L_overlay_start_2:
0x22a: {  	(tag) =	ssettag $0x2  }
0x22b: {  	s0 =	rddreg [dreg:$0x0];
	s2 =	stileid.u32  }
0x22c: {  	s1 =	rddreg [dreg:$0x1];
	p0 =	sne.s32 s2, $0x0  }
0x22d: {  	s3 =	rddreg [dreg:$0x2];
	[bflag:$0x3] =	sbarrier.arrive $0xFFFF;
	s2 =	simm.s32 @!p0 $0x1C05  }
0x22e: {  	[timem:s3], [sflag:s2] =	dma.local @!p0 [hbm:s0], s1  }
0x22f: {  	s0 =	simm.s32 @!p0 $0x5  }
0x230: {  	_ =	swait.ge @!p0 [sflag:s0], s1  }
0x231: {  	s1 =	ssub.s32 @!p0 $0x0, s1;
	[sflag:s0] =	ssyncset.done @!p0 $0x0  }
0x232: {  	[sflag:s0] =	ssyncadd.s32 @!p0 s1  }
0x233: {  	[bflag:$0x3] =	sbarrier.arrive $0xFFFF  }
0x234: {  	_ =	shalt  }

// kernel: sparse-core-data-format-call.cloned.1.call-start
scs
called_computation_lowered:
.L_overlay_start_0:
0x0: {  	s2 =	sld [smem:$0x3FD9]  }
0x1: {  	s3 =	sld [smem:$0x3FFE];
	_ =	sdelay $0x1  }
0x2: {  	s1 =	srdreg.scid  }
0x3: {  	s0 =	sand.u32 $0x1, s1  }
0x4: {  	s18 =	sshll.u32 s0, $0xA;
	s2 =	sadd.s32 s3, s2  }
0x5: {  	s2 =	sadd.s32 s2, s18  }
0x6: {  	[smem:$0x3FC6] =	sst s2  }
0x7: {  	_ = 	snop  }
0x8: {  	s2 =	sld [smem:$0x3FD0];
	(tm) =	ssettm $0x1  }
0x9: {  	s19 =	sld [smem:$0x3FFB];
	_ =	sdelay $0x3  }
0xa: {  	_ =	strace s19  }
0xb: {  	s3 =	sld [smem:$0x3FFC];
	_ =	sdelay $0x3  }
0xc: {  	_ =	strace s3  }
0xd: {  	s3 =	sld [smem:$0x3FFD];
	_ =	sdelay $0x3  }
0xe: {  	_ =	strace s3  }
0xf: {  	_ =	strace $0x8FFFFFFF  }
0x10: {  	s20 =	sld [smem:$0x3FDB];
	_ =	sdelay $0x1  }
0x11: {  	s4 =	simm.s32 $_scs_section_size  }
0x12: {  	s5 =	simm.s32 $_size__tile_overlayer_lowered;
	s6 =	simm.s32 $_tile_overlayer_lowered  }
0x13: {  	s23 =	simm.s32 $0x1BFF;
	s22 =	sshll.u32 s6, $0x1;
	s3 =	sadd.s32 s4, s20  }
0x14: {  	s7 =	simm.s32 $0x0;
	s21 =	sshll.u32 s5, $0x1;
	s5 =	sadd.s32 s22, s3  }
0x15: {  	[timem:s7], [sflag:s23] =	dma.local [hbm:s5], s21  }
0x16: {  	_ =	swait.ge [sflag:s23], s21  }
0x17: {  	s4 =	ssub.s32 $0x0, s21;
	[sflag:s23] =	ssyncset.done $0x0  }
0x18: {  	[sflag:s23] =	ssyncadd.s32 s4;
	_ =	sdelay $0x1  }
0x19: {  	s24 =	simm.s32 $0x1B8B  }
0x1a: {  	_ =	swait.ge [sflag:s24], $0x1  }
0x1b: {  	[sflag:s24] =	ssyncset.done $0x0  }
0x1c: {  	s26 =	simm.s32 $0x1B8E;
	s25 =	sld [smem:$0x3FFE];
	[sflag:s24] =	ssyncadd.s32 $0xFFFFFFFF  }
0x1d: {  	s27 =	simm.s32 $execute0_lowered;
	[smem:$0x3FD2] =	sst s26  }
0x1e: {  	s5 =	sshll.u32 s27, $0x1;
	_ =	strace $0x80000049;
	[dreg:$0x1] =	wrdreg $0xFFFFFFFF  }
0x1f: {  	s28 =	simm.s32 $_size_execute0_lowered;
	s3 =	sadd.s32 s3, s5;
	[dreg:$0x0] =	wrdreg $0x0  }
0x20: {  	s5 =	sshll.u32 s28, $0x1;
	[dreg:$0x2] =	wrdreg s3  }
0x21: {  	[dreg:$0x3] =	wrdreg s5  }
0x22: {  	[dreg:$0x4] =	wrdreg $0xC0  }
0x23: {  	_ =	task [dreg:s7], $0x5FFFF  }
0x24: {  	[dreg:$0x1] =	wrdreg $0xFFFFFFFF  }
0x25: {  	[dreg:$0x0] =	wrdreg $0x60  }
0x26: {  	[dreg:$0x2] =	wrdreg s25  }
0x27: {  	[dreg:$0x3] =	wrdreg s2  }
0x28: {  	[dreg:$0x4] =	wrdreg $0x9  }
0x29: {  	_ =	task.clear_ibuf [dreg:s7], $0x5FFFF;
	_ =	strace $0x90000049  }
0x2a: {  	s29 =	simm.s32 $0x9;
	_ =	strace $0x8000004B  }
0x2b: {  	_ =	swait.ge [sflag:s29], $0x1  }
0x2c: {  	[sflag:s29] =	ssyncadd.s32 $0xFFFFFFFF  }
0x2d: {  	_ =	strace $0x9000004B  }
0x2e: {  	_ =	sfence  }
0x2f: {  	s30 =	sld [smem:$0x0];
	_ =	sdelay $0x2  }
0x30: {  	s31 =	sshll.u32 s1, $0xD;
	s1 =	sshrl.u32 s1, $0x2  }
0x31: {  	s3 =	sand.u32 $0x4000, s31;
	s1 =	sadd.s32 s1, s30  }
0x32: {  	s0 =	sor.u32 s3, s0;
	s1 =	sshll.u32 s1, $0x11  }
0x33: {  	s0 =	sor.u32 s1, s0  }
0x34: {  	s0 =	sadd.s32 $0x8F2B, s0  }
0x35: {  	[sflag:s0] =	ssyncadd.remote.s32 $0x1  }
0x36: {  	_ =	sfence.sel $0xFFFF  }
0x37: {  	[dreg:$0x0] =	wrdreg $0xFFFFFFFF;
	(pc) =	sbr.abs _section_cstart, $3  }
0x38: {  	[dreg:$0x1] =	wrdreg $0xFFFFFFFF  }
0x39: {  	_ =	task.clear_ibuf [dreg:s7], $0x2FFFF;
	_ =	strace $0x9FFFFFFF  }
0x3a: {  	(tm) =	ssettm $0x7FFFFFFF  }
0x3b: {  	_ =	shalt  }
tec
execute0_lowered:
.L_overlay_start_1:
0x0: {  	(tag) =	ssettag $0x1  }
0x1: {  	s0 =	srdreg.scid;
	s6 =	rddreg [dreg:$0x0]  }
0x2: {  	s3 =	rddreg [dreg:$0x1];
	s1 =	sshll.u32 s0, $0x4  }
0x3: {  	s5 =	simm.s32 $0x1;
	s0 =	stileid.u32;
	s1 =	sand.u32 $0x10, s1  }
0x4: {  	s31 =	simm.s32 $0x2;
	s16 =	simm.s32 $0x0;
	s1 =	sor.u32 s0, s1  }
0x5: {  	s8 =	simm.s32 $0x8000;
	s18 =	simm.s32 $0x0;
	s2 =	sshll.u32 s1, $0x7  }
0x6: {  	s17 =	simm.s32 $0x0;
	s9 =	simm.s32 $0x0;
	s4 =	ssub.s32 $0x1000, s2  }
0x7: {  	s10 =	simm.s32 $0x0;
	s11 =	simm.s32 $0x0;
	s30 =	sand.u32 $0xF80, s4  }
0x8: {  	s12 =	simm.s32 $0x0;
	s13 =	simm.s32 $0x0;
	p0 =	sne.s32 s30, $0x0  }
.Ltmp0:
0x9: {  	s7 =	sshrl.u32 s4, $0xC;
	s5 =	simm.s32 @!p0 $0x0;
	(pc) =	sbr.rel .LBB1_1-.Ltmp0, $4  }
0xa: {  	s15 =	simm.s32 $0x0;
	s1 =	rddreg [dreg:$0x2];
	s5 =	sadd.s32 s5, s7  }
0xb: {  	_ =	strace $0x8000004A;
	s4 =	simm.s32 $0x1;
	s5 =	smul.u32 $0x96, s5  }
0xc: {  	s6 =	sadd.s32 $0x800, s6;
	s14 =	smov.u32 s2;
	[sflag:s4] =	ssyncpa.u1 $0x0  }
0xd: {  	[sflag:s31] =	ssyncpa.u1 $0x0;
	p0 =	por $0x0, $0x0;
	s7 =	sor.u32 $0x1, s5  }
.LBB1_4:
0xe: {  	s23 =	sshra.s32 s23, $0x2;
	s30 =	sshll.u32 s9, $0xC  }
0xf: {  	p1 =	sgt.s32 s10, $0x31;
	s24 =	smov.u32 s10;
	s25 =	sshra.s32 s10, $0x1F  }
0x10: {  	s26 =	sshll.u32 s11, $0x3;
	s28 =	smov.u32 s11;
	s29 =	sshra.s32 s11, $0x1F  }
0x11: {  	s22 =	sadd.s32 s23, s22;
	s24 =	simm.s32 @!p1 $0x31;
	s25 =	sand.u32 s25, s10  }
0x12: {  	s23 =	sand.u32 $0xFFFF8000, s30;
	s27 =	sand.u32 $0xFFFFFC00, s26;
	p1 =	sgt.s32 s9, $0xB0  }
0x13: {  	s31 =	sand.u32 s29, s11;
	s29 =	sshll.u32 s9, $0x7;
	s30 =	sshra.s32 s9, $0x1F  }
0x14: {  	[tilespmem:s21+$0x2040 ss:$0x81] =	vst.msk $0xffff, v4;
	s24 =	ssub.s32 s24, s25;
	s23 =	sadd.s32 s27, s23;
	s27 =	smov.u32 s9  }
0x15: {  	[tilespmem:s21+$0x2850 ss:$0x81] =	vst.msk $0xffff, v3;
	s29 =	sand.u32 $0x380, s29;
	s25 =	sadd.s32 $0xFFFFFFCF, s24;
	s27 =	simm.s32 @!p1 $0xB0  }
0x16: {  	v5 =	vld [tilespmem:s20+$0xFFFFFFD0];
	[tilespmem:s21+$0x3060 ss:$0x81] =	vst.msk $0xffff, v2;
	p1 =	sgt.s32 s11, $0xF80;
	s23 =	sshrl.u32 s23, $0xC;
	s24 =	ssub.s32 $0x32, s24  }
0x17: {  	v58 =	vld [tilespmem:s20+$0xFFFFFFE0];
	[tilespmem:s21+$0x0 ss:$0x81] =	vst.msk $0xffff, v1;
	s28 =	simm.s32 @!p1 $0xF80;
	p1 =	sgt.s32 s25, $0x0;
	s21 =	smulhi.u32 $0xD79436, s23  }
0x18: {  	v59 =	vld [tilespmem:s20+$0xFFFFFFF0];
	s25 =	ssub.s32 s28, s31;
	s28 =	sand.u32 s30, s9;
	s24 =	simm.s32 @p1 $0x0  }
0x19: {  	v60 =	vld [tilespmem:s20+$0x0];
	s27 =	ssub.s32 s27, s28;
	s31 =	sadd.s32 $0xFFFFF080, s25;
	s25 =	ssub.s32 $0x1000, s25  }
0x1a: {  	v61 =	vld [tilespmem:s20+$0x10];
	[tilespmem:s22+$0x3870 ss:$0x81] =	vst.msk $0xffff, v0;
	s21 =	smul.u32 $0x130, s21;
	s28 =	sand.u32 $0x7, s11;
	p1 =	sgt.s32 s31, $0x7F  }
0x1b: {  	v62 =	vld [tilespmem:s20+$0x20];
	[tilespmem:s22+$0x810 ss:$0x81] =	vst.msk $0xffff, v5;
	s30 =	sadd.s32 $0xFFFFFF50, s27;
	s31 =	sand.u32 $0x78, s11;
	s25 =	simm.s32 @p1 $0x0  }
0x1c: {  	v63 =	vld [tilespmem:s20+$0xFFFFFFC0];
	[tilespmem:s22+$0x1020 ss:$0x81] =	vst.msk $0xffff, v58;
	p1 =	sgt.s32 s30, $0x7F;
	s30 =	sand.u32 $0xC00, s26;
	s24 =	smul.u32 s25, s24  }
0x1d: {  	[tilespmem:s22+$0x1830 ss:$0x81] =	vst.msk $0xffff, v59;
	s26 =	ssub.s32 $0x130, s27;
	s20 =	sor.u32 s31, s30;
	s31 =	smul.u32 $0x26000, s10  }
0x1e: {  	[tilespmem:s22+$0x2040 ss:$0x81] =	vst.msk $0xffff, v60;
	s21 =	ssub.s32 s23, s21;
	s26 =	simm.s32 @p1 $0x0;
	s20 =	sor.u32 s29, s20  }
0x1f: {  	[tilespmem:s22+$0x2850 ss:$0x81] =	vst.msk $0xffff, v61;
	s26 =	smul.u32 s26, s24;
	s20 =	sshrl.u32 s20, $0x3;
	s27 =	sadd.s32 s3, s31  }
0x20: {  	[tilespmem:s22+$0x3060 ss:$0x81] =	vst.msk $0xffff, v62;
	s21 =	sshll.u32 s21, $0x9;
	s29 =	sshll.u32 s28, $0x12;
	s20 =	sadd.s32 s20, s27  }
0x21: {  	[tilespmem:s22+$0x0 ss:$0x81] =	vst.msk $0xffff, v63;
	s31 =	sor.u32 $0x400, s29;
	s30 =	sand.u32 $0x3FFFFFFF, s26;
	s20 =	sadd.s32 s21, s20  }
0x22: {  	[hbm4b:s20+s31] =	stream.strided.scatter [tilespmem:s19], [sflag:$0x2], s30, s8, s31, $0x20;
	[tilespmem:$0x10100] =	vst v63  }
.LBB1_5:
0x23: {  	p1 =	slt.u32 s15, $0x2  }
0x24: {  	p2 =	sgt.s32 @!p1 s18, $0x31  }
0x25: {  	s19 =	smov.u32 s18;
	s20 =	sshra.s32 @!p1 s18, $0x1F;
	p2 =	por !p2, p1  }
0x26: {  	s18 =	sand.u32 @!p1 s20, s18;
	s19 =	simm.s32 @p2 $0x31  }
0x27: {  	p3 =	sgt.s32 @!p1 s16, $0xB0;
	s18 =	ssub.s32 @!p1 s19, s18  }
0x28: {  	p4 =	sgt.s32 @!p1 s17, $0xF80;
	s21 =	sshra.s32 @!p1 s17, $0x1F;
	s19 =	sadd.s32 @!p1 $0xFFFFFFCF, s18  }
0x29: {  	s20 =	smov.u32 s16;
	p2 =	sgt.s32 @!p1 s19, $0x0;
	s19 =	sshra.s32 @!p1 s16, $0x1F  }
0x2a: {  	p4 =	por !p4, p1;
	s16 =	sand.u32 @!p1 s19, s16;
	s19 =	smov.u32 s17  }
0x2b: {  	p3 =	por !p3, p1;
	s17 =	sand.u32 @!p1 s21, s17;
	s19 =	simm.s32 @p4 $0xF80  }
0x2c: {  	s20 =	simm.s32 @p3 $0xB0;
	s18 =	ssub.s32 @!p1 $0x32, s18;
	s17 =	ssub.s32 @!p1 s19, s17  }
0x2d: {  	p2 =	por !p2, p1;
	s16 =	ssub.s32 @!p1 s20, s16;
	s20 =	sadd.s32 @!p1 $0xFFFFF080, s17  }
0x2e: {  	s18 =	simm.s32 @!p2 $0x0;
	p3 =	sgt.s32 @!p1 s20, $0x7F  }
0x2f: {  	s19 =	sadd.s32 @!p1 $0xFFFFFF50, s16;
	s17 =	ssub.s32 @!p1 $0x1000, s17;
	p3 =	por !p3, p1  }
0x30: {  	p2 =	sgt.s32 @!p1 s19, $0x7F;
	s19 =	sadd.s32 $0x80, s12;
	s17 =	simm.s32 @!p3 $0x0  }
0x31: {  	p3 =	sgt.s32 s19, $0x12B;
	s17 =	smul.u32 @!p1 s17, s18;
	s18 =	simm.s32 $0x1  }
0x32: {  	s16 =	ssub.s32 @!p1 $0x130, s16;
	p2 =	por !p2, p1;
	s18 =	simm.s32 @!p3 $0x0  }
0x33: {  	s21 =	smov.u32 s14;
	s16 =	simm.s32 @!p2 $0x0;
	s20 =	sadd.s32 s18, s13  }
0x34: {  	s16 =	smul.u32 @!p1 s16, s17;
	s17 =	sadd.s32 $0x1000, s14;
	p2 =	sgt.s32 s20, $0x31  }
0x35: {  	p0 =	por !p0, !p0;
	s22 =	simm.s32 @!p1 $0x2;
	s21 =	smov.u32 @p2 s17  }
0x36: {  	s19 =	simm.s32 @p3 $0x0;
	s20 =	simm.s32 @p2 $0x0;
	p2 =	sgt.s32 s21, $0xFFF  }
0x37: {  	s18 =	smov.u32 s10;
	s21 =	smov.u32 @p2 s2;
	p2 =	sne.s32 s15, s7  }
.Ltmp1:
0x38: {  	s10 =	smov.u32 s13;
	s16 =	sand.u32 @!p1 $0x3FFFFFFF, s16;
	(pc) =	sbr.rel @!p2 .LBB1_6-.Ltmp1, $4  }
0x39: {  	s17 =	smov.u32 s11;
	s11 =	smov.u32 s14;
	_ =	swait.ge @!p1 [sflag:s22], s16  }
0x3a: {  	s23 =	ssub.s32 @!p1 $0x0, s16;
	s16 =	smov.u32 s9;
	s9 =	smov.u32 s12  }
0x3b: {  	s12 =	smov.u32 s19;
	s13 =	smov.u32 s20;
	[sflag:s22] =	ssyncset.done @!p1 $0x0  }
0x3c: {  	s15 =	sadd.s32 $0x1, s15;
	[sflag:s22] =	ssyncadd.s32 @!p1 s23;
	s14 =	smov.u32 s21  }
.LBB1_1:
0x3d: {  	p1 =	sge.u32 s15, s5  }
0x3e: {  	s19 =	sshrl.u32 @!p1 s13, $0x3  }
0x3f: {  	s20 =	sshll.u32 @!p1 s12, $0x3;
	s19 =	smul.u32 @!p1 $0xC00, s19  }
0x40: {  	s21 =	sshll.u32 @!p1 s13, $0x7;
	s20 =	sand.u32 @!p1 $0xFFFFFC00, s20  }
0x41: {  	s19 =	sadd.s32 @!p1 s19, s20;
	s20 =	sand.u32 @!p1 $0x380, s21  }
0x42: {  	s19 =	sor.u32 @!p1 s20, s19  }
0x43: {  	s20 =	sand.u32 @!p1 $0x7F, s12;
	s21 =	smulhi.u32 @!p1 $0xAAAAAAAB, s19  }
0x44: {  	s19 =	sor.u32 @!p1 s20, s19  }
0x45: {  	s20 =	smulhi.u32 @!p1 $0xAAAAAAAB, s19;
	s21 =	sshrl.u32 @!p1 s21, $0x8  }
0x46: {  	s22 =	smulhi.u32 @!p1 $0x4924925, s21;
	_ =	sdelay $0x1  }
0x47: {  	s20 =	sshrl.u32 @!p1 s20, $0x8;
	s22 =	smul.u32 @!p1 $0x38, s22  }
0x48: {  	s31 =	sadd.s32 $0xFFFFFFFF, s15;
	s20 =	smul.u32 @!p1 $0x180, s20  }
0x49: {  	s23 =	sxor.u32 @!p1 $0xFFFFFFFF, s15;
	s21 =	ssub.s32 @!p1 s21, s22;
	s22 =	smul.u32 @!p1 $0xA80, s14  }
0x4a: {  	s23 =	sshll.u32 @!p1 s23, $0xE;
	s19 =	ssub.s32 @!p1 s19, s20;
	s20 =	smul.u32 @!p1 $0x30, s21  }
0x4b: {  	s21 =	sand.u32 @!p1 $0x4000, s23;
	s23 =	sand.u32 @!p1 $0x7, s19;
	s22 =	sadd.s32 @!p1 s6, s22  }
0x4c: {  	s19 =	sshrl.u32 @!p1 s19, $0x3;
	s20 =	sadd.s32 @!p1 s20, s22;
	s22 =	sshll.u32 @!p1 s23, $0x12  }
0x4d: {  	s19 =	sadd.s32 @!p1 s19, s20;
	s20 =	sor.u32 @!p1 $0x80, s22;
	s22 =	simm.s32 @!p1 $0x5400  }
0x4e: {  	[tilespmem:s21], [sflag:$0x1] =	stream.strided.gather @!p1 [hbm4b:s19+s20], $0x4000, s22, s20, $0x38;
	[tilespmem:$0x10100] =	vst v63  }
0x4f: {  	p1 =	sge.u32 s31, s5  }
.Ltmp2:
0x50: {  	_ = 	snop;
	(pc) =	sbr.rel @p1 .LBB1_5-.Ltmp2, $1  }
0x51: {  	_ =	sdelay $0x3  }
0x52: {  	s19 =	simm.s32 $0x1  }
0x53: {  	_ =	swait.ge [sflag:s4], $0x4000;
	s19 =	simm.s32 @!p0 $0x0  }
0x54: {  	[sflag:s4] =	ssyncset.done $0x0;
	s20 =	sshll.u32 s19, $0xE  }
0x55: {  	[sflag:s4] =	ssyncadd.s32 $0xFFFFC000;
	s20 =	sor.u32 $0x40, s20  }
0x56: {  	s19 =	smul.u32 $0x10200, s19;
	v0 =	vld [tilespmem:s20+$0x30]  }
0x57: {  	v1 =	vld [tilespmem:s20+$0xFFFFFFD0]  }
0x58: {  	s19 =	sshrl.u32 s19, $0x2;
	v5 =	vld [tilespmem:s20+$0xFFFFFFE0]  }
0x59: {  	v6 =	vld [tilespmem:s20+$0xFFFFFFF0];
	s22 =	sor.u32 $0x8000, s19  }
0x5a: {  	s31 =	sand.u32 $0x1, s15;
	v4 =	vld [tilespmem:s20+$0x0];
	s21 =	sadd.s32 $0x0, s22  }
0x5b: {  	v3 =	vld [tilespmem:s20+$0x10];
	s19 =	smul.u32 $0x10200, s31;
	[tilespmem:s21+$0x3870 ss:$0x81] =	vst.msk $0xffff, v0  }
0x5c: {  	v2 =	vld [tilespmem:s20+$0x20];
	[tilespmem:s21+$0x810 ss:$0x81] =	vst.msk $0xffff, v1  }
0x5d: {  	s19 =	sshrl.u32 s19, $0x2;
	v1 =	vld [tilespmem:s20+$0xFFFFFFC0];
	[tilespmem:s21+$0x1020 ss:$0x81] =	vst.msk $0xffff, v5;
	s20 =	sadd.s32 $0x80, s20  }
0x5e: {  	s23 =	simm.s32 $0x4;
	s24 =	simm.s32 $0x8;
	s19 =	sor.u32 $0x8000, s19;
	[tilespmem:s21+$0x1830 ss:$0x81] =	vst.msk $0xffff, v6;
	v0 =	vld [tilespmem:s20+$0x30]  }
.LBB1_3:
0x5f: {  	p1 =	sne.s32 s24, $0x1FC;
	v5 =	vld [tilespmem:s20+$0xFFFFFFD0];
	[tilespmem:s21+$0x2040 ss:$0x81] =	vst.msk $0xffff, v4  }
0x60: {  	v6 =	vld [tilespmem:s20+$0xFFFFFFE0];
	[tilespmem:s21+$0x2850 ss:$0x81] =	vst.msk $0xffff, v3  }
0x61: {  	s25 =	sshra.s32 s23, $0x2;
	s23 =	smov.u32 s24;
	v7 =	vld [tilespmem:s20+$0xFFFFFFF0];
	[tilespmem:s21+$0x3060 ss:$0x81] =	vst.msk $0xffff, v2  }
.Ltmp3:
0x62: {  	v4 =	vld [tilespmem:s20+$0x0];
	[tilespmem:s21+$0x0 ss:$0x81] =	vst.msk $0xffff, v1;
	s21 =	sadd.s32 s25, s22;
	(pc) =	sbr.rel @p1 .LBB1_3-.Ltmp3, $4  }
0x63: {  	v3 =	vld [tilespmem:s20+$0x10];
	[tilespmem:s21+$0x3870 ss:$0x81] =	vst.msk $0xffff, v0  }
0x64: {  	[tilespmem:s21+$0x810 ss:$0x81] =	vst.msk $0xffff, v5;
	v2 =	vld [tilespmem:s20+$0x20]  }
0x65: {  	v1 =	vld [tilespmem:s20+$0xFFFFFFC0];
	[tilespmem:s21+$0x1020 ss:$0x81] =	vst.msk $0xffff, v6;
	s20 =	sadd.s32 $0x80, s20  }
0x66: {  	s24 =	sadd.s32 $0x4, s24;
	v0 =	vld [tilespmem:s20+$0x30];
	[tilespmem:s21+$0x1830 ss:$0x81] =	vst.msk $0xffff, v7  }
.Ltmp4:
0x67: {  	_ = 	snop;
	(pc) =	sbr.rel .LBB1_4-.Ltmp4, $1  }
0x68: {  	_ =	sdelay $0x3  }
.LBB1_6:
0x69: {  	_ =	sfence.sel $0x180000  }
0x6a: {  	s2 =	simm.s32 $0x1;
	[bflag:$0x0] =	sbarrier.arrive $0xFFFF  }
0x6b: {  	s31 =	simm.s32 $0x2;
	[sflag:s2] =	ssyncpa.u1 $0x1  }
0x6c: {  	[sflag:s31] =	ssyncpa.u1 $0x1  }
0x6d: {  	p0 =	sne.s32 s0, $0x0;
	_ =	strace $0x9000004A  }
0x6e: {  	s0 =	sadd.s32 @!p0 $0x100000, s1;
	[bflag:$0x2] =	sbarrier.arrive $0xFFFF  }
0x6f: {  	[sflag:s0] =	ssyncadd.tile.s32 @!p0 $0x1;
	_ =	shalt  }
.Lfunc_end1:
_tile_overlayer_lowered:
.L_overlay_start_2:
0x70: {  	(tag) =	ssettag $0x2  }
0x71: {  	s0 =	rddreg [dreg:$0x0];
	s2 =	stileid.u32  }
0x72: {  	s1 =	rddreg [dreg:$0x1];
	p0 =	sne.s32 s2, $0x0  }
0x73: {  	s3 =	rddreg [dreg:$0x2];
	[bflag:$0x3] =	sbarrier.arrive $0xFFFF;
	s2 =	simm.s32 @!p0 $0x1C01  }
0x74: {  	[timem:s3], [sflag:s2] =	dma.local @!p0 [hbm:s0], s1  }
0x75: {  	s0 =	simm.s32 @!p0 $0x1  }
0x76: {  	_ =	swait.ge @!p0 [sflag:s0], s1  }
0x77: {  	s1 =	ssub.s32 @!p0 $0x0, s1;
	[sflag:s0] =	ssyncset.done @!p0 $0x0  }
0x78: {  	[sflag:s0] =	ssyncadd.s32 @!p0 s1  }
0x79: {  	[bflag:$0x3] =	sbarrier.arrive $0xFFFF  }
0x7a: {  	_ =	shalt  }

</sc_bundles>
